<compile_context>
chip_gen: v7x
topology: tpu7x:2x2x1
jax: 0.10.2.dev20260603
libtpu: 0.0.44.dev20260713+nightly
codegen_flags: <defaults>
</compile_context>

<pallas_src>
import functools

import jax
import jax.numpy as jnp
from jax import lax
from jax.experimental import pallas as pl
from jax.experimental.pallas import tpu as pltpu
from jax.experimental.pallas import tpu_sc as plsc

N_NODES = 10000
D = 128
CW = D // 2
NC = 2
NS = 16
NW = NC * NS
L = 16
E = 320000
C = 128
EPW = E // NS
NCH = -(-EPW // C)
EPT = NCH * C
EPWD = E // NW
NCHD = -(-EPWD // C)
EPTD = NCHD * C
NPAD = 10240
RPT = NPAD // NS
KB = RPT // C

_MESH = plsc.VectorSubcoreMesh(core_axis_name="c", subcore_axis_name="s")


RING = 4


def _make_agg(with_deg):
  out_type = [jax.ShapeDtypeStruct((NC, NPAD, CW), jnp.float32)]
  scratch = (
      [pltpu.VMEM((NCH, C), jnp.int32),
       pltpu.VMEM((NCH, C), jnp.int32)]
      + [pltpu.VMEM((C, CW), jnp.float32)] * RING
      + [pltpu.VMEM_SHARED((NPAD, CW), jnp.float32)]
      + [pltpu.SemaphoreType.DMA] * (RING + 2)
  )
  if with_deg:
    out_type.append(jax.ShapeDtypeStruct((NC, NS, NPAD), jnp.float32))
    scratch.append(pltpu.VMEM((NPAD,), jnp.float32))

  def body(hh_hbm, src_hbm, dst_hbm, zrows_hbm, *rest):
    if with_deg:
      (zdeg_hbm, acc_out, deg_out, srcs_v, dsts_v, *rest2) = rest
      deg_v = rest2[-1]
      rest2 = rest2[:-1]
    else:
      (acc_out, srcs_v, dsts_v, *rest2) = rest
    rows = tuple(rest2[:RING])
    acc_sh = rest2[RING]
    gsem = tuple(rest2[RING + 1:RING + 1 + RING])
    ssem = tuple(rest2[RING + 1 + RING:])
    cid = lax.axis_index("c")
    sid = lax.axis_index("s")
    base = sid * RPT
    one = jnp.ones((L,), jnp.float32)

    h_me = hh_hbm.at[cid]

    def gather(i, b, sem):
      pltpu.async_copy(h_me.at[srcs_v.at[i]], rows[b], sem)

    def gather_wait(i, b, sem):
      pltpu.make_async_copy(h_me.at[srcs_v.at[i]], rows[b], sem).wait()

    def scatter(i, b, sem):
      pltpu.async_copy(rows[b], acc_sh.at[dsts_v.at[i]], sem, add=True)

    def scatter_wait(i, b, sem):
      pltpu.make_async_copy(rows[b], acc_sh.at[dsts_v.at[i]], sem).wait()

    def hist(i, par):
      if with_deg:
        @pl.when(cid == par)
        def _():
          for g in range(C // L):
            idx = dsts_v[i, pl.ds(g * L, L)]
            plsc.addupdate_scatter(deg_v, [idx], one)

    pltpu.sync_copy(src_hbm.at[sid], srcs_v)
    pltpu.sync_copy(dst_hbm.at[sid], dsts_v)
    pltpu.sync_copy(zrows_hbm, acc_sh.at[pl.ds(base, RPT)])
    if with_deg:
      pltpu.sync_copy(zdeg_hbm, deg_v)
    plsc.subcore_barrier()

    for b in range(RING - 1):
      gather(b, b, gsem[b])
    gather_wait(0, 0, gsem[0])
    scatter(0, 0, ssem[0])
    gather(RING - 1, RING - 1, gsem[RING - 1])
    hist(0, 0)

    @pl.loop(1, NCH - (RING - 1))
    def _(i):
      for b in range(RING):
        @pl.when(lax.rem(i, RING) == b)
        def _():
          gather_wait(i, b, gsem[b])
          scatter(i, b, ssem[b % 2])
          scatter_wait(i - 1, (b - 1) % RING, ssem[(b + 1) % 2])
          gather(i + RING - 1, (b - 1) % RING, gsem[(b - 1) % RING])
          hist(i, b % 2)

    b_last = (NCH - RING) % RING
    scatter_wait(NCH - RING, b_last, ssem[(NCH - RING) % 2])
    for i in range(NCH - (RING - 1), NCH):
      b = i % RING
      gather_wait(i, b, gsem[b])
      pltpu.sync_copy(rows[b], acc_sh.at[dsts_v.at[i]], add=True)
      hist(i, (i % RING) % 2)

    plsc.subcore_barrier()
    pltpu.sync_copy(acc_sh.at[pl.ds(base, RPT)],
                    acc_out.at[cid, pl.ds(base, RPT)])
    if with_deg:
      pltpu.sync_copy(deg_v, deg_out.at[cid, sid])

  return pl.kernel(
      body, out_type=out_type, mesh=_MESH, scratch_types=scratch,
      compiler_params=pltpu.CompilerParams(
          use_tc_tiling_on_sc=False,
          needs_layout_passes=not with_deg))


_agg = _make_agg(False)
_agg_deg = _make_agg(True)


BM = 1000


def _tc1_body(h_ref, a0_ref, a1_ref, dg_ref, ws_ref, wn_ref, b_ref, o_ref):
  deg = jnp.sum(dg_ref[...], axis=1, keepdims=True)
  hn = (jnp.concatenate([a0_ref[...], a1_ref[...]], axis=1)
        / jnp.maximum(deg, 1.0))
  o = (jnp.dot(h_ref[...], ws_ref[...], preferred_element_type=jnp.float32)
       + jnp.dot(hn, wn_ref[...], preferred_element_type=jnp.float32)
       + b_ref[...])
  o = jnp.maximum(o, 0.0)
  o_ref[0] = o[:, :CW]
  o_ref[1] = o[:, CW:]


def _tc_layer1(x, a0, a1, degT, W_self, W_neigh, b):
  grid = (N_NODES // BM,)
  row = pl.BlockSpec((BM, D), lambda i: (i, 0))
  half = pl.BlockSpec((BM, CW), lambda i: (i, 0))
  deg = pl.BlockSpec((BM, NW), lambda i: (i, 0))
  full = pl.BlockSpec((D, D), lambda i: (0, 0))
  bias = pl.BlockSpec((1, D), lambda i: (0, 0))
  return pl.pallas_call(
      _tc1_body,
      grid=grid,
      in_specs=[row, half, half, deg, full, full, bias],
      out_specs=pl.BlockSpec((2, BM, CW), lambda i: (0, i, 0)),
      out_shape=jax.ShapeDtypeStruct((2, N_NODES, CW), jnp.float32),
  )(x, a0, a1, degT, W_self, W_neigh, b.reshape(1, D))


def _tc2_body(hh_ref, a0_ref, a1_ref, dg_ref, ws_ref, wn_ref, b_ref, o_ref):
  deg = jnp.sum(dg_ref[...], axis=1, keepdims=True)
  h = jnp.concatenate([hh_ref[0], hh_ref[1]], axis=1)
  hn = (jnp.concatenate([a0_ref[...], a1_ref[...]], axis=1)
        / jnp.maximum(deg, 1.0))
  o_ref[...] = (
      jnp.dot(h, ws_ref[...], preferred_element_type=jnp.float32)
      + jnp.dot(hn, wn_ref[...], preferred_element_type=jnp.float32)
      + b_ref[...])


def _tc_layer2(hh, a0, a1, degT, W_self, W_neigh, b):
  grid = (N_NODES // BM,)
  row = pl.BlockSpec((BM, D), lambda i: (i, 0))
  half = pl.BlockSpec((BM, CW), lambda i: (i, 0))
  deg = pl.BlockSpec((BM, NW), lambda i: (i, 0))
  full = pl.BlockSpec((D, D), lambda i: (0, 0))
  bias = pl.BlockSpec((1, D), lambda i: (0, 0))
  return pl.pallas_call(
      _tc2_body,
      grid=grid,
      in_specs=[pl.BlockSpec((2, BM, CW), lambda i: (0, i, 0)),
                half, half, deg, full, full, bias],
      out_specs=row,
      out_shape=jax.ShapeDtypeStruct((N_NODES, D), jnp.float32),
  )(hh, a0, a1, degT, W_self, W_neigh, b.reshape(1, D))


def _pad_edges(a, fill, parts, ept):
  epw = E // parts
  a2 = a.reshape(parts, epw)
  a2 = jnp.pad(a2, ((0, 0), (0, ept - epw)), constant_values=fill)
  return a2.reshape(parts, ept // C, C)


def kernel(x, edge_index, W_self1, W_neigh1, b1, W_self2, W_neigh2, b2):
  src_i = edge_index[0].astype(jnp.int32)
  dst_i = edge_index[1].astype(jnp.int32)
  srcA = _pad_edges(src_i, 0, NS, EPT)
  dstA = _pad_edges(dst_i, N_NODES, NS, EPT)
  zrows = jnp.zeros((RPT, CW), jnp.float32)
  zdegv = jnp.zeros((NPAD,), jnp.float32)
  xh = jnp.stack([x[:, :CW], x[:, CW:]])

  acc1, degp = _agg_deg(xh, srcA, dstA, zrows, zdegv)
  degT = degp.reshape(NW, NPAD).T
  hh = _tc_layer1(x, acc1[0], acc1[1], degT, W_self1, W_neigh1, b1)

  (acc2,) = _agg(hh, srcA, dstA, zrows)
  return _tc_layer2(hh, acc2[0], acc2[1], degT, W_self2, W_neigh2, b2)

# --- scband reference (transcript-rebuilt; emitter-appended) ---
"""Pipeline reference for scband-dglsage-20444044329560 (READ-ONLY COPY).

The authoritative reference and input builder live on the scoring server;
editing this copy changes nothing except your own understanding.
"""

import jax, jax.numpy as jnp
import numpy as np

N_NODES = 10000
N_EDGES = 320000
D_IN = 128
D_HID = 128
D_OUT = 128

def setup_inputs(seed: int = 0) -> dict:
    key = jax.random.key(seed)
    ks = jax.random.split(key, 8)
    x = jax.random.normal(ks[0], (N_NODES, D_IN), dtype=jnp.float32)
    edge_index = jax.random.randint(ks[1], (2, N_EDGES), 0, N_NODES, dtype=jnp.int64)
    s = 1.0 / np.sqrt(D_IN)
    W_self1 = jax.random.uniform(ks[2], (D_IN, D_HID), dtype=jnp.float32, minval=-s, maxval=s)
    W_neigh1 = jax.random.uniform(ks[3], (D_IN, D_HID), dtype=jnp.float32, minval=-s, maxval=s)
    b1 = jnp.zeros((D_HID,), dtype=jnp.float32)
    s2 = 1.0 / np.sqrt(D_HID)
    W_self2 = jax.random.uniform(ks[4], (D_HID, D_OUT), dtype=jnp.float32, minval=-s2, maxval=s2)
    W_neigh2 = jax.random.uniform(ks[5], (D_HID, D_OUT), dtype=jnp.float32, minval=-s2, maxval=s2)
    b2 = jnp.zeros((D_OUT,), dtype=jnp.float32)
    return {"x": x, "edge_index": edge_index, "W_self1": W_self1, "W_neigh1": W_neigh1, "b1": b1, "W_self2": W_self2, "W_neigh2": W_neigh2, "b2": b2}

def _sage_layer(h, edge_index, W_self, W_neigh, b):
    # DGL SAGEConv with 'mean' aggregator: fc_self(h_dst) + fc_neigh(mean_{src in N(dst)} h_src) + bias
    src = edge_index[0]
    dst = edge_index[1]
    n = h.shape[0]
    msg = jnp.take(h, src, axis=0)                      # gather (SparseCore)
    agg = jax.ops.segment_sum(msg, dst, num_segments=n) # scatter-add
    deg = jax.ops.segment_sum(jnp.ones((src.shape[0],), dtype=h.dtype), dst, num_segments=n)
    h_neigh = agg / jnp.maximum(deg, 1.0)[:, None]
    return h @ W_self + h_neigh @ W_neigh + b

def reference(x, edge_index, W_self1, W_neigh1, b1, W_self2, W_neigh2, b2):
    h = _sage_layer(x, edge_index, W_self1, W_neigh1, b1)
    h = jax.nn.relu(h)
    # dropout p=0.0 -> identity
    out = _sage_layer(h, edge_index, W_self2, W_neigh2, b2)
    return out

if __name__ == "__main__":
    import jax
    _d = setup_inputs()
    print(jax.jit(kernel)(*tuple(_d.values())))

</pallas_src>

<mosaic_0001>
#map = affine_map<(d0, d1) -> (0, 0, 0)>
#map1 = affine_map<(d0, d1) -> (0, 0)>
module attributes {stable_mosaic.version = 14 : i64} {
  func.func @body(%arg0: i32, %arg1: i32, %arg2: memref<2x10000x64xf32, #tpu.memory_space<hbm>>, %arg3: memref<16x157x128xi32, #tpu.memory_space<hbm>>, %arg4: memref<16x157x128xi32, #tpu.memory_space<hbm>>, %arg5: memref<640x64xf32, #tpu.memory_space<hbm>>, %arg6: memref<2x10240x64xf32, #tpu.memory_space<hbm>>, %arg7: memref<157x128xi32, #tpu.memory_space<vmem>>, %arg8: memref<157x128xi32, #tpu.memory_space<vmem>>, %arg9: memref<128x64xf32, #tpu.memory_space<vmem>>, %arg10: memref<128x64xf32, #tpu.memory_space<vmem>>, %arg11: memref<128x64xf32, #tpu.memory_space<vmem>>, %arg12: memref<128x64xf32, #tpu.memory_space<vmem>>, %arg13: memref<10240x64xf32, #tpu.memory_space<vmem_shared>>, %arg14: memref<!tpu.dma_semaphore, #tpu.memory_space<semaphore_mem>>, %arg15: memref<!tpu.dma_semaphore, #tpu.memory_space<semaphore_mem>>, %arg16: memref<!tpu.dma_semaphore, #tpu.memory_space<semaphore_mem>>, %arg17: memref<!tpu.dma_semaphore, #tpu.memory_space<semaphore_mem>>, %arg18: memref<!tpu.dma_semaphore, #tpu.memory_space<semaphore_mem>>, %arg19: memref<!tpu.dma_semaphore, #tpu.memory_space<semaphore_mem>>) attributes {dimension_semantics = [#tpu.dimension_semantics<core_parallel>, #tpu.dimension_semantics<subcore_parallel>], iteration_bounds = array<i64: 2, 16>, scalar_prefetch = 0 : i64, scratch_operands = 13 : i64, tpu.core_type = #tpu.core_type<sc_vector_subcore>, window_params = [{transform_indices = #map}, {transform_indices = #map}, {transform_indices = #map}, {transform_indices = #map1}, {transform_indices = #map}]} {
    %mul3A = arith.constant 640 : i32
    %mul3A_0 = arith.muli %arg1, %mul3A : i32
    %broadcast_in_dim3A = arith.constant 1.000000e+00 : f32
    %broadcast_in_dim3A_1 = vector.broadcast %broadcast_in_dim3A : f32 to vector<16xf32>
    "tpu.region"() ({
      %run_scoped3A_109 = tpu.sem_alloc : memref<!tpu.dma_semaphore, #tpu.memory_space<semaphore_mem>>
      %dma_start3A_110 = arith.constant 0 : i32
      %dma_start3A_111 = arith.constant 0 : i32
      %dma_start3A_112 = tpu.memref_slice %arg3[%arg1, %dma_start3A_110, %dma_start3A_111] : memref<16x157x128xi32, #tpu.memory_space<hbm>> -> memref<1x157x128xi32, #tpu.memory_space<hbm>>
      %dma_start3A_113 = tpu.memref_squeeze %dma_start3A_112 : memref<1x157x128xi32, #tpu.memory_space<hbm>> -> memref<157x128xi32, #tpu.memory_space<hbm>>
      %dma_start3A_114 = arith.constant 0 : i32
      %dma_start3A_115 = arith.constant 0 : i32
      %dma_start3A_116 = tpu.memref_slice %arg3[%arg1, %dma_start3A_114, %dma_start3A_115] : memref<16x157x128xi32, #tpu.memory_space<hbm>> -> memref<1x157x128xi32, #tpu.memory_space<hbm>>
      %dma_start3A_117 = tpu.memref_squeeze %dma_start3A_116 : memref<1x157x128xi32, #tpu.memory_space<hbm>> -> memref<157x128xi32, #tpu.memory_space<hbm>>
      tpu.enqueue_dma source(%dma_start3A_117 : memref<157x128xi32, #tpu.memory_space<hbm>>) target(%arg7 : memref<157x128xi32, #tpu.memory_space<vmem>>) target_semaphore(%run_scoped3A_109 : memref<!tpu.dma_semaphore, #tpu.memory_space<semaphore_mem>>)
      %dma_wait3A_118 = arith.constant 0 : i32
      %dma_wait3A_119 = arith.constant 0 : i32
      %dma_wait3A_120 = tpu.memref_slice %arg3[%arg1, %dma_wait3A_118, %dma_wait3A_119] : memref<16x157x128xi32, #tpu.memory_space<hbm>> -> memref<1x157x128xi32, #tpu.memory_space<hbm>>
      %dma_wait3A_121 = tpu.memref_squeeze %dma_wait3A_120 : memref<1x157x128xi32, #tpu.memory_space<hbm>> -> memref<157x128xi32, #tpu.memory_space<hbm>>
      %dma_wait3A_122 = arith.constant 0 : i32
      %dma_wait3A_123 = arith.constant 0 : i32
      %dma_wait3A_124 = tpu.memref_slice %arg3[%arg1, %dma_wait3A_122, %dma_wait3A_123] : memref<16x157x128xi32, #tpu.memory_space<hbm>> -> memref<1x157x128xi32, #tpu.memory_space<hbm>>
      %dma_wait3A_125 = tpu.memref_squeeze %dma_wait3A_124 : memref<1x157x128xi32, #tpu.memory_space<hbm>> -> memref<157x128xi32, #tpu.memory_space<hbm>>
      tpu.wait_dma2 semaphore(%run_scoped3A_109 : memref<!tpu.dma_semaphore, #tpu.memory_space<semaphore_mem>>) src(%dma_wait3A_125 : memref<157x128xi32, #tpu.memory_space<hbm>>) dst(%arg7 : memref<157x128xi32, #tpu.memory_space<vmem>>)
      tpu.yield
    }) : () -> ()
    "tpu.region"() ({
      %run_scoped3A_109 = tpu.sem_alloc : memref<!tpu.dma_semaphore, #tpu.memory_space<semaphore_mem>>
      %dma_start3A_110 = arith.constant 0 : i32
      %dma_start3A_111 = arith.constant 0 : i32
      %dma_start3A_112 = tpu.memref_slice %arg4[%arg1, %dma_start3A_110, %dma_start3A_111] : memref<16x157x128xi32, #tpu.memory_space<hbm>> -> memref<1x157x128xi32, #tpu.memory_space<hbm>>
      %dma_start3A_113 = tpu.memref_squeeze %dma_start3A_112 : memref<1x157x128xi32, #tpu.memory_space<hbm>> -> memref<157x128xi32, #tpu.memory_space<hbm>>
      %dma_start3A_114 = arith.constant 0 : i32
      %dma_start3A_115 = arith.constant 0 : i32
      %dma_start3A_116 = tpu.memref_slice %arg4[%arg1, %dma_start3A_114, %dma_start3A_115] : memref<16x157x128xi32, #tpu.memory_space<hbm>> -> memref<1x157x128xi32, #tpu.memory_space<hbm>>
      %dma_start3A_117 = tpu.memref_squeeze %dma_start3A_116 : memref<1x157x128xi32, #tpu.memory_space<hbm>> -> memref<157x128xi32, #tpu.memory_space<hbm>>
      tpu.enqueue_dma source(%dma_start3A_117 : memref<157x128xi32, #tpu.memory_space<hbm>>) target(%arg8 : memref<157x128xi32, #tpu.memory_space<vmem>>) target_semaphore(%run_scoped3A_109 : memref<!tpu.dma_semaphore, #tpu.memory_space<semaphore_mem>>)
      %dma_wait3A_118 = arith.constant 0 : i32
      %dma_wait3A_119 = arith.constant 0 : i32
      %dma_wait3A_120 = tpu.memref_slice %arg4[%arg1, %dma_wait3A_118, %dma_wait3A_119] : memref<16x157x128xi32, #tpu.memory_space<hbm>> -> memref<1x157x128xi32, #tpu.memory_space<hbm>>
      %dma_wait3A_121 = tpu.memref_squeeze %dma_wait3A_120 : memref<1x157x128xi32, #tpu.memory_space<hbm>> -> memref<157x128xi32, #tpu.memory_space<hbm>>
      %dma_wait3A_122 = arith.constant 0 : i32
      %dma_wait3A_123 = arith.constant 0 : i32
      %dma_wait3A_124 = tpu.memref_slice %arg4[%arg1, %dma_wait3A_122, %dma_wait3A_123] : memref<16x157x128xi32, #tpu.memory_space<hbm>> -> memref<1x157x128xi32, #tpu.memory_space<hbm>>
      %dma_wait3A_125 = tpu.memref_squeeze %dma_wait3A_124 : memref<1x157x128xi32, #tpu.memory_space<hbm>> -> memref<157x128xi32, #tpu.memory_space<hbm>>
      tpu.wait_dma2 semaphore(%run_scoped3A_109 : memref<!tpu.dma_semaphore, #tpu.memory_space<semaphore_mem>>) src(%dma_wait3A_125 : memref<157x128xi32, #tpu.memory_space<hbm>>) dst(%arg8 : memref<157x128xi32, #tpu.memory_space<vmem>>)
      tpu.yield
    }) : () -> ()
    "tpu.region"() ({
      %run_scoped3A_109 = tpu.sem_alloc : memref<!tpu.dma_semaphore, #tpu.memory_space<semaphore_mem>>
      %dma_start3A_110 = arith.constant 0 : i32
      %dma_start3A_111 = tpu.memref_slice %arg13[%mul3A_0, %dma_start3A_110] : memref<10240x64xf32, #tpu.memory_space<vmem_shared>> -> memref<640x64xf32, #tpu.memory_space<vmem_shared>>
      tpu.enqueue_dma source(%arg5 : memref<640x64xf32, #tpu.memory_space<hbm>>) target(%dma_start3A_111 : memref<640x64xf32, #tpu.memory_space<vmem_shared>>) target_semaphore(%run_scoped3A_109 : memref<!tpu.dma_semaphore, #tpu.memory_space<semaphore_mem>>)
      %dma_wait3A_112 = arith.constant 0 : i32
      %dma_wait3A_113 = tpu.memref_slice %arg13[%mul3A_0, %dma_wait3A_112] : memref<10240x64xf32, #tpu.memory_space<vmem_shared>> -> memref<640x64xf32, #tpu.memory_space<vmem_shared>>
      tpu.wait_dma2 semaphore(%run_scoped3A_109 : memref<!tpu.dma_semaphore, #tpu.memory_space<semaphore_mem>>) src(%arg5 : memref<640x64xf32, #tpu.memory_space<hbm>>) dst(%dma_wait3A_113 : memref<640x64xf32, #tpu.memory_space<vmem_shared>>)
      tpu.yield
    }) : () -> ()
    %barrier3A = arith.constant 0 : index
    tpu.barrier barrier_id(%barrier3A)
    %dma_start3A = arith.constant 0 : i32
    %dma_start3A_2 = arith.constant 0 : i32
    %dma_start3A_3 = tpu.memref_slice %arg7[%dma_start3A, %dma_start3A_2] : memref<157x128xi32, #tpu.memory_space<vmem>> -> memref<1x128xi32, #tpu.memory_space<vmem>>
    %dma_start3A_4 = tpu.memref_squeeze %dma_start3A_3 : memref<1x128xi32, #tpu.memory_space<vmem>> -> memref<128xi32, #tpu.memory_space<vmem>>
    %dma_start3A_5 = arith.constant 0 : i32
    %dma_start3A_6 = arith.constant 0 : i32
    %dma_start3A_7 = tpu.memref_slice %arg2[%arg0, %dma_start3A_5, %dma_start3A_6] : memref<2x10000x64xf32, #tpu.memory_space<hbm>> -> memref<1x10000x64xf32, #tpu.memory_space<hbm>>
    %dma_start3A_8 = tpu.memref_squeeze %dma_start3A_7 : memref<1x10000x64xf32, #tpu.memory_space<hbm>> -> memref<10000x64xf32, #tpu.memory_space<hbm>>
    %dma_start3A_9 = arith.constant 0 : i32
    %dma_start3A_10 = arith.constant 0 : i32
    %dma_start3A_11 = tpu.memref_slice %dma_start3A_8[%dma_start3A_9, %dma_start3A_10] : memref<10000x64xf32, #tpu.memory_space<hbm>> -> memref<10000x64xf32, #tpu.memory_space<hbm>>
    tpu.enqueue_indirect_dma source(%dma_start3A_11 : memref<10000x64xf32, #tpu.memory_space<hbm>>) target(%arg9 : memref<128x64xf32, #tpu.memory_space<vmem>>) offsets(%dma_start3A_4 : memref<128xi32, #tpu.memory_space<vmem>>) semaphore(%arg14 : memref<!tpu.dma_semaphore, #tpu.memory_space<semaphore_mem>>)
    %dma_start3A_12 = arith.constant 1 : i32
    %dma_start3A_13 = arith.constant 0 : i32
    %dma_start3A_14 = tpu.memref_slice %arg7[%dma_start3A_12, %dma_start3A_13] : memref<157x128xi32, #tpu.memory_space<vmem>> -> memref<1x128xi32, #tpu.memory_space<vmem>>
    %dma_start3A_15 = tpu.memref_squeeze %dma_start3A_14 : memref<1x128xi32, #tpu.memory_space<vmem>> -> memref<128xi32, #tpu.memory_space<vmem>>
    %dma_start3A_16 = arith.constant 0 : i32
    %dma_start3A_17 = arith.constant 0 : i32
    %dma_start3A_18 = tpu.memref_slice %arg2[%arg0, %dma_start3A_16, %dma_start3A_17] : memref<2x10000x64xf32, #tpu.memory_space<hbm>> -> memref<1x10000x64xf32, #tpu.memory_space<hbm>>
    %dma_start3A_19 = tpu.memref_squeeze %dma_start3A_18 : memref<1x10000x64xf32, #tpu.memory_space<hbm>> -> memref<10000x64xf32, #tpu.memory_space<hbm>>
    %dma_start3A_20 = arith.constant 0 : i32
    %dma_start3A_21 = arith.constant 0 : i32
    %dma_start3A_22 = tpu.memref_slice %dma_start3A_19[%dma_start3A_20, %dma_start3A_21] : memref<10000x64xf32, #tpu.memory_space<hbm>> -> memref<10000x64xf32, #tpu.memory_space<hbm>>
    tpu.enqueue_indirect_dma source(%dma_start3A_22 : memref<10000x64xf32, #tpu.memory_space<hbm>>) target(%arg10 : memref<128x64xf32, #tpu.memory_space<vmem>>) offsets(%dma_start3A_15 : memref<128xi32, #tpu.memory_space<vmem>>) semaphore(%arg15 : memref<!tpu.dma_semaphore, #tpu.memory_space<semaphore_mem>>)
    %dma_start3A_23 = arith.constant 2 : i32
    %dma_start3A_24 = arith.constant 0 : i32
    %dma_start3A_25 = tpu.memref_slice %arg7[%dma_start3A_23, %dma_start3A_24] : memref<157x128xi32, #tpu.memory_space<vmem>> -> memref<1x128xi32, #tpu.memory_space<vmem>>
    %dma_start3A_26 = tpu.memref_squeeze %dma_start3A_25 : memref<1x128xi32, #tpu.memory_space<vmem>> -> memref<128xi32, #tpu.memory_space<vmem>>
    %dma_start3A_27 = arith.constant 0 : i32
    %dma_start3A_28 = arith.constant 0 : i32
    %dma_start3A_29 = tpu.memref_slice %arg2[%arg0, %dma_start3A_27, %dma_start3A_28] : memref<2x10000x64xf32, #tpu.memory_space<hbm>> -> memref<1x10000x64xf32, #tpu.memory_space<hbm>>
    %dma_start3A_30 = tpu.memref_squeeze %dma_start3A_29 : memref<1x10000x64xf32, #tpu.memory_space<hbm>> -> memref<10000x64xf32, #tpu.memory_space<hbm>>
    %dma_start3A_31 = arith.constant 0 : i32
    %dma_start3A_32 = arith.constant 0 : i32
    %dma_start3A_33 = tpu.memref_slice %dma_start3A_30[%dma_start3A_31, %dma_start3A_32] : memref<10000x64xf32, #tpu.memory_space<hbm>> -> memref<10000x64xf32, #tpu.memory_space<hbm>>
    tpu.enqueue_indirect_dma source(%dma_start3A_33 : memref<10000x64xf32, #tpu.memory_space<hbm>>) target(%arg11 : memref<128x64xf32, #tpu.memory_space<vmem>>) offsets(%dma_start3A_26 : memref<128xi32, #tpu.memory_space<vmem>>) semaphore(%arg16 : memref<!tpu.dma_semaphore, #tpu.memory_space<semaphore_mem>>)
    %dma_wait3A = arith.constant 0 : i32
    %dma_wait3A_34 = arith.constant 0 : i32
    %dma_wait3A_35 = tpu.memref_slice %arg7[%dma_wait3A, %dma_wait3A_34] : memref<157x128xi32, #tpu.memory_space<vmem>> -> memref<1x128xi32, #tpu.memory_space<vmem>>
    %dma_wait3A_36 = tpu.memref_squeeze %dma_wait3A_35 : memref<1x128xi32, #tpu.memory_space<vmem>> -> memref<128xi32, #tpu.memory_space<vmem>>
    %dma_wait3A_37 = arith.constant 0 : i32
    %dma_wait3A_38 = arith.constant 0 : i32
    %dma_wait3A_39 = tpu.memref_slice %arg2[%arg0, %dma_wait3A_37, %dma_wait3A_38] : memref<2x10000x64xf32, #tpu.memory_space<hbm>> -> memref<1x10000x64xf32, #tpu.memory_space<hbm>>
    %dma_wait3A_40 = tpu.memref_squeeze %dma_wait3A_39 : memref<1x10000x64xf32, #tpu.memory_space<hbm>> -> memref<10000x64xf32, #tpu.memory_space<hbm>>
    %dma_wait3A_41 = arith.constant 0 : i32
    %dma_wait3A_42 = arith.constant 0 : i32
    %dma_wait3A_43 = tpu.memref_slice %dma_wait3A_40[%dma_wait3A_41, %dma_wait3A_42] : memref<10000x64xf32, #tpu.memory_space<hbm>> -> memref<10000x64xf32, #tpu.memory_space<hbm>>
    tpu.wait_indirect_dma semaphore(%arg14 : memref<!tpu.dma_semaphore, #tpu.memory_space<semaphore_mem>>) src(%dma_wait3A_43 : memref<10000x64xf32, #tpu.memory_space<hbm>>) dst(%arg9 : memref<128x64xf32, #tpu.memory_space<vmem>>)
    %dma_start3A_44 = arith.constant 0 : i32
    %dma_start3A_45 = arith.constant 0 : i32
    %dma_start3A_46 = tpu.memref_slice %arg8[%dma_start3A_44, %dma_start3A_45] : memref<157x128xi32, #tpu.memory_space<vmem>> -> memref<1x128xi32, #tpu.memory_space<vmem>>
    %dma_start3A_47 = tpu.memref_squeeze %dma_start3A_46 : memref<1x128xi32, #tpu.memory_space<vmem>> -> memref<128xi32, #tpu.memory_space<vmem>>
    %dma_start3A_48 = arith.constant 0 : i32
    %dma_start3A_49 = arith.constant 0 : i32
    %dma_start3A_50 = tpu.memref_slice %arg13[%dma_start3A_48, %dma_start3A_49] : memref<10240x64xf32, #tpu.memory_space<vmem_shared>> -> memref<10240x64xf32, #tpu.memory_space<vmem_shared>>
    tpu.enqueue_indirect_dma source(%arg9 : memref<128x64xf32, #tpu.memory_space<vmem>>) target(%dma_start3A_50 : memref<10240x64xf32, #tpu.memory_space<vmem_shared>>) offsets(%dma_start3A_47 : memref<128xi32, #tpu.memory_space<vmem>>) semaphore(%arg18 : memref<!tpu.dma_semaphore, #tpu.memory_space<semaphore_mem>>) {add = true}
    %dma_start3A_51 = arith.constant 3 : i32
    %dma_start3A_52 = arith.constant 0 : i32
    %dma_start3A_53 = tpu.memref_slice %arg7[%dma_start3A_51, %dma_start3A_52] : memref<157x128xi32, #tpu.memory_space<vmem>> -> memref<1x128xi32, #tpu.memory_space<vmem>>
    %dma_start3A_54 = tpu.memref_squeeze %dma_start3A_53 : memref<1x128xi32, #tpu.memory_space<vmem>> -> memref<128xi32, #tpu.memory_space<vmem>>
    %dma_start3A_55 = arith.constant 0 : i32
    %dma_start3A_56 = arith.constant 0 : i32
    %dma_start3A_57 = tpu.memref_slice %arg2[%arg0, %dma_start3A_55, %dma_start3A_56] : memref<2x10000x64xf32, #tpu.memory_space<hbm>> -> memref<1x10000x64xf32, #tpu.memory_space<hbm>>
    %dma_start3A_58 = tpu.memref_squeeze %dma_start3A_57 : memref<1x10000x64xf32, #tpu.memory_space<hbm>> -> memref<10000x64xf32, #tpu.memory_space<hbm>>
    %dma_start3A_59 = arith.constant 0 : i32
    %dma_start3A_60 = arith.constant 0 : i32
    %dma_start3A_61 = tpu.memref_slice %dma_start3A_58[%dma_start3A_59, %dma_start3A_60] : memref<10000x64xf32, #tpu.memory_space<hbm>> -> memref<10000x64xf32, #tpu.memory_space<hbm>>
    tpu.enqueue_indirect_dma source(%dma_start3A_61 : memref<10000x64xf32, #tpu.memory_space<hbm>>) target(%arg12 : memref<128x64xf32, #tpu.memory_space<vmem>>) offsets(%dma_start3A_54 : memref<128xi32, #tpu.memory_space<vmem>>) semaphore(%arg17 : memref<!tpu.dma_semaphore, #tpu.memory_space<semaphore_mem>>)
    %scan3A = arith.constant 0 : i32
    %scan3A_62 = arith.constant 153 : i32
    %scan3A_63 = arith.addi %scan3A, %scan3A_62 : i32
    %scan3A_64 = arith.constant 1 : i32
    scf.for %scan3A_109 = %scan3A to %scan3A_63 step %scan3A_64  : i32 {
      %mul3A_110 = arith.constant 1 : i32
      %mul3A_111 = arith.muli %scan3A_109, %mul3A_110 : i32
      %add3A = arith.constant 1 : i32
      %add3A_112 = arith.addi %add3A, %mul3A_111 : i32
      %rem3A = arith.constant 4 : i32
      %rem3A_113 = arith.remsi %add3A_112, %rem3A : i32
      %eq3A = arith.constant 0 : i32
      %eq3A_114 = arith.cmpi eq, %rem3A_113, %eq3A : i32
      %convert_element_type3A = arith.extui %eq3A_114 : i1 to i32
      %cond3A = arith.constant 0 : i32
      %cond3A_115 = arith.cmpi ne, %convert_element_type3A, %cond3A : i32
      scf.if %cond3A_115 {
        %dma_wait3A_137 = arith.constant 0 : i32
        %dma_wait3A_138 = tpu.memref_slice %arg7[%add3A_112, %dma_wait3A_137] : memref<157x128xi32, #tpu.memory_space<vmem>> -> memref<1x128xi32, #tpu.memory_space<vmem>>
        %dma_wait3A_139 = tpu.memref_squeeze %dma_wait3A_138 : memref<1x128xi32, #tpu.memory_space<vmem>> -> memref<128xi32, #tpu.memory_space<vmem>>
        %dma_wait3A_140 = arith.constant 0 : i32
        %dma_wait3A_141 = arith.constant 0 : i32
        %dma_wait3A_142 = tpu.memref_slice %arg2[%arg0, %dma_wait3A_140, %dma_wait3A_141] : memref<2x10000x64xf32, #tpu.memory_space<hbm>> -> memref<1x10000x64xf32, #tpu.memory_space<hbm>>
        %dma_wait3A_143 = tpu.memref_squeeze %dma_wait3A_142 : memref<1x10000x64xf32, #tpu.memory_space<hbm>> -> memref<10000x64xf32, #tpu.memory_space<hbm>>
        %dma_wait3A_144 = arith.constant 0 : i32
        %dma_wait3A_145 = arith.constant 0 : i32
        %dma_wait3A_146 = tpu.memref_slice %dma_wait3A_143[%dma_wait3A_144, %dma_wait3A_145] : memref<10000x64xf32, #tpu.memory_space<hbm>> -> memref<10000x64xf32, #tpu.memory_space<hbm>>
        tpu.wait_indirect_dma semaphore(%arg14 : memref<!tpu.dma_semaphore, #tpu.memory_space<semaphore_mem>>) src(%dma_wait3A_146 : memref<10000x64xf32, #tpu.memory_space<hbm>>) dst(%arg9 : memref<128x64xf32, #tpu.memory_space<vmem>>)
        %dma_start3A_147 = arith.constant 0 : i32
        %dma_start3A_148 = tpu.memref_slice %arg8[%add3A_112, %dma_start3A_147] : memref<157x128xi32, #tpu.memory_space<vmem>> -> memref<1x128xi32, #tpu.memory_space<vmem>>
        %dma_start3A_149 = tpu.memref_squeeze %dma_start3A_148 : memref<1x128xi32, #tpu.memory_space<vmem>> -> memref<128xi32, #tpu.memory_space<vmem>>
        %dma_start3A_150 = arith.constant 0 : i32
        %dma_start3A_151 = arith.constant 0 : i32
        %dma_start3A_152 = tpu.memref_slice %arg13[%dma_start3A_150, %dma_start3A_151] : memref<10240x64xf32, #tpu.memory_space<vmem_shared>> -> memref<10240x64xf32, #tpu.memory_space<vmem_shared>>
        tpu.enqueue_indirect_dma source(%arg9 : memref<128x64xf32, #tpu.memory_space<vmem>>) target(%dma_start3A_152 : memref<10240x64xf32, #tpu.memory_space<vmem_shared>>) offsets(%dma_start3A_149 : memref<128xi32, #tpu.memory_space<vmem>>) semaphore(%arg18 : memref<!tpu.dma_semaphore, #tpu.memory_space<semaphore_mem>>) {add = true}
        %sub3A = arith.constant 1 : i32
        %sub3A_153 = arith.subi %add3A_112, %sub3A : i32
        %dma_wait3A_154 = arith.constant 0 : i32
        %dma_wait3A_155 = tpu.memref_slice %arg8[%sub3A_153, %dma_wait3A_154] : memref<157x128xi32, #tpu.memory_space<vmem>> -> memref<1x128xi32, #tpu.memory_space<vmem>>
        %dma_wait3A_156 = tpu.memref_squeeze %dma_wait3A_155 : memref<1x128xi32, #tpu.memory_space<vmem>> -> memref<128xi32, #tpu.memory_space<vmem>>
        %dma_wait3A_157 = arith.constant 0 : i32
        %dma_wait3A_158 = arith.constant 0 : i32
        %dma_wait3A_159 = tpu.memref_slice %arg13[%dma_wait3A_157, %dma_wait3A_158] : memref<10240x64xf32, #tpu.memory_space<vmem_shared>> -> memref<10240x64xf32, #tpu.memory_space<vmem_shared>>
        tpu.wait_indirect_dma semaphore(%arg19 : memref<!tpu.dma_semaphore, #tpu.memory_space<semaphore_mem>>) src(%arg12 : memref<128x64xf32, #tpu.memory_space<vmem>>) dst(%dma_wait3A_159 : memref<10240x64xf32, #tpu.memory_space<vmem_shared>>)
        %add3A_160 = arith.constant 4 : i32
        %add3A_161 = arith.addi %add3A_112, %add3A_160 : i32
        %sub3A_162 = arith.constant 1 : i32
        %sub3A_163 = arith.subi %add3A_161, %sub3A_162 : i32
        %dma_start3A_164 = arith.constant 0 : i32
        %dma_start3A_165 = tpu.memref_slice %arg7[%sub3A_163, %dma_start3A_164] : memref<157x128xi32, #tpu.memory_space<vmem>> -> memref<1x128xi32, #tpu.memory_space<vmem>>
        %dma_start3A_166 = tpu.memref_squeeze %dma_start3A_165 : memref<1x128xi32, #tpu.memory_space<vmem>> -> memref<128xi32, #tpu.memory_space<vmem>>
        %dma_start3A_167 = arith.constant 0 : i32
        %dma_start3A_168 = arith.constant 0 : i32
        %dma_start3A_169 = tpu.memref_slice %arg2[%arg0, %dma_start3A_167, %dma_start3A_168] : memref<2x10000x64xf32, #tpu.memory_space<hbm>> -> memref<1x10000x64xf32, #tpu.memory_space<hbm>>
        %dma_start3A_170 = tpu.memref_squeeze %dma_start3A_169 : memref<1x10000x64xf32, #tpu.memory_space<hbm>> -> memref<10000x64xf32, #tpu.memory_space<hbm>>
        %dma_start3A_171 = arith.constant 0 : i32
        %dma_start3A_172 = arith.constant 0 : i32
        %dma_start3A_173 = tpu.memref_slice %dma_start3A_170[%dma_start3A_171, %dma_start3A_172] : memref<10000x64xf32, #tpu.memory_space<hbm>> -> memref<10000x64xf32, #tpu.memory_space<hbm>>
        tpu.enqueue_indirect_dma source(%dma_start3A_173 : memref<10000x64xf32, #tpu.memory_space<hbm>>) target(%arg12 : memref<128x64xf32, #tpu.memory_space<vmem>>) offsets(%dma_start3A_166 : memref<128xi32, #tpu.memory_space<vmem>>) semaphore(%arg17 : memref<!tpu.dma_semaphore, #tpu.memory_space<semaphore_mem>>)
      } else {
      }
      %rem3A_116 = arith.constant 4 : i32
      %rem3A_117 = arith.remsi %add3A_112, %rem3A_116 : i32
      %eq3A_118 = arith.constant 1 : i32
      %eq3A_119 = arith.cmpi eq, %rem3A_117, %eq3A_118 : i32
      %convert_element_type3A_120 = arith.extui %eq3A_119 : i1 to i32
      %cond3A_121 = arith.constant 0 : i32
      %cond3A_122 = arith.cmpi ne, %convert_element_type3A_120, %cond3A_121 : i32
      scf.if %cond3A_122 {
        %dma_wait3A_137 = arith.constant 0 : i32
        %dma_wait3A_138 = tpu.memref_slice %arg7[%add3A_112, %dma_wait3A_137] : memref<157x128xi32, #tpu.memory_space<vmem>> -> memref<1x128xi32, #tpu.memory_space<vmem>>
        %dma_wait3A_139 = tpu.memref_squeeze %dma_wait3A_138 : memref<1x128xi32, #tpu.memory_space<vmem>> -> memref<128xi32, #tpu.memory_space<vmem>>
        %dma_wait3A_140 = arith.constant 0 : i32
        %dma_wait3A_141 = arith.constant 0 : i32
        %dma_wait3A_142 = tpu.memref_slice %arg2[%arg0, %dma_wait3A_140, %dma_wait3A_141] : memref<2x10000x64xf32, #tpu.memory_space<hbm>> -> memref<1x10000x64xf32, #tpu.memory_space<hbm>>
        %dma_wait3A_143 = tpu.memref_squeeze %dma_wait3A_142 : memref<1x10000x64xf32, #tpu.memory_space<hbm>> -> memref<10000x64xf32, #tpu.memory_space<hbm>>
        %dma_wait3A_144 = arith.constant 0 : i32
        %dma_wait3A_145 = arith.constant 0 : i32
        %dma_wait3A_146 = tpu.memref_slice %dma_wait3A_143[%dma_wait3A_144, %dma_wait3A_145] : memref<10000x64xf32, #tpu.memory_space<hbm>> -> memref<10000x64xf32, #tpu.memory_space<hbm>>
        tpu.wait_indirect_dma semaphore(%arg15 : memref<!tpu.dma_semaphore, #tpu.memory_space<semaphore_mem>>) src(%dma_wait3A_146 : memref<10000x64xf32, #tpu.memory_space<hbm>>) dst(%arg10 : memref<128x64xf32, #tpu.memory_space<vmem>>)
        %dma_start3A_147 = arith.constant 0 : i32
        %dma_start3A_148 = tpu.memref_slice %arg8[%add3A_112, %dma_start3A_147] : memref<157x128xi32, #tpu.memory_space<vmem>> -> memref<1x128xi32, #tpu.memory_space<vmem>>
        %dma_start3A_149 = tpu.memref_squeeze %dma_start3A_148 : memref<1x128xi32, #tpu.memory_space<vmem>> -> memref<128xi32, #tpu.memory_space<vmem>>
        %dma_start3A_150 = arith.constant 0 : i32
        %dma_start3A_151 = arith.constant 0 : i32
        %dma_start3A_152 = tpu.memref_slice %arg13[%dma_start3A_150, %dma_start3A_151] : memref<10240x64xf32, #tpu.memory_space<vmem_shared>> -> memref<10240x64xf32, #tpu.memory_space<vmem_shared>>
        tpu.enqueue_indirect_dma source(%arg10 : memref<128x64xf32, #tpu.memory_space<vmem>>) target(%dma_start3A_152 : memref<10240x64xf32, #tpu.memory_space<vmem_shared>>) offsets(%dma_start3A_149 : memref<128xi32, #tpu.memory_space<vmem>>) semaphore(%arg19 : memref<!tpu.dma_semaphore, #tpu.memory_space<semaphore_mem>>) {add = true}
        %sub3A = arith.constant 1 : i32
        %sub3A_153 = arith.subi %add3A_112, %sub3A : i32
        %dma_wait3A_154 = arith.constant 0 : i32
        %dma_wait3A_155 = tpu.memref_slice %arg8[%sub3A_153, %dma_wait3A_154] : memref<157x128xi32, #tpu.memory_space<vmem>> -> memref<1x128xi32, #tpu.memory_space<vmem>>
        %dma_wait3A_156 = tpu.memref_squeeze %dma_wait3A_155 : memref<1x128xi32, #tpu.memory_space<vmem>> -> memref<128xi32, #tpu.memory_space<vmem>>
        %dma_wait3A_157 = arith.constant 0 : i32
        %dma_wait3A_158 = arith.constant 0 : i32
        %dma_wait3A_159 = tpu.memref_slice %arg13[%dma_wait3A_157, %dma_wait3A_158] : memref<10240x64xf32, #tpu.memory_space<vmem_shared>> -> memref<10240x64xf32, #tpu.memory_space<vmem_shared>>
        tpu.wait_indirect_dma semaphore(%arg18 : memref<!tpu.dma_semaphore, #tpu.memory_space<semaphore_mem>>) src(%arg9 : memref<128x64xf32, #tpu.memory_space<vmem>>) dst(%dma_wait3A_159 : memref<10240x64xf32, #tpu.memory_space<vmem_shared>>)
        %add3A_160 = arith.constant 4 : i32
        %add3A_161 = arith.addi %add3A_112, %add3A_160 : i32
        %sub3A_162 = arith.constant 1 : i32
        %sub3A_163 = arith.subi %add3A_161, %sub3A_162 : i32
        %dma_start3A_164 = arith.constant 0 : i32
        %dma_start3A_165 = tpu.memref_slice %arg7[%sub3A_163, %dma_start3A_164] : memref<157x128xi32, #tpu.memory_space<vmem>> -> memref<1x128xi32, #tpu.memory_space<vmem>>
        %dma_start3A_166 = tpu.memref_squeeze %dma_start3A_165 : memref<1x128xi32, #tpu.memory_space<vmem>> -> memref<128xi32, #tpu.memory_space<vmem>>
        %dma_start3A_167 = arith.constant 0 : i32
        %dma_start3A_168 = arith.constant 0 : i32
        %dma_start3A_169 = tpu.memref_slice %arg2[%arg0, %dma_start3A_167, %dma_start3A_168] : memref<2x10000x64xf32, #tpu.memory_space<hbm>> -> memref<1x10000x64xf32, #tpu.memory_space<hbm>>
        %dma_start3A_170 = tpu.memref_squeeze %dma_start3A_169 : memref<1x10000x64xf32, #tpu.memory_space<hbm>> -> memref<10000x64xf32, #tpu.memory_space<hbm>>
        %dma_start3A_171 = arith.constant 0 : i32
        %dma_start3A_172 = arith.constant 0 : i32
        %dma_start3A_173 = tpu.memref_slice %dma_start3A_170[%dma_start3A_171, %dma_start3A_172] : memref<10000x64xf32, #tpu.memory_space<hbm>> -> memref<10000x64xf32, #tpu.memory_space<hbm>>
        tpu.enqueue_indirect_dma source(%dma_start3A_173 : memref<10000x64xf32, #tpu.memory_space<hbm>>) target(%arg9 : memref<128x64xf32, #tpu.memory_space<vmem>>) offsets(%dma_start3A_166 : memref<128xi32, #tpu.memory_space<vmem>>) semaphore(%arg14 : memref<!tpu.dma_semaphore, #tpu.memory_space<semaphore_mem>>)
      } else {
      }
      %rem3A_123 = arith.constant 4 : i32
      %rem3A_124 = arith.remsi %add3A_112, %rem3A_123 : i32
      %eq3A_125 = arith.constant 2 : i32
      %eq3A_126 = arith.cmpi eq, %rem3A_124, %eq3A_125 : i32
      %convert_element_type3A_127 = arith.extui %eq3A_126 : i1 to i32
      %cond3A_128 = arith.constant 0 : i32
      %cond3A_129 = arith.cmpi ne, %convert_element_type3A_127, %cond3A_128 : i32
      scf.if %cond3A_129 {
        %dma_wait3A_137 = arith.constant 0 : i32
        %dma_wait3A_138 = tpu.memref_slice %arg7[%add3A_112, %dma_wait3A_137] : memref<157x128xi32, #tpu.memory_space<vmem>> -> memref<1x128xi32, #tpu.memory_space<vmem>>
        %dma_wait3A_139 = tpu.memref_squeeze %dma_wait3A_138 : memref<1x128xi32, #tpu.memory_space<vmem>> -> memref<128xi32, #tpu.memory_space<vmem>>
        %dma_wait3A_140 = arith.constant 0 : i32
        %dma_wait3A_141 = arith.constant 0 : i32
        %dma_wait3A_142 = tpu.memref_slice %arg2[%arg0, %dma_wait3A_140, %dma_wait3A_141] : memref<2x10000x64xf32, #tpu.memory_space<hbm>> -> memref<1x10000x64xf32, #tpu.memory_space<hbm>>
        %dma_wait3A_143 = tpu.memref_squeeze %dma_wait3A_142 : memref<1x10000x64xf32, #tpu.memory_space<hbm>> -> memref<10000x64xf32, #tpu.memory_space<hbm>>
        %dma_wait3A_144 = arith.constant 0 : i32
        %dma_wait3A_145 = arith.constant 0 : i32
        %dma_wait3A_146 = tpu.memref_slice %dma_wait3A_143[%dma_wait3A_144, %dma_wait3A_145] : memref<10000x64xf32, #tpu.memory_space<hbm>> -> memref<10000x64xf32, #tpu.memory_space<hbm>>
        tpu.wait_indirect_dma semaphore(%arg16 : memref<!tpu.dma_semaphore, #tpu.memory_space<semaphore_mem>>) src(%dma_wait3A_146 : memref<10000x64xf32, #tpu.memory_space<hbm>>) dst(%arg11 : memref<128x64xf32, #tpu.memory_space<vmem>>)
        %dma_start3A_147 = arith.constant 0 : i32
        %dma_start3A_148 = tpu.memref_slice %arg8[%add3A_112, %dma_start3A_147] : memref<157x128xi32, #tpu.memory_space<vmem>> -> memref<1x128xi32, #tpu.memory_space<vmem>>
        %dma_start3A_149 = tpu.memref_squeeze %dma_start3A_148 : memref<1x128xi32, #tpu.memory_space<vmem>> -> memref<128xi32, #tpu.memory_space<vmem>>
        %dma_start3A_150 = arith.constant 0 : i32
        %dma_start3A_151 = arith.constant 0 : i32
        %dma_start3A_152 = tpu.memref_slice %arg13[%dma_start3A_150, %dma_start3A_151] : memref<10240x64xf32, #tpu.memory_space<vmem_shared>> -> memref<10240x64xf32, #tpu.memory_space<vmem_shared>>
        tpu.enqueue_indirect_dma source(%arg11 : memref<128x64xf32, #tpu.memory_space<vmem>>) target(%dma_start3A_152 : memref<10240x64xf32, #tpu.memory_space<vmem_shared>>) offsets(%dma_start3A_149 : memref<128xi32, #tpu.memory_space<vmem>>) semaphore(%arg18 : memref<!tpu.dma_semaphore, #tpu.memory_space<semaphore_mem>>) {add = true}
        %sub3A = arith.constant 1 : i32
        %sub3A_153 = arith.subi %add3A_112, %sub3A : i32
        %dma_wait3A_154 = arith.constant 0 : i32
        %dma_wait3A_155 = tpu.memref_slice %arg8[%sub3A_153, %dma_wait3A_154] : memref<157x128xi32, #tpu.memory_space<vmem>> -> memref<1x128xi32, #tpu.memory_space<vmem>>
        %dma_wait3A_156 = tpu.memref_squeeze %dma_wait3A_155 : memref<1x128xi32, #tpu.memory_space<vmem>> -> memref<128xi32, #tpu.memory_space<vmem>>
        %dma_wait3A_157 = arith.constant 0 : i32
        %dma_wait3A_158 = arith.constant 0 : i32
        %dma_wait3A_159 = tpu.memref_slice %arg13[%dma_wait3A_157, %dma_wait3A_158] : memref<10240x64xf32, #tpu.memory_space<vmem_shared>> -> memref<10240x64xf32, #tpu.memory_space<vmem_shared>>
        tpu.wait_indirect_dma semaphore(%arg19 : memref<!tpu.dma_semaphore, #tpu.memory_space<semaphore_mem>>) src(%arg10 : memref<128x64xf32, #tpu.memory_space<vmem>>) dst(%dma_wait3A_159 : memref<10240x64xf32, #tpu.memory_space<vmem_shared>>)
        %add3A_160 = arith.constant 4 : i32
        %add3A_161 = arith.addi %add3A_112, %add3A_160 : i32
        %sub3A_162 = arith.constant 1 : i32
        %sub3A_163 = arith.subi %add3A_161, %sub3A_162 : i32
        %dma_start3A_164 = arith.constant 0 : i32
        %dma_start3A_165 = tpu.memref_slice %arg7[%sub3A_163, %dma_start3A_164] : memref<157x128xi32, #tpu.memory_space<vmem>> -> memref<1x128xi32, #tpu.memory_space<vmem>>
        %dma_start3A_166 = tpu.memref_squeeze %dma_start3A_165 : memref<1x128xi32, #tpu.memory_space<vmem>> -> memref<128xi32, #tpu.memory_space<vmem>>
        %dma_start3A_167 = arith.constant 0 : i32
        %dma_start3A_168 = arith.constant 0 : i32
        %dma_start3A_169 = tpu.memref_slice %arg2[%arg0, %dma_start3A_167, %dma_start3A_168] : memref<2x10000x64xf32, #tpu.memory_space<hbm>> -> memref<1x10000x64xf32, #tpu.memory_space<hbm>>
        %dma_start3A_170 = tpu.memref_squeeze %dma_start3A_169 : memref<1x10000x64xf32, #tpu.memory_space<hbm>> -> memref<10000x64xf32, #tpu.memory_space<hbm>>
        %dma_start3A_171 = arith.constant 0 : i32
        %dma_start3A_172 = arith.constant 0 : i32
        %dma_start3A_173 = tpu.memref_slice %dma_start3A_170[%dma_start3A_171, %dma_start3A_172] : memref<10000x64xf32, #tpu.memory_space<hbm>> -> memref<10000x64xf32, #tpu.memory_space<hbm>>
        tpu.enqueue_indirect_dma source(%dma_start3A_173 : memref<10000x64xf32, #tpu.memory_space<hbm>>) target(%arg10 : memref<128x64xf32, #tpu.memory_space<vmem>>) offsets(%dma_start3A_166 : memref<128xi32, #tpu.memory_space<vmem>>) semaphore(%arg15 : memref<!tpu.dma_semaphore, #tpu.memory_space<semaphore_mem>>)
      } else {
      }
      %rem3A_130 = arith.constant 4 : i32
      %rem3A_131 = arith.remsi %add3A_112, %rem3A_130 : i32
      %eq3A_132 = arith.constant 3 : i32
      %eq3A_133 = arith.cmpi eq, %rem3A_131, %eq3A_132 : i32
      %convert_element_type3A_134 = arith.extui %eq3A_133 : i1 to i32
      %cond3A_135 = arith.constant 0 : i32
      %cond3A_136 = arith.cmpi ne, %convert_element_type3A_134, %cond3A_135 : i32
      scf.if %cond3A_136 {
        %dma_wait3A_137 = arith.constant 0 : i32
        %dma_wait3A_138 = tpu.memref_slice %arg7[%add3A_112, %dma_wait3A_137] : memref<157x128xi32, #tpu.memory_space<vmem>> -> memref<1x128xi32, #tpu.memory_space<vmem>>
        %dma_wait3A_139 = tpu.memref_squeeze %dma_wait3A_138 : memref<1x128xi32, #tpu.memory_space<vmem>> -> memref<128xi32, #tpu.memory_space<vmem>>
        %dma_wait3A_140 = arith.constant 0 : i32
        %dma_wait3A_141 = arith.constant 0 : i32
        %dma_wait3A_142 = tpu.memref_slice %arg2[%arg0, %dma_wait3A_140, %dma_wait3A_141] : memref<2x10000x64xf32, #tpu.memory_space<hbm>> -> memref<1x10000x64xf32, #tpu.memory_space<hbm>>
        %dma_wait3A_143 = tpu.memref_squeeze %dma_wait3A_142 : memref<1x10000x64xf32, #tpu.memory_space<hbm>> -> memref<10000x64xf32, #tpu.memory_space<hbm>>
        %dma_wait3A_144 = arith.constant 0 : i32
        %dma_wait3A_145 = arith.constant 0 : i32
        %dma_wait3A_146 = tpu.memref_slice %dma_wait3A_143[%dma_wait3A_144, %dma_wait3A_145] : memref<10000x64xf32, #tpu.memory_space<hbm>> -> memref<10000x64xf32, #tpu.memory_space<hbm>>
        tpu.wait_indirect_dma semaphore(%arg17 : memref<!tpu.dma_semaphore, #tpu.memory_space<semaphore_mem>>) src(%dma_wait3A_146 : memref<10000x64xf32, #tpu.memory_space<hbm>>) dst(%arg12 : memref<128x64xf32, #tpu.memory_space<vmem>>)
        %dma_start3A_147 = arith.constant 0 : i32
        %dma_start3A_148 = tpu.memref_slice %arg8[%add3A_112, %dma_start3A_147] : memref<157x128xi32, #tpu.memory_space<vmem>> -> memref<1x128xi32, #tpu.memory_space<vmem>>
        %dma_start3A_149 = tpu.memref_squeeze %dma_start3A_148 : memref<1x128xi32, #tpu.memory_space<vmem>> -> memref<128xi32, #tpu.memory_space<vmem>>
        %dma_start3A_150 = arith.constant 0 : i32
        %dma_start3A_151 = arith.constant 0 : i32
        %dma_start3A_152 = tpu.memref_slice %arg13[%dma_start3A_150, %dma_start3A_151] : memref<10240x64xf32, #tpu.memory_space<vmem_shared>> -> memref<10240x64xf32, #tpu.memory_space<vmem_shared>>
        tpu.enqueue_indirect_dma source(%arg12 : memref<128x64xf32, #tpu.memory_space<vmem>>) target(%dma_start3A_152 : memref<10240x64xf32, #tpu.memory_space<vmem_shared>>) offsets(%dma_start3A_149 : memref<128xi32, #tpu.memory_space<vmem>>) semaphore(%arg19 : memref<!tpu.dma_semaphore, #tpu.memory_space<semaphore_mem>>) {add = true}
        %sub3A = arith.constant 1 : i32
        %sub3A_153 = arith.subi %add3A_112, %sub3A : i32
        %dma_wait3A_154 = arith.constant 0 : i32
        %dma_wait3A_155 = tpu.memref_slice %arg8[%sub3A_153, %dma_wait3A_154] : memref<157x128xi32, #tpu.memory_space<vmem>> -> memref<1x128xi32, #tpu.memory_space<vmem>>
        %dma_wait3A_156 = tpu.memref_squeeze %dma_wait3A_155 : memref<1x128xi32, #tpu.memory_space<vmem>> -> memref<128xi32, #tpu.memory_space<vmem>>
        %dma_wait3A_157 = arith.constant 0 : i32
        %dma_wait3A_158 = arith.constant 0 : i32
        %dma_wait3A_159 = tpu.memref_slice %arg13[%dma_wait3A_157, %dma_wait3A_158] : memref<10240x64xf32, #tpu.memory_space<vmem_shared>> -> memref<10240x64xf32, #tpu.memory_space<vmem_shared>>
        tpu.wait_indirect_dma semaphore(%arg18 : memref<!tpu.dma_semaphore, #tpu.memory_space<semaphore_mem>>) src(%arg11 : memref<128x64xf32, #tpu.memory_space<vmem>>) dst(%dma_wait3A_159 : memref<10240x64xf32, #tpu.memory_space<vmem_shared>>)
        %add3A_160 = arith.constant 4 : i32
        %add3A_161 = arith.addi %add3A_112, %add3A_160 : i32
        %sub3A_162 = arith.constant 1 : i32
        %sub3A_163 = arith.subi %add3A_161, %sub3A_162 : i32
        %dma_start3A_164 = arith.constant 0 : i32
        %dma_start3A_165 = tpu.memref_slice %arg7[%sub3A_163, %dma_start3A_164] : memref<157x128xi32, #tpu.memory_space<vmem>> -> memref<1x128xi32, #tpu.memory_space<vmem>>
        %dma_start3A_166 = tpu.memref_squeeze %dma_start3A_165 : memref<1x128xi32, #tpu.memory_space<vmem>> -> memref<128xi32, #tpu.memory_space<vmem>>
        %dma_start3A_167 = arith.constant 0 : i32
        %dma_start3A_168 = arith.constant 0 : i32
        %dma_start3A_169 = tpu.memref_slice %arg2[%arg0, %dma_start3A_167, %dma_start3A_168] : memref<2x10000x64xf32, #tpu.memory_space<hbm>> -> memref<1x10000x64xf32, #tpu.memory_space<hbm>>
        %dma_start3A_170 = tpu.memref_squeeze %dma_start3A_169 : memref<1x10000x64xf32, #tpu.memory_space<hbm>> -> memref<10000x64xf32, #tpu.memory_space<hbm>>
        %dma_start3A_171 = arith.constant 0 : i32
        %dma_start3A_172 = arith.constant 0 : i32
        %dma_start3A_173 = tpu.memref_slice %dma_start3A_170[%dma_start3A_171, %dma_start3A_172] : memref<10000x64xf32, #tpu.memory_space<hbm>> -> memref<10000x64xf32, #tpu.memory_space<hbm>>
        tpu.enqueue_indirect_dma source(%dma_start3A_173 : memref<10000x64xf32, #tpu.memory_space<hbm>>) target(%arg11 : memref<128x64xf32, #tpu.memory_space<vmem>>) offsets(%dma_start3A_166 : memref<128xi32, #tpu.memory_space<vmem>>) semaphore(%arg16 : memref<!tpu.dma_semaphore, #tpu.memory_space<semaphore_mem>>)
      } else {
      }
    }
    %scan3A_65 = arith.constant 153 : i32
    %dma_wait3A_66 = arith.constant 153 : i32
    %dma_wait3A_67 = arith.constant 0 : i32
    %dma_wait3A_68 = tpu.memref_slice %arg8[%dma_wait3A_66, %dma_wait3A_67] : memref<157x128xi32, #tpu.memory_space<vmem>> -> memref<1x128xi32, #tpu.memory_space<vmem>>
    %dma_wait3A_69 = tpu.memref_squeeze %dma_wait3A_68 : memref<1x128xi32, #tpu.memory_space<vmem>> -> memref<128xi32, #tpu.memory_space<vmem>>
    %dma_wait3A_70 = arith.constant 0 : i32
    %dma_wait3A_71 = arith.constant 0 : i32
    %dma_wait3A_72 = tpu.memref_slice %arg13[%dma_wait3A_70, %dma_wait3A_71] : memref<10240x64xf32, #tpu.memory_space<vmem_shared>> -> memref<10240x64xf32, #tpu.memory_space<vmem_shared>>
    tpu.wait_indirect_dma semaphore(%arg19 : memref<!tpu.dma_semaphore, #tpu.memory_space<semaphore_mem>>) src(%arg10 : memref<128x64xf32, #tpu.memory_space<vmem>>) dst(%dma_wait3A_72 : memref<10240x64xf32, #tpu.memory_space<vmem_shared>>)
    %dma_wait3A_73 = arith.constant 154 : i32
    %dma_wait3A_74 = arith.constant 0 : i32
    %dma_wait3A_75 = tpu.memref_slice %arg7[%dma_wait3A_73, %dma_wait3A_74] : memref<157x128xi32, #tpu.memory_space<vmem>> -> memref<1x128xi32, #tpu.memory_space<vmem>>
    %dma_wait3A_76 = tpu.memref_squeeze %dma_wait3A_75 : memref<1x128xi32, #tpu.memory_space<vmem>> -> memref<128xi32, #tpu.memory_space<vmem>>
    %dma_wait3A_77 = arith.constant 0 : i32
    %dma_wait3A_78 = arith.constant 0 : i32
    %dma_wait3A_79 = tpu.memref_slice %arg2[%arg0, %dma_wait3A_77, %dma_wait3A_78] : memref<2x10000x64xf32, #tpu.memory_space<hbm>> -> memref<1x10000x64xf32, #tpu.memory_space<hbm>>
    %dma_wait3A_80 = tpu.memref_squeeze %dma_wait3A_79 : memref<1x10000x64xf32, #tpu.memory_space<hbm>> -> memref<10000x64xf32, #tpu.memory_space<hbm>>
    %dma_wait3A_81 = arith.constant 0 : i32
    %dma_wait3A_82 = arith.constant 0 : i32
    %dma_wait3A_83 = tpu.memref_slice %dma_wait3A_80[%dma_wait3A_81, %dma_wait3A_82] : memref<10000x64xf32, #tpu.memory_space<hbm>> -> memref<10000x64xf32, #tpu.memory_space<hbm>>
    tpu.wait_indirect_dma semaphore(%arg16 : memref<!tpu.dma_semaphore, #tpu.memory_space<semaphore_mem>>) src(%dma_wait3A_83 : memref<10000x64xf32, #tpu.memory_space<hbm>>) dst(%arg11 : memref<128x64xf32, #tpu.memory_space<vmem>>)
    %run_scoped3A = arith.constant 154 : i32
    "tpu.region"() ({
      %run_scoped3A_109 = tpu.sem_alloc : memref<!tpu.dma_semaphore, #tpu.memory_space<semaphore_mem>>
      %dma_start3A_110 = arith.constant 0 : i32
      %dma_start3A_111 = tpu.memref_slice %arg8[%run_scoped3A, %dma_start3A_110] : memref<157x128xi32, #tpu.memory_space<vmem>> -> memref<1x128xi32, #tpu.memory_space<vmem>>
      %dma_start3A_112 = tpu.memref_squeeze %dma_start3A_111 : memref<1x128xi32, #tpu.memory_space<vmem>> -> memref<128xi32, #tpu.memory_space<vmem>>
      %dma_start3A_113 = arith.constant 0 : i32
      %dma_start3A_114 = arith.constant 0 : i32
      %dma_start3A_115 = tpu.memref_slice %arg13[%dma_start3A_113, %dma_start3A_114] : memref<10240x64xf32, #tpu.memory_space<vmem_shared>> -> memref<10240x64xf32, #tpu.memory_space<vmem_shared>>
      tpu.enqueue_indirect_dma source(%arg11 : memref<128x64xf32, #tpu.memory_space<vmem>>) target(%dma_start3A_115 : memref<10240x64xf32, #tpu.memory_space<vmem_shared>>) offsets(%dma_start3A_112 : memref<128xi32, #tpu.memory_space<vmem>>) semaphore(%run_scoped3A_109 : memref<!tpu.dma_semaphore, #tpu.memory_space<semaphore_mem>>) {add = true}
      %dma_wait3A_116 = arith.constant 0 : i32
      %dma_wait3A_117 = tpu.memref_slice %arg8[%run_scoped3A, %dma_wait3A_116] : memref<157x128xi32, #tpu.memory_space<vmem>> -> memref<1x128xi32, #tpu.memory_space<vmem>>
      %dma_wait3A_118 = tpu.memref_squeeze %dma_wait3A_117 : memref<1x128xi32, #tpu.memory_space<vmem>> -> memref<128xi32, #tpu.memory_space<vmem>>
      %dma_wait3A_119 = arith.constant 0 : i32
      %dma_wait3A_120 = arith.constant 0 : i32
      %dma_wait3A_121 = tpu.memref_slice %arg13[%dma_wait3A_119, %dma_wait3A_120] : memref<10240x64xf32, #tpu.memory_space<vmem_shared>> -> memref<10240x64xf32, #tpu.memory_space<vmem_shared>>
      tpu.wait_indirect_dma semaphore(%run_scoped3A_109 : memref<!tpu.dma_semaphore, #tpu.memory_space<semaphore_mem>>) src(%arg11 : memref<128x64xf32, #tpu.memory_space<vmem>>) dst(%dma_wait3A_121 : memref<10240x64xf32, #tpu.memory_space<vmem_shared>>)
      tpu.yield
    }) : () -> ()
    %dma_wait3A_84 = arith.constant 155 : i32
    %dma_wait3A_85 = arith.constant 0 : i32
    %dma_wait3A_86 = tpu.memref_slice %arg7[%dma_wait3A_84, %dma_wait3A_85] : memref<157x128xi32, #tpu.memory_space<vmem>> -> memref<1x128xi32, #tpu.memory_space<vmem>>
    %dma_wait3A_87 = tpu.memref_squeeze %dma_wait3A_86 : memref<1x128xi32, #tpu.memory_space<vmem>> -> memref<128xi32, #tpu.memory_space<vmem>>
    %dma_wait3A_88 = arith.constant 0 : i32
    %dma_wait3A_89 = arith.constant 0 : i32
    %dma_wait3A_90 = tpu.memref_slice %arg2[%arg0, %dma_wait3A_88, %dma_wait3A_89] : memref<2x10000x64xf32, #tpu.memory_space<hbm>> -> memref<1x10000x64xf32, #tpu.memory_space<hbm>>
    %dma_wait3A_91 = tpu.memref_squeeze %dma_wait3A_90 : memref<1x10000x64xf32, #tpu.memory_space<hbm>> -> memref<10000x64xf32, #tpu.memory_space<hbm>>
    %dma_wait3A_92 = arith.constant 0 : i32
    %dma_wait3A_93 = arith.constant 0 : i32
    %dma_wait3A_94 = tpu.memref_slice %dma_wait3A_91[%dma_wait3A_92, %dma_wait3A_93] : memref<10000x64xf32, #tpu.memory_space<hbm>> -> memref<10000x64xf32, #tpu.memory_space<hbm>>
    tpu.wait_indirect_dma semaphore(%arg17 : memref<!tpu.dma_semaphore, #tpu.memory_space<semaphore_mem>>) src(%dma_wait3A_94 : memref<10000x64xf32, #tpu.memory_space<hbm>>) dst(%arg12 : memref<128x64xf32, #tpu.memory_space<vmem>>)
    %run_scoped3A_95 = arith.constant 155 : i32
    "tpu.region"() ({
      %run_scoped3A_109 = tpu.sem_alloc : memref<!tpu.dma_semaphore, #tpu.memory_space<semaphore_mem>>
      %dma_start3A_110 = arith.constant 0 : i32
      %dma_start3A_111 = tpu.memref_slice %arg8[%run_scoped3A_95, %dma_start3A_110] : memref<157x128xi32, #tpu.memory_space<vmem>> -> memref<1x128xi32, #tpu.memory_space<vmem>>
      %dma_start3A_112 = tpu.memref_squeeze %dma_start3A_111 : memref<1x128xi32, #tpu.memory_space<vmem>> -> memref<128xi32, #tpu.memory_space<vmem>>
      %dma_start3A_113 = arith.constant 0 : i32
      %dma_start3A_114 = arith.constant 0 : i32
      %dma_start3A_115 = tpu.memref_slice %arg13[%dma_start3A_113, %dma_start3A_114] : memref<10240x64xf32, #tpu.memory_space<vmem_shared>> -> memref<10240x64xf32, #tpu.memory_space<vmem_shared>>
      tpu.enqueue_indirect_dma source(%arg12 : memref<128x64xf32, #tpu.memory_space<vmem>>) target(%dma_start3A_115 : memref<10240x64xf32, #tpu.memory_space<vmem_shared>>) offsets(%dma_start3A_112 : memref<128xi32, #tpu.memory_space<vmem>>) semaphore(%run_scoped3A_109 : memref<!tpu.dma_semaphore, #tpu.memory_space<semaphore_mem>>) {add = true}
      %dma_wait3A_116 = arith.constant 0 : i32
      %dma_wait3A_117 = tpu.memref_slice %arg8[%run_scoped3A_95, %dma_wait3A_116] : memref<157x128xi32, #tpu.memory_space<vmem>> -> memref<1x128xi32, #tpu.memory_space<vmem>>
      %dma_wait3A_118 = tpu.memref_squeeze %dma_wait3A_117 : memref<1x128xi32, #tpu.memory_space<vmem>> -> memref<128xi32, #tpu.memory_space<vmem>>
      %dma_wait3A_119 = arith.constant 0 : i32
      %dma_wait3A_120 = arith.constant 0 : i32
      %dma_wait3A_121 = tpu.memref_slice %arg13[%dma_wait3A_119, %dma_wait3A_120] : memref<10240x64xf32, #tpu.memory_space<vmem_shared>> -> memref<10240x64xf32, #tpu.memory_space<vmem_shared>>
      tpu.wait_indirect_dma semaphore(%run_scoped3A_109 : memref<!tpu.dma_semaphore, #tpu.memory_space<semaphore_mem>>) src(%arg12 : memref<128x64xf32, #tpu.memory_space<vmem>>) dst(%dma_wait3A_121 : memref<10240x64xf32, #tpu.memory_space<vmem_shared>>)
      tpu.yield
    }) : () -> ()
    %dma_wait3A_96 = arith.constant 156 : i32
    %dma_wait3A_97 = arith.constant 0 : i32
    %dma_wait3A_98 = tpu.memref_slice %arg7[%dma_wait3A_96, %dma_wait3A_97] : memref<157x128xi32, #tpu.memory_space<vmem>> -> memref<1x128xi32, #tpu.memory_space<vmem>>
    %dma_wait3A_99 = tpu.memref_squeeze %dma_wait3A_98 : memref<1x128xi32, #tpu.memory_space<vmem>> -> memref<128xi32, #tpu.memory_space<vmem>>
    %dma_wait3A_100 = arith.constant 0 : i32
    %dma_wait3A_101 = arith.constant 0 : i32
    %dma_wait3A_102 = tpu.memref_slice %arg2[%arg0, %dma_wait3A_100, %dma_wait3A_101] : memref<2x10000x64xf32, #tpu.memory_space<hbm>> -> memref<1x10000x64xf32, #tpu.memory_space<hbm>>
    %dma_wait3A_103 = tpu.memref_squeeze %dma_wait3A_102 : memref<1x10000x64xf32, #tpu.memory_space<hbm>> -> memref<10000x64xf32, #tpu.memory_space<hbm>>
    %dma_wait3A_104 = arith.constant 0 : i32
    %dma_wait3A_105 = arith.constant 0 : i32
    %dma_wait3A_106 = tpu.memref_slice %dma_wait3A_103[%dma_wait3A_104, %dma_wait3A_105] : memref<10000x64xf32, #tpu.memory_space<hbm>> -> memref<10000x64xf32, #tpu.memory_space<hbm>>
    tpu.wait_indirect_dma semaphore(%arg14 : memref<!tpu.dma_semaphore, #tpu.memory_space<semaphore_mem>>) src(%dma_wait3A_106 : memref<10000x64xf32, #tpu.memory_space<hbm>>) dst(%arg9 : memref<128x64xf32, #tpu.memory_space<vmem>>)
    %run_scoped3A_107 = arith.constant 156 : i32
    "tpu.region"() ({
      %run_scoped3A_109 = tpu.sem_alloc : memref<!tpu.dma_semaphore, #tpu.memory_space<semaphore_mem>>
      %dma_start3A_110 = arith.constant 0 : i32
      %dma_start3A_111 = tpu.memref_slice %arg8[%run_scoped3A_107, %dma_start3A_110] : memref<157x128xi32, #tpu.memory_space<vmem>> -> memref<1x128xi32, #tpu.memory_space<vmem>>
      %dma_start3A_112 = tpu.memref_squeeze %dma_start3A_111 : memref<1x128xi32, #tpu.memory_space<vmem>> -> memref<128xi32, #tpu.memory_space<vmem>>
      %dma_start3A_113 = arith.constant 0 : i32
      %dma_start3A_114 = arith.constant 0 : i32
      %dma_start3A_115 = tpu.memref_slice %arg13[%dma_start3A_113, %dma_start3A_114] : memref<10240x64xf32, #tpu.memory_space<vmem_shared>> -> memref<10240x64xf32, #tpu.memory_space<vmem_shared>>
      tpu.enqueue_indirect_dma source(%arg9 : memref<128x64xf32, #tpu.memory_space<vmem>>) target(%dma_start3A_115 : memref<10240x64xf32, #tpu.memory_space<vmem_shared>>) offsets(%dma_start3A_112 : memref<128xi32, #tpu.memory_space<vmem>>) semaphore(%run_scoped3A_109 : memref<!tpu.dma_semaphore, #tpu.memory_space<semaphore_mem>>) {add = true}
      %dma_wait3A_116 = arith.constant 0 : i32
      %dma_wait3A_117 = tpu.memref_slice %arg8[%run_scoped3A_107, %dma_wait3A_116] : memref<157x128xi32, #tpu.memory_space<vmem>> -> memref<1x128xi32, #tpu.memory_space<vmem>>
      %dma_wait3A_118 = tpu.memref_squeeze %dma_wait3A_117 : memref<1x128xi32, #tpu.memory_space<vmem>> -> memref<128xi32, #tpu.memory_space<vmem>>
      %dma_wait3A_119 = arith.constant 0 : i32
      %dma_wait3A_120 = arith.constant 0 : i32
      %dma_wait3A_121 = tpu.memref_slice %arg13[%dma_wait3A_119, %dma_wait3A_120] : memref<10240x64xf32, #tpu.memory_space<vmem_shared>> -> memref<10240x64xf32, #tpu.memory_space<vmem_shared>>
      tpu.wait_indirect_dma semaphore(%run_scoped3A_109 : memref<!tpu.dma_semaphore, #tpu.memory_space<semaphore_mem>>) src(%arg9 : memref<128x64xf32, #tpu.memory_space<vmem>>) dst(%dma_wait3A_121 : memref<10240x64xf32, #tpu.memory_space<vmem_shared>>)
      tpu.yield
    }) : () -> ()
    %barrier3A_108 = arith.constant 0 : index
    tpu.barrier barrier_id(%barrier3A_108)
    "tpu.region"() ({
      %run_scoped3A_109 = tpu.sem_alloc : memref<!tpu.dma_semaphore, #tpu.memory_space<semaphore_mem>>
      %dma_start3A_110 = arith.constant 0 : i32
      %dma_start3A_111 = tpu.memref_slice %arg6[%arg0, %mul3A_0, %dma_start3A_110] : memref<2x10240x64xf32, #tpu.memory_space<hbm>> -> memref<1x640x64xf32, #tpu.memory_space<hbm>>
      %dma_start3A_112 = tpu.memref_squeeze %dma_start3A_111 : memref<1x640x64xf32, #tpu.memory_space<hbm>> -> memref<640x64xf32, #tpu.memory_space<hbm>>
      %dma_start3A_113 = arith.constant 0 : i32
      %dma_start3A_114 = tpu.memref_slice %arg13[%mul3A_0, %dma_start3A_113] : memref<10240x64xf32, #tpu.memory_space<vmem_shared>> -> memref<640x64xf32, #tpu.memory_space<vmem_shared>>
      tpu.enqueue_dma source(%dma_start3A_114 : memref<640x64xf32, #tpu.memory_space<vmem_shared>>) target(%dma_start3A_112 : memref<640x64xf32, #tpu.memory_space<hbm>>) target_semaphore(%run_scoped3A_109 : memref<!tpu.dma_semaphore, #tpu.memory_space<semaphore_mem>>)
      %dma_wait3A_115 = arith.constant 0 : i32
      %dma_wait3A_116 = tpu.memref_slice %arg6[%arg0, %mul3A_0, %dma_wait3A_115] : memref<2x10240x64xf32, #tpu.memory_space<hbm>> -> memref<1x640x64xf32, #tpu.memory_space<hbm>>
      %dma_wait3A_117 = tpu.memref_squeeze %dma_wait3A_116 : memref<1x640x64xf32, #tpu.memory_space<hbm>> -> memref<640x64xf32, #tpu.memory_space<hbm>>
      %dma_wait3A_118 = arith.constant 0 : i32
      %dma_wait3A_119 = tpu.memref_slice %arg13[%mul3A_0, %dma_wait3A_118] : memref<10240x64xf32, #tpu.memory_space<vmem_shared>> -> memref<640x64xf32, #tpu.memory_space<vmem_shared>>
      tpu.wait_dma2 semaphore(%run_scoped3A_109 : memref<!tpu.dma_semaphore, #tpu.memory_space<semaphore_mem>>) src(%dma_wait3A_119 : memref<640x64xf32, #tpu.memory_space<vmem_shared>>) dst(%dma_wait3A_117 : memref<640x64xf32, #tpu.memory_space<hbm>>)
      tpu.yield
    }) : () -> ()
    return
  }
}

#map = affine_map<(d0, d1) -> (0, 0, 0)>
#map1 = affine_map<(d0, d1) -> (0, 0)>
#map2 = affine_map<(d0, d1) -> (0)>
module attributes {stable_mosaic.version = 14 : i64} {
  func.func @body(%arg0: i32, %arg1: i32, %arg2: memref<2x10000x64xf32, #tpu.memory_space<hbm>>, %arg3: memref<16x157x128xi32, #tpu.memory_space<hbm>>, %arg4: memref<16x157x128xi32, #tpu.memory_space<hbm>>, %arg5: memref<640x64xf32, #tpu.memory_space<hbm>>, %arg6: memref<10240xf32, #tpu.memory_space<hbm>>, %arg7: memref<2x10240x64xf32, #tpu.memory_space<hbm>>, %arg8: memref<2x16x10240xf32, #tpu.memory_space<hbm>>, %arg9: memref<157x128xi32, #tpu.memory_space<vmem>>, %arg10: memref<157x128xi32, #tpu.memory_space<vmem>>, %arg11: memref<128x64xf32, #tpu.memory_space<vmem>>, %arg12: memref<128x64xf32, #tpu.memory_space<vmem>>, %arg13: memref<128x64xf32, #tpu.memory_space<vmem>>, %arg14: memref<128x64xf32, #tpu.memory_space<vmem>>, %arg15: memref<10240x64xf32, #tpu.memory_space<vmem_shared>>, %arg16: memref<!tpu.dma_semaphore, #tpu.memory_space<semaphore_mem>>, %arg17: memref<!tpu.dma_semaphore, #tpu.memory_space<semaphore_mem>>, %arg18: memref<!tpu.dma_semaphore, #tpu.memory_space<semaphore_mem>>, %arg19: memref<!tpu.dma_semaphore, #tpu.memory_space<semaphore_mem>>, %arg20: memref<!tpu.dma_semaphore, #tpu.memory_space<semaphore_mem>>, %arg21: memref<!tpu.dma_semaphore, #tpu.memory_space<semaphore_mem>>, %arg22: memref<10240xf32, #tpu.memory_space<vmem>>) attributes {dimension_semantics = [#tpu.dimension_semantics<core_parallel>, #tpu.dimension_semantics<subcore_parallel>], iteration_bounds = array<i64: 2, 16>, scalar_prefetch = 0 : i64, scratch_operands = 14 : i64, tpu.core_type = #tpu.core_type<sc_vector_subcore>, window_params = [{transform_indices = #map}, {transform_indices = #map}, {transform_indices = #map}, {transform_indices = #map1}, {transform_indices = #map2}, {transform_indices = #map}, {transform_indices = #map}]} {
    %mul3A = arith.constant 640 : i32
    %mul3A_0 = arith.muli %arg1, %mul3A : i32
    %broadcast_in_dim3A = arith.constant 1.000000e+00 : f32
    %broadcast_in_dim3A_1 = vector.broadcast %broadcast_in_dim3A : f32 to vector<16xf32>
    "tpu.region"() ({
      %run_scoped3A_126 = tpu.sem_alloc : memref<!tpu.dma_semaphore, #tpu.memory_space<semaphore_mem>>
      %dma_start3A_127 = arith.constant 0 : i32
      %dma_start3A_128 = arith.constant 0 : i32
      %dma_start3A_129 = tpu.memref_slice %arg3[%arg1, %dma_start3A_127, %dma_start3A_128] : memref<16x157x128xi32, #tpu.memory_space<hbm>> -> memref<1x157x128xi32, #tpu.memory_space<hbm>>
      %dma_start3A_130 = tpu.memref_squeeze %dma_start3A_129 : memref<1x157x128xi32, #tpu.memory_space<hbm>> -> memref<157x128xi32, #tpu.memory_space<hbm>>
      %dma_start3A_131 = arith.constant 0 : i32
      %dma_start3A_132 = arith.constant 0 : i32
      %dma_start3A_133 = tpu.memref_slice %arg3[%arg1, %dma_start3A_131, %dma_start3A_132] : memref<16x157x128xi32, #tpu.memory_space<hbm>> -> memref<1x157x128xi32, #tpu.memory_space<hbm>>
      %dma_start3A_134 = tpu.memref_squeeze %dma_start3A_133 : memref<1x157x128xi32, #tpu.memory_space<hbm>> -> memref<157x128xi32, #tpu.memory_space<hbm>>
      tpu.enqueue_dma source(%dma_start3A_134 : memref<157x128xi32, #tpu.memory_space<hbm>>) target(%arg9 : memref<157x128xi32, #tpu.memory_space<vmem>>) target_semaphore(%run_scoped3A_126 : memref<!tpu.dma_semaphore, #tpu.memory_space<semaphore_mem>>)
      %dma_wait3A_135 = arith.constant 0 : i32
      %dma_wait3A_136 = arith.constant 0 : i32
      %dma_wait3A_137 = tpu.memref_slice %arg3[%arg1, %dma_wait3A_135, %dma_wait3A_136] : memref<16x157x128xi32, #tpu.memory_space<hbm>> -> memref<1x157x128xi32, #tpu.memory_space<hbm>>
      %dma_wait3A_138 = tpu.memref_squeeze %dma_wait3A_137 : memref<1x157x128xi32, #tpu.memory_space<hbm>> -> memref<157x128xi32, #tpu.memory_space<hbm>>
      %dma_wait3A_139 = arith.constant 0 : i32
      %dma_wait3A_140 = arith.constant 0 : i32
      %dma_wait3A_141 = tpu.memref_slice %arg3[%arg1, %dma_wait3A_139, %dma_wait3A_140] : memref<16x157x128xi32, #tpu.memory_space<hbm>> -> memref<1x157x128xi32, #tpu.memory_space<hbm>>
      %dma_wait3A_142 = tpu.memref_squeeze %dma_wait3A_141 : memref<1x157x128xi32, #tpu.memory_space<hbm>> -> memref<157x128xi32, #tpu.memory_space<hbm>>
      tpu.wait_dma2 semaphore(%run_scoped3A_126 : memref<!tpu.dma_semaphore, #tpu.memory_space<semaphore_mem>>) src(%dma_wait3A_142 : memref<157x128xi32, #tpu.memory_space<hbm>>) dst(%arg9 : memref<157x128xi32, #tpu.memory_space<vmem>>)
      tpu.yield
    }) : () -> ()
    "tpu.region"() ({
      %run_scoped3A_126 = tpu.sem_alloc : memref<!tpu.dma_semaphore, #tpu.memory_space<semaphore_mem>>
      %dma_start3A_127 = arith.constant 0 : i32
      %dma_start3A_128 = arith.constant 0 : i32
      %dma_start3A_129 = tpu.memref_slice %arg4[%arg1, %dma_start3A_127, %dma_start3A_128] : memref<16x157x128xi32, #tpu.memory_space<hbm>> -> memref<1x157x128xi32, #tpu.memory_space<hbm>>
      %dma_start3A_130 = tpu.memref_squeeze %dma_start3A_129 : memref<1x157x128xi32, #tpu.memory_space<hbm>> -> memref<157x128xi32, #tpu.memory_space<hbm>>
      %dma_start3A_131 = arith.constant 0 : i32
      %dma_start3A_132 = arith.constant 0 : i32
      %dma_start3A_133 = tpu.memref_slice %arg4[%arg1, %dma_start3A_131, %dma_start3A_132] : memref<16x157x128xi32, #tpu.memory_space<hbm>> -> memref<1x157x128xi32, #tpu.memory_space<hbm>>
      %dma_start3A_134 = tpu.memref_squeeze %dma_start3A_133 : memref<1x157x128xi32, #tpu.memory_space<hbm>> -> memref<157x128xi32, #tpu.memory_space<hbm>>
      tpu.enqueue_dma source(%dma_start3A_134 : memref<157x128xi32, #tpu.memory_space<hbm>>) target(%arg10 : memref<157x128xi32, #tpu.memory_space<vmem>>) target_semaphore(%run_scoped3A_126 : memref<!tpu.dma_semaphore, #tpu.memory_space<semaphore_mem>>)
      %dma_wait3A_135 = arith.constant 0 : i32
      %dma_wait3A_136 = arith.constant 0 : i32
      %dma_wait3A_137 = tpu.memref_slice %arg4[%arg1, %dma_wait3A_135, %dma_wait3A_136] : memref<16x157x128xi32, #tpu.memory_space<hbm>> -> memref<1x157x128xi32, #tpu.memory_space<hbm>>
      %dma_wait3A_138 = tpu.memref_squeeze %dma_wait3A_137 : memref<1x157x128xi32, #tpu.memory_space<hbm>> -> memref<157x128xi32, #tpu.memory_space<hbm>>
      %dma_wait3A_139 = arith.constant 0 : i32
      %dma_wait3A_140 = arith.constant 0 : i32
      %dma_wait3A_141 = tpu.memref_slice %arg4[%arg1, %dma_wait3A_139, %dma_wait3A_140] : memref<16x157x128xi32, #tpu.memory_space<hbm>> -> memref<1x157x128xi32, #tpu.memory_space<hbm>>
      %dma_wait3A_142 = tpu.memref_squeeze %dma_wait3A_141 : memref<1x157x128xi32, #tpu.memory_space<hbm>> -> memref<157x128xi32, #tpu.memory_space<hbm>>
      tpu.wait_dma2 semaphore(%run_scoped3A_126 : memref<!tpu.dma_semaphore, #tpu.memory_space<semaphore_mem>>) src(%dma_wait3A_142 : memref<157x128xi32, #tpu.memory_space<hbm>>) dst(%arg10 : memref<157x128xi32, #tpu.memory_space<vmem>>)
      tpu.yield
    }) : () -> ()
    "tpu.region"() ({
      %run_scoped3A_126 = tpu.sem_alloc : memref<!tpu.dma_semaphore, #tpu.memory_space<semaphore_mem>>
      %dma_start3A_127 = arith.constant 0 : i32
      %dma_start3A_128 = tpu.memref_slice %arg15[%mul3A_0, %dma_start3A_127] : memref<10240x64xf32, #tpu.memory_space<vmem_shared>> -> memref<640x64xf32, #tpu.memory_space<vmem_shared>>
      tpu.enqueue_dma source(%arg5 : memref<640x64xf32, #tpu.memory_space<hbm>>) target(%dma_start3A_128 : memref<640x64xf32, #tpu.memory_space<vmem_shared>>) target_semaphore(%run_scoped3A_126 : memref<!tpu.dma_semaphore, #tpu.memory_space<semaphore_mem>>)
      %dma_wait3A_129 = arith.constant 0 : i32
      %dma_wait3A_130 = tpu.memref_slice %arg15[%mul3A_0, %dma_wait3A_129] : memref<10240x64xf32, #tpu.memory_space<vmem_shared>> -> memref<640x64xf32, #tpu.memory_space<vmem_shared>>
      tpu.wait_dma2 semaphore(%run_scoped3A_126 : memref<!tpu.dma_semaphore, #tpu.memory_space<semaphore_mem>>) src(%arg5 : memref<640x64xf32, #tpu.memory_space<hbm>>) dst(%dma_wait3A_130 : memref<640x64xf32, #tpu.memory_space<vmem_shared>>)
      tpu.yield
    }) : () -> ()
    "tpu.region"() ({
      %run_scoped3A_126 = tpu.sem_alloc : memref<!tpu.dma_semaphore, #tpu.memory_space<semaphore_mem>>
      tpu.enqueue_dma source(%arg6 : memref<10240xf32, #tpu.memory_space<hbm>>) target(%arg22 : memref<10240xf32, #tpu.memory_space<vmem>>) target_semaphore(%run_scoped3A_126 : memref<!tpu.dma_semaphore, #tpu.memory_space<semaphore_mem>>)
      tpu.wait_dma2 semaphore(%run_scoped3A_126 : memref<!tpu.dma_semaphore, #tpu.memory_space<semaphore_mem>>) src(%arg6 : memref<10240xf32, #tpu.memory_space<hbm>>) dst(%arg22 : memref<10240xf32, #tpu.memory_space<vmem>>)
      tpu.yield
    }) : () -> ()
    %barrier3A = arith.constant 0 : index
    tpu.barrier barrier_id(%barrier3A)
    %dma_start3A = arith.constant 0 : i32
    %dma_start3A_2 = arith.constant 0 : i32
    %dma_start3A_3 = tpu.memref_slice %arg9[%dma_start3A, %dma_start3A_2] : memref<157x128xi32, #tpu.memory_space<vmem>> -> memref<1x128xi32, #tpu.memory_space<vmem>>
    %dma_start3A_4 = tpu.memref_squeeze %dma_start3A_3 : memref<1x128xi32, #tpu.memory_space<vmem>> -> memref<128xi32, #tpu.memory_space<vmem>>
    %dma_start3A_5 = arith.constant 0 : i32
    %dma_start3A_6 = arith.constant 0 : i32
    %dma_start3A_7 = tpu.memref_slice %arg2[%arg0, %dma_start3A_5, %dma_start3A_6] : memref<2x10000x64xf32, #tpu.memory_space<hbm>> -> memref<1x10000x64xf32, #tpu.memory_space<hbm>>
    %dma_start3A_8 = tpu.memref_squeeze %dma_start3A_7 : memref<1x10000x64xf32, #tpu.memory_space<hbm>> -> memref<10000x64xf32, #tpu.memory_space<hbm>>
    %dma_start3A_9 = arith.constant 0 : i32
    %dma_start3A_10 = arith.constant 0 : i32
    %dma_start3A_11 = tpu.memref_slice %dma_start3A_8[%dma_start3A_9, %dma_start3A_10] : memref<10000x64xf32, #tpu.memory_space<hbm>> -> memref<10000x64xf32, #tpu.memory_space<hbm>>
    tpu.enqueue_indirect_dma source(%dma_start3A_11 : memref<10000x64xf32, #tpu.memory_space<hbm>>) target(%arg11 : memref<128x64xf32, #tpu.memory_space<vmem>>) offsets(%dma_start3A_4 : memref<128xi32, #tpu.memory_space<vmem>>) semaphore(%arg16 : memref<!tpu.dma_semaphore, #tpu.memory_space<semaphore_mem>>)
    %dma_start3A_12 = arith.constant 1 : i32
    %dma_start3A_13 = arith.constant 0 : i32
    %dma_start3A_14 = tpu.memref_slice %arg9[%dma_start3A_12, %dma_start3A_13] : memref<157x128xi32, #tpu.memory_space<vmem>> -> memref<1x128xi32, #tpu.memory_space<vmem>>
    %dma_start3A_15 = tpu.memref_squeeze %dma_start3A_14 : memref<1x128xi32, #tpu.memory_space<vmem>> -> memref<128xi32, #tpu.memory_space<vmem>>
    %dma_start3A_16 = arith.constant 0 : i32
    %dma_start3A_17 = arith.constant 0 : i32
    %dma_start3A_18 = tpu.memref_slice %arg2[%arg0, %dma_start3A_16, %dma_start3A_17] : memref<2x10000x64xf32, #tpu.memory_space<hbm>> -> memref<1x10000x64xf32, #tpu.memory_space<hbm>>
    %dma_start3A_19 = tpu.memref_squeeze %dma_start3A_18 : memref<1x10000x64xf32, #tpu.memory_space<hbm>> -> memref<10000x64xf32, #tpu.memory_space<hbm>>
    %dma_start3A_20 = arith.constant 0 : i32
    %dma_start3A_21 = arith.constant 0 : i32
    %dma_start3A_22 = tpu.memref_slice %dma_start3A_19[%dma_start3A_20, %dma_start3A_21] : memref<10000x64xf32, #tpu.memory_space<hbm>> -> memref<10000x64xf32, #tpu.memory_space<hbm>>
    tpu.enqueue_indirect_dma source(%dma_start3A_22 : memref<10000x64xf32, #tpu.memory_space<hbm>>) target(%arg12 : memref<128x64xf32, #tpu.memory_space<vmem>>) offsets(%dma_start3A_15 : memref<128xi32, #tpu.memory_space<vmem>>) semaphore(%arg17 : memref<!tpu.dma_semaphore, #tpu.memory_space<semaphore_mem>>)
    %dma_start3A_23 = arith.constant 2 : i32
    %dma_start3A_24 = arith.constant 0 : i32
    %dma_start3A_25 = tpu.memref_slice %arg9[%dma_start3A_23, %dma_start3A_24] : memref<157x128xi32, #tpu.memory_space<vmem>> -> memref<1x128xi32, #tpu.memory_space<vmem>>
    %dma_start3A_26 = tpu.memref_squeeze %dma_start3A_25 : memref<1x128xi32, #tpu.memory_space<vmem>> -> memref<128xi32, #tpu.memory_space<vmem>>
    %dma_start3A_27 = arith.constant 0 : i32
    %dma_start3A_28 = arith.constant 0 : i32
    %dma_start3A_29 = tpu.memref_slice %arg2[%arg0, %dma_start3A_27, %dma_start3A_28] : memref<2x10000x64xf32, #tpu.memory_space<hbm>> -> memref<1x10000x64xf32, #tpu.memory_space<hbm>>
    %dma_start3A_30 = tpu.memref_squeeze %dma_start3A_29 : memref<1x10000x64xf32, #tpu.memory_space<hbm>> -> memref<10000x64xf32, #tpu.memory_space<hbm>>
    %dma_start3A_31 = arith.constant 0 : i32
    %dma_start3A_32 = arith.constant 0 : i32
    %dma_start3A_33 = tpu.memref_slice %dma_start3A_30[%dma_start3A_31, %dma_start3A_32] : memref<10000x64xf32, #tpu.memory_space<hbm>> -> memref<10000x64xf32, #tpu.memory_space<hbm>>
    tpu.enqueue_indirect_dma source(%dma_start3A_33 : memref<10000x64xf32, #tpu.memory_space<hbm>>) target(%arg13 : memref<128x64xf32, #tpu.memory_space<vmem>>) offsets(%dma_start3A_26 : memref<128xi32, #tpu.memory_space<vmem>>) semaphore(%arg18 : memref<!tpu.dma_semaphore, #tpu.memory_space<semaphore_mem>>)
    %dma_wait3A = arith.constant 0 : i32
    %dma_wait3A_34 = arith.constant 0 : i32
    %dma_wait3A_35 = tpu.memref_slice %arg9[%dma_wait3A, %dma_wait3A_34] : memref<157x128xi32, #tpu.memory_space<vmem>> -> memref<1x128xi32, #tpu.memory_space<vmem>>
    %dma_wait3A_36 = tpu.memref_squeeze %dma_wait3A_35 : memref<1x128xi32, #tpu.memory_space<vmem>> -> memref<128xi32, #tpu.memory_space<vmem>>
    %dma_wait3A_37 = arith.constant 0 : i32
    %dma_wait3A_38 = arith.constant 0 : i32
    %dma_wait3A_39 = tpu.memref_slice %arg2[%arg0, %dma_wait3A_37, %dma_wait3A_38] : memref<2x10000x64xf32, #tpu.memory_space<hbm>> -> memref<1x10000x64xf32, #tpu.memory_space<hbm>>
    %dma_wait3A_40 = tpu.memref_squeeze %dma_wait3A_39 : memref<1x10000x64xf32, #tpu.memory_space<hbm>> -> memref<10000x64xf32, #tpu.memory_space<hbm>>
    %dma_wait3A_41 = arith.constant 0 : i32
    %dma_wait3A_42 = arith.constant 0 : i32
    %dma_wait3A_43 = tpu.memref_slice %dma_wait3A_40[%dma_wait3A_41, %dma_wait3A_42] : memref<10000x64xf32, #tpu.memory_space<hbm>> -> memref<10000x64xf32, #tpu.memory_space<hbm>>
    tpu.wait_indirect_dma semaphore(%arg16 : memref<!tpu.dma_semaphore, #tpu.memory_space<semaphore_mem>>) src(%dma_wait3A_43 : memref<10000x64xf32, #tpu.memory_space<hbm>>) dst(%arg11 : memref<128x64xf32, #tpu.memory_space<vmem>>)
    %dma_start3A_44 = arith.constant 0 : i32
    %dma_start3A_45 = arith.constant 0 : i32
    %dma_start3A_46 = tpu.memref_slice %arg10[%dma_start3A_44, %dma_start3A_45] : memref<157x128xi32, #tpu.memory_space<vmem>> -> memref<1x128xi32, #tpu.memory_space<vmem>>
    %dma_start3A_47 = tpu.memref_squeeze %dma_start3A_46 : memref<1x128xi32, #tpu.memory_space<vmem>> -> memref<128xi32, #tpu.memory_space<vmem>>
    %dma_start3A_48 = arith.constant 0 : i32
    %dma_start3A_49 = arith.constant 0 : i32
    %dma_start3A_50 = tpu.memref_slice %arg15[%dma_start3A_48, %dma_start3A_49] : memref<10240x64xf32, #tpu.memory_space<vmem_shared>> -> memref<10240x64xf32, #tpu.memory_space<vmem_shared>>
    tpu.enqueue_indirect_dma source(%arg11 : memref<128x64xf32, #tpu.memory_space<vmem>>) target(%dma_start3A_50 : memref<10240x64xf32, #tpu.memory_space<vmem_shared>>) offsets(%dma_start3A_47 : memref<128xi32, #tpu.memory_space<vmem>>) semaphore(%arg20 : memref<!tpu.dma_semaphore, #tpu.memory_space<semaphore_mem>>) {add = true}
    %dma_start3A_51 = arith.constant 3 : i32
    %dma_start3A_52 = arith.constant 0 : i32
    %dma_start3A_53 = tpu.memref_slice %arg9[%dma_start3A_51, %dma_start3A_52] : memref<157x128xi32, #tpu.memory_space<vmem>> -> memref<1x128xi32, #tpu.memory_space<vmem>>
    %dma_start3A_54 = tpu.memref_squeeze %dma_start3A_53 : memref<1x128xi32, #tpu.memory_space<vmem>> -> memref<128xi32, #tpu.memory_space<vmem>>
    %dma_start3A_55 = arith.constant 0 : i32
    %dma_start3A_56 = arith.constant 0 : i32
    %dma_start3A_57 = tpu.memref_slice %arg2[%arg0, %dma_start3A_55, %dma_start3A_56] : memref<2x10000x64xf32, #tpu.memory_space<hbm>> -> memref<1x10000x64xf32, #tpu.memory_space<hbm>>
    %dma_start3A_58 = tpu.memref_squeeze %dma_start3A_57 : memref<1x10000x64xf32, #tpu.memory_space<hbm>> -> memref<10000x64xf32, #tpu.memory_space<hbm>>
    %dma_start3A_59 = arith.constant 0 : i32
    %dma_start3A_60 = arith.constant 0 : i32
    %dma_start3A_61 = tpu.memref_slice %dma_start3A_58[%dma_start3A_59, %dma_start3A_60] : memref<10000x64xf32, #tpu.memory_space<hbm>> -> memref<10000x64xf32, #tpu.memory_space<hbm>>
    tpu.enqueue_indirect_dma source(%dma_start3A_61 : memref<10000x64xf32, #tpu.memory_space<hbm>>) target(%arg14 : memref<128x64xf32, #tpu.memory_space<vmem>>) offsets(%dma_start3A_54 : memref<128xi32, #tpu.memory_space<vmem>>) semaphore(%arg19 : memref<!tpu.dma_semaphore, #tpu.memory_space<semaphore_mem>>)
    %eq3A = arith.constant 0 : i32
    %eq3A_62 = arith.cmpi eq, %arg0, %eq3A : i32
    %convert_element_type3A = arith.extui %eq3A_62 : i1 to i32
    %cond3A = arith.constant 0 : i32
    %cond3A_63 = arith.cmpi ne, %convert_element_type3A, %cond3A : i32
    scf.if %cond3A_63 {
      %get3A = arith.constant 0 : i32
      %get3A_126 = arith.index_cast %get3A : i32 to index
      %get3A_127 = arith.constant 0 : index
      %get3A_128 = tpu.vector_load %arg10[%get3A_126, %get3A_127] {strides = array<i32>} : memref<157x128xi32, #tpu.memory_space<vmem>>, vector<16xi32>,
      tpu.vector_store_idx %arg22[%get3A_128], %broadcast_in_dim3A_1 {add = true} : memref<10240xf32, #tpu.memory_space<vmem>>[vector<16xi32>], vector<16xf32>,
      %get3A_129 = arith.constant 0 : i32
      %get3A_130 = arith.index_cast %get3A_129 : i32 to index
      %get3A_131 = arith.constant 16 : index
      %get3A_132 = tpu.vector_load %arg10[%get3A_130, %get3A_131] {strides = array<i32>} : memref<157x128xi32, #tpu.memory_space<vmem>>, vector<16xi32>,
      tpu.vector_store_idx %arg22[%get3A_132], %broadcast_in_dim3A_1 {add = true} : memref<10240xf32, #tpu.memory_space<vmem>>[vector<16xi32>], vector<16xf32>,
      %get3A_133 = arith.constant 0 : i32
      %get3A_134 = arith.index_cast %get3A_133 : i32 to index
      %get3A_135 = arith.constant 32 : index
      %get3A_136 = tpu.vector_load %arg10[%get3A_134, %get3A_135] {strides = array<i32>} : memref<157x128xi32, #tpu.memory_space<vmem>>, vector<16xi32>,
      tpu.vector_store_idx %arg22[%get3A_136], %broadcast_in_dim3A_1 {add = true} : memref<10240xf32, #tpu.memory_space<vmem>>[vector<16xi32>], vector<16xf32>,
      %get3A_137 = arith.constant 0 : i32
      %get3A_138 = arith.index_cast %get3A_137 : i32 to index
      %get3A_139 = arith.constant 48 : index
      %get3A_140 = tpu.vector_load %arg10[%get3A_138, %get3A_139] {strides = array<i32>} : memref<157x128xi32, #tpu.memory_space<vmem>>, vector<16xi32>,
      tpu.vector_store_idx %arg22[%get3A_140], %broadcast_in_dim3A_1 {add = true} : memref<10240xf32, #tpu.memory_space<vmem>>[vector<16xi32>], vector<16xf32>,
      %get3A_141 = arith.constant 0 : i32
      %get3A_142 = arith.index_cast %get3A_141 : i32 to index
      %get3A_143 = arith.constant 64 : index
      %get3A_144 = tpu.vector_load %arg10[%get3A_142, %get3A_143] {strides = array<i32>} : memref<157x128xi32, #tpu.memory_space<vmem>>, vector<16xi32>,
      tpu.vector_store_idx %arg22[%get3A_144], %broadcast_in_dim3A_1 {add = true} : memref<10240xf32, #tpu.memory_space<vmem>>[vector<16xi32>], vector<16xf32>,
      %get3A_145 = arith.constant 0 : i32
      %get3A_146 = arith.index_cast %get3A_145 : i32 to index
      %get3A_147 = arith.constant 80 : index
      %get3A_148 = tpu.vector_load %arg10[%get3A_146, %get3A_147] {strides = array<i32>} : memref<157x128xi32, #tpu.memory_space<vmem>>, vector<16xi32>,
      tpu.vector_store_idx %arg22[%get3A_148], %broadcast_in_dim3A_1 {add = true} : memref<10240xf32, #tpu.memory_space<vmem>>[vector<16xi32>], vector<16xf32>,
      %get3A_149 = arith.constant 0 : i32
      %get3A_150 = arith.index_cast %get3A_149 : i32 to index
      %get3A_151 = arith.constant 96 : index
      %get3A_152 = tpu.vector_load %arg10[%get3A_150, %get3A_151] {strides = array<i32>} : memref<157x128xi32, #tpu.memory_space<vmem>>, vector<16xi32>,
      tpu.vector_store_idx %arg22[%get3A_152], %broadcast_in_dim3A_1 {add = true} : memref<10240xf32, #tpu.memory_space<vmem>>[vector<16xi32>], vector<16xf32>,
      %get3A_153 = arith.constant 0 : i32
      %get3A_154 = arith.index_cast %get3A_153 : i32 to index
      %get3A_155 = arith.constant 112 : index
      %get3A_156 = tpu.vector_load %arg10[%get3A_154, %get3A_155] {strides = array<i32>} : memref<157x128xi32, #tpu.memory_space<vmem>>, vector<16xi32>,
      tpu.vector_store_idx %arg22[%get3A_156], %broadcast_in_dim3A_1 {add = true} : memref<10240xf32, #tpu.memory_space<vmem>>[vector<16xi32>], vector<16xf32>,
    } else {
    }
    %scan3A = arith.constant 0 : i32
    %scan3A_64 = arith.constant 153 : i32
    %scan3A_65 = arith.addi %scan3A, %scan3A_64 : i32
    %scan3A_66 = arith.constant 1 : i32
    scf.for %scan3A_126 = %scan3A to %scan3A_65 step %scan3A_66  : i32 {
      %mul3A_127 = arith.constant 1 : i32
      %mul3A_128 = arith.muli %scan3A_126, %mul3A_127 : i32
      %add3A = arith.constant 1 : i32
      %add3A_129 = arith.addi %add3A, %mul3A_128 : i32
      %rem3A = arith.constant 4 : i32
      %rem3A_130 = arith.remsi %add3A_129, %rem3A : i32
      %eq3A_131 = arith.constant 0 : i32
      %eq3A_132 = arith.cmpi eq, %rem3A_130, %eq3A_131 : i32
      %convert_element_type3A_133 = arith.extui %eq3A_132 : i1 to i32
      %cond3A_134 = arith.constant 0 : i32
      %cond3A_135 = arith.cmpi ne, %convert_element_type3A_133, %cond3A_134 : i32
      scf.if %cond3A_135 {
        %dma_wait3A_157 = arith.constant 0 : i32
        %dma_wait3A_158 = tpu.memref_slice %arg9[%add3A_129, %dma_wait3A_157] : memref<157x128xi32, #tpu.memory_space<vmem>> -> memref<1x128xi32, #tpu.memory_space<vmem>>
        %dma_wait3A_159 = tpu.memref_squeeze %dma_wait3A_158 : memref<1x128xi32, #tpu.memory_space<vmem>> -> memref<128xi32, #tpu.memory_space<vmem>>
        %dma_wait3A_160 = arith.constant 0 : i32
        %dma_wait3A_161 = arith.constant 0 : i32
        %dma_wait3A_162 = tpu.memref_slice %arg2[%arg0, %dma_wait3A_160, %dma_wait3A_161] : memref<2x10000x64xf32, #tpu.memory_space<hbm>> -> memref<1x10000x64xf32, #tpu.memory_space<hbm>>
        %dma_wait3A_163 = tpu.memref_squeeze %dma_wait3A_162 : memref<1x10000x64xf32, #tpu.memory_space<hbm>> -> memref<10000x64xf32, #tpu.memory_space<hbm>>
        %dma_wait3A_164 = arith.constant 0 : i32
        %dma_wait3A_165 = arith.constant 0 : i32
        %dma_wait3A_166 = tpu.memref_slice %dma_wait3A_163[%dma_wait3A_164, %dma_wait3A_165] : memref<10000x64xf32, #tpu.memory_space<hbm>> -> memref<10000x64xf32, #tpu.memory_space<hbm>>
        tpu.wait_indirect_dma semaphore(%arg16 : memref<!tpu.dma_semaphore, #tpu.memory_space<semaphore_mem>>) src(%dma_wait3A_166 : memref<10000x64xf32, #tpu.memory_space<hbm>>) dst(%arg11 : memref<128x64xf32, #tpu.memory_space<vmem>>)
        %dma_start3A_167 = arith.constant 0 : i32
        %dma_start3A_168 = tpu.memref_slice %arg10[%add3A_129, %dma_start3A_167] : memref<157x128xi32, #tpu.memory_space<vmem>> -> memref<1x128xi32, #tpu.memory_space<vmem>>
        %dma_start3A_169 = tpu.memref_squeeze %dma_start3A_168 : memref<1x128xi32, #tpu.memory_space<vmem>> -> memref<128xi32, #tpu.memory_space<vmem>>
        %dma_start3A_170 = arith.constant 0 : i32
        %dma_start3A_171 = arith.constant 0 : i32
        %dma_start3A_172 = tpu.memref_slice %arg15[%dma_start3A_170, %dma_start3A_171] : memref<10240x64xf32, #tpu.memory_space<vmem_shared>> -> memref<10240x64xf32, #tpu.memory_space<vmem_shared>>
        tpu.enqueue_indirect_dma source(%arg11 : memref<128x64xf32, #tpu.memory_space<vmem>>) target(%dma_start3A_172 : memref<10240x64xf32, #tpu.memory_space<vmem_shared>>) offsets(%dma_start3A_169 : memref<128xi32, #tpu.memory_space<vmem>>) semaphore(%arg20 : memref<!tpu.dma_semaphore, #tpu.memory_space<semaphore_mem>>) {add = true}
        %sub3A = arith.constant 1 : i32
        %sub3A_173 = arith.subi %add3A_129, %sub3A : i32
        %dma_wait3A_174 = arith.constant 0 : i32
        %dma_wait3A_175 = tpu.memref_slice %arg10[%sub3A_173, %dma_wait3A_174] : memref<157x128xi32, #tpu.memory_space<vmem>> -> memref<1x128xi32, #tpu.memory_space<vmem>>
        %dma_wait3A_176 = tpu.memref_squeeze %dma_wait3A_175 : memref<1x128xi32, #tpu.memory_space<vmem>> -> memref<128xi32, #tpu.memory_space<vmem>>
        %dma_wait3A_177 = arith.constant 0 : i32
        %dma_wait3A_178 = arith.constant 0 : i32
        %dma_wait3A_179 = tpu.memref_slice %arg15[%dma_wait3A_177, %dma_wait3A_178] : memref<10240x64xf32, #tpu.memory_space<vmem_shared>> -> memref<10240x64xf32, #tpu.memory_space<vmem_shared>>
        tpu.wait_indirect_dma semaphore(%arg21 : memref<!tpu.dma_semaphore, #tpu.memory_space<semaphore_mem>>) src(%arg14 : memref<128x64xf32, #tpu.memory_space<vmem>>) dst(%dma_wait3A_179 : memref<10240x64xf32, #tpu.memory_space<vmem_shared>>)
        %add3A_180 = arith.constant 4 : i32
        %add3A_181 = arith.addi %add3A_129, %add3A_180 : i32
        %sub3A_182 = arith.constant 1 : i32
        %sub3A_183 = arith.subi %add3A_181, %sub3A_182 : i32
        %dma_start3A_184 = arith.constant 0 : i32
        %dma_start3A_185 = tpu.memref_slice %arg9[%sub3A_183, %dma_start3A_184] : memref<157x128xi32, #tpu.memory_space<vmem>> -> memref<1x128xi32, #tpu.memory_space<vmem>>
        %dma_start3A_186 = tpu.memref_squeeze %dma_start3A_185 : memref<1x128xi32, #tpu.memory_space<vmem>> -> memref<128xi32, #tpu.memory_space<vmem>>
        %dma_start3A_187 = arith.constant 0 : i32
        %dma_start3A_188 = arith.constant 0 : i32
        %dma_start3A_189 = tpu.memref_slice %arg2[%arg0, %dma_start3A_187, %dma_start3A_188] : memref<2x10000x64xf32, #tpu.memory_space<hbm>> -> memref<1x10000x64xf32, #tpu.memory_space<hbm>>
        %dma_start3A_190 = tpu.memref_squeeze %dma_start3A_189 : memref<1x10000x64xf32, #tpu.memory_space<hbm>> -> memref<10000x64xf32, #tpu.memory_space<hbm>>
        %dma_start3A_191 = arith.constant 0 : i32
        %dma_start3A_192 = arith.constant 0 : i32
        %dma_start3A_193 = tpu.memref_slice %dma_start3A_190[%dma_start3A_191, %dma_start3A_192] : memref<10000x64xf32, #tpu.memory_space<hbm>> -> memref<10000x64xf32, #tpu.memory_space<hbm>>
        tpu.enqueue_indirect_dma source(%dma_start3A_193 : memref<10000x64xf32, #tpu.memory_space<hbm>>) target(%arg14 : memref<128x64xf32, #tpu.memory_space<vmem>>) offsets(%dma_start3A_186 : memref<128xi32, #tpu.memory_space<vmem>>) semaphore(%arg19 : memref<!tpu.dma_semaphore, #tpu.memory_space<semaphore_mem>>)
        %eq3A_194 = arith.constant 0 : i32
        %eq3A_195 = arith.cmpi eq, %arg0, %eq3A_194 : i32
        %convert_element_type3A_196 = arith.extui %eq3A_195 : i1 to i32
        %cond3A_197 = arith.constant 0 : i32
        %cond3A_198 = arith.cmpi ne, %convert_element_type3A_196, %cond3A_197 : i32
        scf.if %cond3A_198 {
          %get3A = arith.index_cast %add3A_129 : i32 to index
          %get3A_199 = arith.constant 0 : index
          %get3A_200 = tpu.vector_load %arg10[%get3A, %get3A_199] {strides = array<i32>} : memref<157x128xi32, #tpu.memory_space<vmem>>, vector<16xi32>,
          tpu.vector_store_idx %arg22[%get3A_200], %broadcast_in_dim3A_1 {add = true} : memref<10240xf32, #tpu.memory_space<vmem>>[vector<16xi32>], vector<16xf32>,
          %get3A_201 = arith.index_cast %add3A_129 : i32 to index
          %get3A_202 = arith.constant 16 : index
          %get3A_203 = tpu.vector_load %arg10[%get3A_201, %get3A_202] {strides = array<i32>} : memref<157x128xi32, #tpu.memory_space<vmem>>, vector<16xi32>,
          tpu.vector_store_idx %arg22[%get3A_203], %broadcast_in_dim3A_1 {add = true} : memref<10240xf32, #tpu.memory_space<vmem>>[vector<16xi32>], vector<16xf32>,
          %get3A_204 = arith.index_cast %add3A_129 : i32 to index
          %get3A_205 = arith.constant 32 : index
          %get3A_206 = tpu.vector_load %arg10[%get3A_204, %get3A_205] {strides = array<i32>} : memref<157x128xi32, #tpu.memory_space<vmem>>, vector<16xi32>,
          tpu.vector_store_idx %arg22[%get3A_206], %broadcast_in_dim3A_1 {add = true} : memref<10240xf32, #tpu.memory_space<vmem>>[vector<16xi32>], vector<16xf32>,
          %get3A_207 = arith.index_cast %add3A_129 : i32 to index
          %get3A_208 = arith.constant 48 : index
          %get3A_209 = tpu.vector_load %arg10[%get3A_207, %get3A_208] {strides = array<i32>} : memref<157x128xi32, #tpu.memory_space<vmem>>, vector<16xi32>,
          tpu.vector_store_idx %arg22[%get3A_209], %broadcast_in_dim3A_1 {add = true} : memref<10240xf32, #tpu.memory_space<vmem>>[vector<16xi32>], vector<16xf32>,
          %get3A_210 = arith.index_cast %add3A_129 : i32 to index
          %get3A_211 = arith.constant 64 : index
          %get3A_212 = tpu.vector_load %arg10[%get3A_210, %get3A_211] {strides = array<i32>} : memref<157x128xi32, #tpu.memory_space<vmem>>, vector<16xi32>,
          tpu.vector_store_idx %arg22[%get3A_212], %broadcast_in_dim3A_1 {add = true} : memref<10240xf32, #tpu.memory_space<vmem>>[vector<16xi32>], vector<16xf32>,
          %get3A_213 = arith.index_cast %add3A_129 : i32 to index
          %get3A_214 = arith.constant 80 : index
          %get3A_215 = tpu.vector_load %arg10[%get3A_213, %get3A_214] {strides = array<i32>} : memref<157x128xi32, #tpu.memory_space<vmem>>, vector<16xi32>,
          tpu.vector_store_idx %arg22[%get3A_215], %broadcast_in_dim3A_1 {add = true} : memref<10240xf32, #tpu.memory_space<vmem>>[vector<16xi32>], vector<16xf32>,
          %get3A_216 = arith.index_cast %add3A_129 : i32 to index
          %get3A_217 = arith.constant 96 : index
          %get3A_218 = tpu.vector_load %arg10[%get3A_216, %get3A_217] {strides = array<i32>} : memref<157x128xi32, #tpu.memory_space<vmem>>, vector<16xi32>,
          tpu.vector_store_idx %arg22[%get3A_218], %broadcast_in_dim3A_1 {add = true} : memref<10240xf32, #tpu.memory_space<vmem>>[vector<16xi32>], vector<16xf32>,
          %get3A_219 = arith.index_cast %add3A_129 : i32 to index
          %get3A_220 = arith.constant 112 : index
          %get3A_221 = tpu.vector_load %arg10[%get3A_219, %get3A_220] {strides = array<i32>} : memref<157x128xi32, #tpu.memory_space<vmem>>, vector<16xi32>,
          tpu.vector_store_idx %arg22[%get3A_221], %broadcast_in_dim3A_1 {add = true} : memref<10240xf32, #tpu.memory_space<vmem>>[vector<16xi32>], vector<16xf32>,
        } else {
        }
      } else {
      }
      %rem3A_136 = arith.constant 4 : i32
      %rem3A_137 = arith.remsi %add3A_129, %rem3A_136 : i32
      %eq3A_138 = arith.constant 1 : i32
      %eq3A_139 = arith.cmpi eq, %rem3A_137, %eq3A_138 : i32
      %convert_element_type3A_140 = arith.extui %eq3A_139 : i1 to i32
      %cond3A_141 = arith.constant 0 : i32
      %cond3A_142 = arith.cmpi ne, %convert_element_type3A_140, %cond3A_141 : i32
      scf.if %cond3A_142 {
        %dma_wait3A_157 = arith.constant 0 : i32
        %dma_wait3A_158 = tpu.memref_slice %arg9[%add3A_129, %dma_wait3A_157] : memref<157x128xi32, #tpu.memory_space<vmem>> -> memref<1x128xi32, #tpu.memory_space<vmem>>
        %dma_wait3A_159 = tpu.memref_squeeze %dma_wait3A_158 : memref<1x128xi32, #tpu.memory_space<vmem>> -> memref<128xi32, #tpu.memory_space<vmem>>
        %dma_wait3A_160 = arith.constant 0 : i32
        %dma_wait3A_161 = arith.constant 0 : i32
        %dma_wait3A_162 = tpu.memref_slice %arg2[%arg0, %dma_wait3A_160, %dma_wait3A_161] : memref<2x10000x64xf32, #tpu.memory_space<hbm>> -> memref<1x10000x64xf32, #tpu.memory_space<hbm>>
        %dma_wait3A_163 = tpu.memref_squeeze %dma_wait3A_162 : memref<1x10000x64xf32, #tpu.memory_space<hbm>> -> memref<10000x64xf32, #tpu.memory_space<hbm>>
        %dma_wait3A_164 = arith.constant 0 : i32
        %dma_wait3A_165 = arith.constant 0 : i32
        %dma_wait3A_166 = tpu.memref_slice %dma_wait3A_163[%dma_wait3A_164, %dma_wait3A_165] : memref<10000x64xf32, #tpu.memory_space<hbm>> -> memref<10000x64xf32, #tpu.memory_space<hbm>>
        tpu.wait_indirect_dma semaphore(%arg17 : memref<!tpu.dma_semaphore, #tpu.memory_space<semaphore_mem>>) src(%dma_wait3A_166 : memref<10000x64xf32, #tpu.memory_space<hbm>>) dst(%arg12 : memref<128x64xf32, #tpu.memory_space<vmem>>)
        %dma_start3A_167 = arith.constant 0 : i32
        %dma_start3A_168 = tpu.memref_slice %arg10[%add3A_129, %dma_start3A_167] : memref<157x128xi32, #tpu.memory_space<vmem>> -> memref<1x128xi32, #tpu.memory_space<vmem>>
        %dma_start3A_169 = tpu.memref_squeeze %dma_start3A_168 : memref<1x128xi32, #tpu.memory_space<vmem>> -> memref<128xi32, #tpu.memory_space<vmem>>
        %dma_start3A_170 = arith.constant 0 : i32
        %dma_start3A_171 = arith.constant 0 : i32
        %dma_start3A_172 = tpu.memref_slice %arg15[%dma_start3A_170, %dma_start3A_171] : memref<10240x64xf32, #tpu.memory_space<vmem_shared>> -> memref<10240x64xf32, #tpu.memory_space<vmem_shared>>
        tpu.enqueue_indirect_dma source(%arg12 : memref<128x64xf32, #tpu.memory_space<vmem>>) target(%dma_start3A_172 : memref<10240x64xf32, #tpu.memory_space<vmem_shared>>) offsets(%dma_start3A_169 : memref<128xi32, #tpu.memory_space<vmem>>) semaphore(%arg21 : memref<!tpu.dma_semaphore, #tpu.memory_space<semaphore_mem>>) {add = true}
        %sub3A = arith.constant 1 : i32
        %sub3A_173 = arith.subi %add3A_129, %sub3A : i32
        %dma_wait3A_174 = arith.constant 0 : i32
        %dma_wait3A_175 = tpu.memref_slice %arg10[%sub3A_173, %dma_wait3A_174] : memref<157x128xi32, #tpu.memory_space<vmem>> -> memref<1x128xi32, #tpu.memory_space<vmem>>
        %dma_wait3A_176 = tpu.memref_squeeze %dma_wait3A_175 : memref<1x128xi32, #tpu.memory_space<vmem>> -> memref<128xi32, #tpu.memory_space<vmem>>
        %dma_wait3A_177 = arith.constant 0 : i32
        %dma_wait3A_178 = arith.constant 0 : i32
        %dma_wait3A_179 = tpu.memref_slice %arg15[%dma_wait3A_177, %dma_wait3A_178] : memref<10240x64xf32, #tpu.memory_space<vmem_shared>> -> memref<10240x64xf32, #tpu.memory_space<vmem_shared>>
        tpu.wait_indirect_dma semaphore(%arg20 : memref<!tpu.dma_semaphore, #tpu.memory_space<semaphore_mem>>) src(%arg11 : memref<128x64xf32, #tpu.memory_space<vmem>>) dst(%dma_wait3A_179 : memref<10240x64xf32, #tpu.memory_space<vmem_shared>>)
        %add3A_180 = arith.constant 4 : i32
        %add3A_181 = arith.addi %add3A_129, %add3A_180 : i32
        %sub3A_182 = arith.constant 1 : i32
        %sub3A_183 = arith.subi %add3A_181, %sub3A_182 : i32
        %dma_start3A_184 = arith.constant 0 : i32
        %dma_start3A_185 = tpu.memref_slice %arg9[%sub3A_183, %dma_start3A_184] : memref<157x128xi32, #tpu.memory_space<vmem>> -> memref<1x128xi32, #tpu.memory_space<vmem>>
        %dma_start3A_186 = tpu.memref_squeeze %dma_start3A_185 : memref<1x128xi32, #tpu.memory_space<vmem>> -> memref<128xi32, #tpu.memory_space<vmem>>
        %dma_start3A_187 = arith.constant 0 : i32
        %dma_start3A_188 = arith.constant 0 : i32
        %dma_start3A_189 = tpu.memref_slice %arg2[%arg0, %dma_start3A_187, %dma_start3A_188] : memref<2x10000x64xf32, #tpu.memory_space<hbm>> -> memref<1x10000x64xf32, #tpu.memory_space<hbm>>
        %dma_start3A_190 = tpu.memref_squeeze %dma_start3A_189 : memref<1x10000x64xf32, #tpu.memory_space<hbm>> -> memref<10000x64xf32, #tpu.memory_space<hbm>>
        %dma_start3A_191 = arith.constant 0 : i32
        %dma_start3A_192 = arith.constant 0 : i32
        %dma_start3A_193 = tpu.memref_slice %dma_start3A_190[%dma_start3A_191, %dma_start3A_192] : memref<10000x64xf32, #tpu.memory_space<hbm>> -> memref<10000x64xf32, #tpu.memory_space<hbm>>
        tpu.enqueue_indirect_dma source(%dma_start3A_193 : memref<10000x64xf32, #tpu.memory_space<hbm>>) target(%arg11 : memref<128x64xf32, #tpu.memory_space<vmem>>) offsets(%dma_start3A_186 : memref<128xi32, #tpu.memory_space<vmem>>) semaphore(%arg16 : memref<!tpu.dma_semaphore, #tpu.memory_space<semaphore_mem>>)
        %eq3A_194 = arith.constant 1 : i32
        %eq3A_195 = arith.cmpi eq, %arg0, %eq3A_194 : i32
        %convert_element_type3A_196 = arith.extui %eq3A_195 : i1 to i32
        %cond3A_197 = arith.constant 0 : i32
        %cond3A_198 = arith.cmpi ne, %convert_element_type3A_196, %cond3A_197 : i32
        scf.if %cond3A_198 {
          %get3A = arith.index_cast %add3A_129 : i32 to index
          %get3A_199 = arith.constant 0 : index
          %get3A_200 = tpu.vector_load %arg10[%get3A, %get3A_199] {strides = array<i32>} : memref<157x128xi32, #tpu.memory_space<vmem>>, vector<16xi32>,
          tpu.vector_store_idx %arg22[%get3A_200], %broadcast_in_dim3A_1 {add = true} : memref<10240xf32, #tpu.memory_space<vmem>>[vector<16xi32>], vector<16xf32>,
          %get3A_201 = arith.index_cast %add3A_129 : i32 to index
          %get3A_202 = arith.constant 16 : index
          %get3A_203 = tpu.vector_load %arg10[%get3A_201, %get3A_202] {strides = array<i32>} : memref<157x128xi32, #tpu.memory_space<vmem>>, vector<16xi32>,
          tpu.vector_store_idx %arg22[%get3A_203], %broadcast_in_dim3A_1 {add = true} : memref<10240xf32, #tpu.memory_space<vmem>>[vector<16xi32>], vector<16xf32>,
          %get3A_204 = arith.index_cast %add3A_129 : i32 to index
          %get3A_205 = arith.constant 32 : index
          %get3A_206 = tpu.vector_load %arg10[%get3A_204, %get3A_205] {strides = array<i32>} : memref<157x128xi32, #tpu.memory_space<vmem>>, vector<16xi32>,
          tpu.vector_store_idx %arg22[%get3A_206], %broadcast_in_dim3A_1 {add = true} : memref<10240xf32, #tpu.memory_space<vmem>>[vector<16xi32>], vector<16xf32>,
          %get3A_207 = arith.index_cast %add3A_129 : i32 to index
          %get3A_208 = arith.constant 48 : index
          %get3A_209 = tpu.vector_load %arg10[%get3A_207, %get3A_208] {strides = array<i32>} : memref<157x128xi32, #tpu.memory_space<vmem>>, vector<16xi32>,
          tpu.vector_store_idx %arg22[%get3A_209], %broadcast_in_dim3A_1 {add = true} : memref<10240xf32, #tpu.memory_space<vmem>>[vector<16xi32>], vector<16xf32>,
          %get3A_210 = arith.index_cast %add3A_129 : i32 to index
          %get3A_211 = arith.constant 64 : index
          %get3A_212 = tpu.vector_load %arg10[%get3A_210, %get3A_211] {strides = array<i32>} : memref<157x128xi32, #tpu.memory_space<vmem>>, vector<16xi32>,
          tpu.vector_store_idx %arg22[%get3A_212], %broadcast_in_dim3A_1 {add = true} : memref<10240xf32, #tpu.memory_space<vmem>>[vector<16xi32>], vector<16xf32>,
          %get3A_213 = arith.index_cast %add3A_129 : i32 to index
          %get3A_214 = arith.constant 80 : index
          %get3A_215 = tpu.vector_load %arg10[%get3A_213, %get3A_214] {strides = array<i32>} : memref<157x128xi32, #tpu.memory_space<vmem>>, vector<16xi32>,
          tpu.vector_store_idx %arg22[%get3A_215], %broadcast_in_dim3A_1 {add = true} : memref<10240xf32, #tpu.memory_space<vmem>>[vector<16xi32>], vector<16xf32>,
          %get3A_216 = arith.index_cast %add3A_129 : i32 to index
          %get3A_217 = arith.constant 96 : index
          %get3A_218 = tpu.vector_load %arg10[%get3A_216, %get3A_217] {strides = array<i32>} : memref<157x128xi32, #tpu.memory_space<vmem>>, vector<16xi32>,
          tpu.vector_store_idx %arg22[%get3A_218], %broadcast_in_dim3A_1 {add = true} : memref<10240xf32, #tpu.memory_space<vmem>>[vector<16xi32>], vector<16xf32>,
          %get3A_219 = arith.index_cast %add3A_129 : i32 to index
          %get3A_220 = arith.constant 112 : index
          %get3A_221 = tpu.vector_load %arg10[%get3A_219, %get3A_220] {strides = array<i32>} : memref<157x128xi32, #tpu.memory_space<vmem>>, vector<16xi32>,
          tpu.vector_store_idx %arg22[%get3A_221], %broadcast_in_dim3A_1 {add = true} : memref<10240xf32, #tpu.memory_space<vmem>>[vector<16xi32>], vector<16xf32>,
        } else {
        }
      } else {
      }
      %rem3A_143 = arith.constant 4 : i32
      %rem3A_144 = arith.remsi %add3A_129, %rem3A_143 : i32
      %eq3A_145 = arith.constant 2 : i32
      %eq3A_146 = arith.cmpi eq, %rem3A_144, %eq3A_145 : i32
      %convert_element_type3A_147 = arith.extui %eq3A_146 : i1 to i32
      %cond3A_148 = arith.constant 0 : i32
      %cond3A_149 = arith.cmpi ne, %convert_element_type3A_147, %cond3A_148 : i32
      scf.if %cond3A_149 {
        %dma_wait3A_157 = arith.constant 0 : i32
        %dma_wait3A_158 = tpu.memref_slice %arg9[%add3A_129, %dma_wait3A_157] : memref<157x128xi32, #tpu.memory_space<vmem>> -> memref<1x128xi32, #tpu.memory_space<vmem>>
        %dma_wait3A_159 = tpu.memref_squeeze %dma_wait3A_158 : memref<1x128xi32, #tpu.memory_space<vmem>> -> memref<128xi32, #tpu.memory_space<vmem>>
        %dma_wait3A_160 = arith.constant 0 : i32
        %dma_wait3A_161 = arith.constant 0 : i32
        %dma_wait3A_162 = tpu.memref_slice %arg2[%arg0, %dma_wait3A_160, %dma_wait3A_161] : memref<2x10000x64xf32, #tpu.memory_space<hbm>> -> memref<1x10000x64xf32, #tpu.memory_space<hbm>>
        %dma_wait3A_163 = tpu.memref_squeeze %dma_wait3A_162 : memref<1x10000x64xf32, #tpu.memory_space<hbm>> -> memref<10000x64xf32, #tpu.memory_space<hbm>>
        %dma_wait3A_164 = arith.constant 0 : i32
        %dma_wait3A_165 = arith.constant 0 : i32
        %dma_wait3A_166 = tpu.memref_slice %dma_wait3A_163[%dma_wait3A_164, %dma_wait3A_165] : memref<10000x64xf32, #tpu.memory_space<hbm>> -> memref<10000x64xf32, #tpu.memory_space<hbm>>
        tpu.wait_indirect_dma semaphore(%arg18 : memref<!tpu.dma_semaphore, #tpu.memory_space<semaphore_mem>>) src(%dma_wait3A_166 : memref<10000x64xf32, #tpu.memory_space<hbm>>) dst(%arg13 : memref<128x64xf32, #tpu.memory_space<vmem>>)
        %dma_start3A_167 = arith.constant 0 : i32
        %dma_start3A_168 = tpu.memref_slice %arg10[%add3A_129, %dma_start3A_167] : memref<157x128xi32, #tpu.memory_space<vmem>> -> memref<1x128xi32, #tpu.memory_space<vmem>>
        %dma_start3A_169 = tpu.memref_squeeze %dma_start3A_168 : memref<1x128xi32, #tpu.memory_space<vmem>> -> memref<128xi32, #tpu.memory_space<vmem>>
        %dma_start3A_170 = arith.constant 0 : i32
        %dma_start3A_171 = arith.constant 0 : i32
        %dma_start3A_172 = tpu.memref_slice %arg15[%dma_start3A_170, %dma_start3A_171] : memref<10240x64xf32, #tpu.memory_space<vmem_shared>> -> memref<10240x64xf32, #tpu.memory_space<vmem_shared>>
        tpu.enqueue_indirect_dma source(%arg13 : memref<128x64xf32, #tpu.memory_space<vmem>>) target(%dma_start3A_172 : memref<10240x64xf32, #tpu.memory_space<vmem_shared>>) offsets(%dma_start3A_169 : memref<128xi32, #tpu.memory_space<vmem>>) semaphore(%arg20 : memref<!tpu.dma_semaphore, #tpu.memory_space<semaphore_mem>>) {add = true}
        %sub3A = arith.constant 1 : i32
        %sub3A_173 = arith.subi %add3A_129, %sub3A : i32
        %dma_wait3A_174 = arith.constant 0 : i32
        %dma_wait3A_175 = tpu.memref_slice %arg10[%sub3A_173, %dma_wait3A_174] : memref<157x128xi32, #tpu.memory_space<vmem>> -> memref<1x128xi32, #tpu.memory_space<vmem>>
        %dma_wait3A_176 = tpu.memref_squeeze %dma_wait3A_175 : memref<1x128xi32, #tpu.memory_space<vmem>> -> memref<128xi32, #tpu.memory_space<vmem>>
        %dma_wait3A_177 = arith.constant 0 : i32
        %dma_wait3A_178 = arith.constant 0 : i32
        %dma_wait3A_179 = tpu.memref_slice %arg15[%dma_wait3A_177, %dma_wait3A_178] : memref<10240x64xf32, #tpu.memory_space<vmem_shared>> -> memref<10240x64xf32, #tpu.memory_space<vmem_shared>>
        tpu.wait_indirect_dma semaphore(%arg21 : memref<!tpu.dma_semaphore, #tpu.memory_space<semaphore_mem>>) src(%arg12 : memref<128x64xf32, #tpu.memory_space<vmem>>) dst(%dma_wait3A_179 : memref<10240x64xf32, #tpu.memory_space<vmem_shared>>)
        %add3A_180 = arith.constant 4 : i32
        %add3A_181 = arith.addi %add3A_129, %add3A_180 : i32
        %sub3A_182 = arith.constant 1 : i32
        %sub3A_183 = arith.subi %add3A_181, %sub3A_182 : i32
        %dma_start3A_184 = arith.constant 0 : i32
        %dma_start3A_185 = tpu.memref_slice %arg9[%sub3A_183, %dma_start3A_184] : memref<157x128xi32, #tpu.memory_space<vmem>> -> memref<1x128xi32, #tpu.memory_space<vmem>>
        %dma_start3A_186 = tpu.memref_squeeze %dma_start3A_185 : memref<1x128xi32, #tpu.memory_space<vmem>> -> memref<128xi32, #tpu.memory_space<vmem>>
        %dma_start3A_187 = arith.constant 0 : i32
        %dma_start3A_188 = arith.constant 0 : i32
        %dma_start3A_189 = tpu.memref_slice %arg2[%arg0, %dma_start3A_187, %dma_start3A_188] : memref<2x10000x64xf32, #tpu.memory_space<hbm>> -> memref<1x10000x64xf32, #tpu.memory_space<hbm>>
        %dma_start3A_190 = tpu.memref_squeeze %dma_start3A_189 : memref<1x10000x64xf32, #tpu.memory_space<hbm>> -> memref<10000x64xf32, #tpu.memory_space<hbm>>
        %dma_start3A_191 = arith.constant 0 : i32
        %dma_start3A_192 = arith.constant 0 : i32
        %dma_start3A_193 = tpu.memref_slice %dma_start3A_190[%dma_start3A_191, %dma_start3A_192] : memref<10000x64xf32, #tpu.memory_space<hbm>> -> memref<10000x64xf32, #tpu.memory_space<hbm>>
        tpu.enqueue_indirect_dma source(%dma_start3A_193 : memref<10000x64xf32, #tpu.memory_space<hbm>>) target(%arg12 : memref<128x64xf32, #tpu.memory_space<vmem>>) offsets(%dma_start3A_186 : memref<128xi32, #tpu.memory_space<vmem>>) semaphore(%arg17 : memref<!tpu.dma_semaphore, #tpu.memory_space<semaphore_mem>>)
        %eq3A_194 = arith.constant 0 : i32
        %eq3A_195 = arith.cmpi eq, %arg0, %eq3A_194 : i32
        %convert_element_type3A_196 = arith.extui %eq3A_195 : i1 to i32
        %cond3A_197 = arith.constant 0 : i32
        %cond3A_198 = arith.cmpi ne, %convert_element_type3A_196, %cond3A_197 : i32
        scf.if %cond3A_198 {
          %get3A = arith.index_cast %add3A_129 : i32 to index
          %get3A_199 = arith.constant 0 : index
          %get3A_200 = tpu.vector_load %arg10[%get3A, %get3A_199] {strides = array<i32>} : memref<157x128xi32, #tpu.memory_space<vmem>>, vector<16xi32>,
          tpu.vector_store_idx %arg22[%get3A_200], %broadcast_in_dim3A_1 {add = true} : memref<10240xf32, #tpu.memory_space<vmem>>[vector<16xi32>], vector<16xf32>,
          %get3A_201 = arith.index_cast %add3A_129 : i32 to index
          %get3A_202 = arith.constant 16 : index
          %get3A_203 = tpu.vector_load %arg10[%get3A_201, %get3A_202] {strides = array<i32>} : memref<157x128xi32, #tpu.memory_space<vmem>>, vector<16xi32>,
          tpu.vector_store_idx %arg22[%get3A_203], %broadcast_in_dim3A_1 {add = true} : memref<10240xf32, #tpu.memory_space<vmem>>[vector<16xi32>], vector<16xf32>,
          %get3A_204 = arith.index_cast %add3A_129 : i32 to index
          %get3A_205 = arith.constant 32 : index
          %get3A_206 = tpu.vector_load %arg10[%get3A_204, %get3A_205] {strides = array<i32>} : memref<157x128xi32, #tpu.memory_space<vmem>>, vector<16xi32>,
          tpu.vector_store_idx %arg22[%get3A_206], %broadcast_in_dim3A_1 {add = true} : memref<10240xf32, #tpu.memory_space<vmem>>[vector<16xi32>], vector<16xf32>,
          %get3A_207 = arith.index_cast %add3A_129 : i32 to index
          %get3A_208 = arith.constant 48 : index
          %get3A_209 = tpu.vector_load %arg10[%get3A_207, %get3A_208] {strides = array<i32>} : memref<157x128xi32, #tpu.memory_space<vmem>>, vector<16xi32>,
          tpu.vector_store_idx %arg22[%get3A_209], %broadcast_in_dim3A_1 {add = true} : memref<10240xf32, #tpu.memory_space<vmem>>[vector<16xi32>], vector<16xf32>,
          %get3A_210 = arith.index_cast %add3A_129 : i32 to index
          %get3A_211 = arith.constant 64 : index
          %get3A_212 = tpu.vector_load %arg10[%get3A_210, %get3A_211] {strides = array<i32>} : memref<157x128xi32, #tpu.memory_space<vmem>>, vector<16xi32>,
          tpu.vector_store_idx %arg22[%get3A_212], %broadcast_in_dim3A_1 {add = true} : memref<10240xf32, #tpu.memory_space<vmem>>[vector<16xi32>], vector<16xf32>,
          %get3A_213 = arith.index_cast %add3A_129 : i32 to index
          %get3A_214 = arith.constant 80 : index
          %get3A_215 = tpu.vector_load %arg10[%get3A_213, %get3A_214] {strides = array<i32>} : memref<157x128xi32, #tpu.memory_space<vmem>>, vector<16xi32>,
          tpu.vector_store_idx %arg22[%get3A_215], %broadcast_in_dim3A_1 {add = true} : memref<10240xf32, #tpu.memory_space<vmem>>[vector<16xi32>], vector<16xf32>,
          %get3A_216 = arith.index_cast %add3A_129 : i32 to index
          %get3A_217 = arith.constant 96 : index
          %get3A_218 = tpu.vector_load %arg10[%get3A_216, %get3A_217] {strides = array<i32>} : memref<157x128xi32, #tpu.memory_space<vmem>>, vector<16xi32>,
          tpu.vector_store_idx %arg22[%get3A_218], %broadcast_in_dim3A_1 {add = true} : memref<10240xf32, #tpu.memory_space<vmem>>[vector<16xi32>], vector<16xf32>,
          %get3A_219 = arith.index_cast %add3A_129 : i32 to index
          %get3A_220 = arith.constant 112 : index
          %get3A_221 = tpu.vector_load %arg10[%get3A_219, %get3A_220] {strides = array<i32>} : memref<157x128xi32, #tpu.memory_space<vmem>>, vector<16xi32>,
          tpu.vector_store_idx %arg22[%get3A_221], %broadcast_in_dim3A_1 {add = true} : memref<10240xf32, #tpu.memory_space<vmem>>[vector<16xi32>], vector<16xf32>,
        } else {
        }
      } else {
      }
      %rem3A_150 = arith.constant 4 : i32
      %rem3A_151 = arith.remsi %add3A_129, %rem3A_150 : i32
      %eq3A_152 = arith.constant 3 : i32
      %eq3A_153 = arith.cmpi eq, %rem3A_151, %eq3A_152 : i32
      %convert_element_type3A_154 = arith.extui %eq3A_153 : i1 to i32
      %cond3A_155 = arith.constant 0 : i32
      %cond3A_156 = arith.cmpi ne, %convert_element_type3A_154, %cond3A_155 : i32
      scf.if %cond3A_156 {
        %dma_wait3A_157 = arith.constant 0 : i32
        %dma_wait3A_158 = tpu.memref_slice %arg9[%add3A_129, %dma_wait3A_157] : memref<157x128xi32, #tpu.memory_space<vmem>> -> memref<1x128xi32, #tpu.memory_space<vmem>>
        %dma_wait3A_159 = tpu.memref_squeeze %dma_wait3A_158 : memref<1x128xi32, #tpu.memory_space<vmem>> -> memref<128xi32, #tpu.memory_space<vmem>>
        %dma_wait3A_160 = arith.constant 0 : i32
        %dma_wait3A_161 = arith.constant 0 : i32
        %dma_wait3A_162 = tpu.memref_slice %arg2[%arg0, %dma_wait3A_160, %dma_wait3A_161] : memref<2x10000x64xf32, #tpu.memory_space<hbm>> -> memref<1x10000x64xf32, #tpu.memory_space<hbm>>
        %dma_wait3A_163 = tpu.memref_squeeze %dma_wait3A_162 : memref<1x10000x64xf32, #tpu.memory_space<hbm>> -> memref<10000x64xf32, #tpu.memory_space<hbm>>
        %dma_wait3A_164 = arith.constant 0 : i32
        %dma_wait3A_165 = arith.constant 0 : i32
        %dma_wait3A_166 = tpu.memref_slice %dma_wait3A_163[%dma_wait3A_164, %dma_wait3A_165] : memref<10000x64xf32, #tpu.memory_space<hbm>> -> memref<10000x64xf32, #tpu.memory_space<hbm>>
        tpu.wait_indirect_dma semaphore(%arg19 : memref<!tpu.dma_semaphore, #tpu.memory_space<semaphore_mem>>) src(%dma_wait3A_166 : memref<10000x64xf32, #tpu.memory_space<hbm>>) dst(%arg14 : memref<128x64xf32, #tpu.memory_space<vmem>>)
        %dma_start3A_167 = arith.constant 0 : i32
        %dma_start3A_168 = tpu.memref_slice %arg10[%add3A_129, %dma_start3A_167] : memref<157x128xi32, #tpu.memory_space<vmem>> -> memref<1x128xi32, #tpu.memory_space<vmem>>
        %dma_start3A_169 = tpu.memref_squeeze %dma_start3A_168 : memref<1x128xi32, #tpu.memory_space<vmem>> -> memref<128xi32, #tpu.memory_space<vmem>>
        %dma_start3A_170 = arith.constant 0 : i32
        %dma_start3A_171 = arith.constant 0 : i32
        %dma_start3A_172 = tpu.memref_slice %arg15[%dma_start3A_170, %dma_start3A_171] : memref<10240x64xf32, #tpu.memory_space<vmem_shared>> -> memref<10240x64xf32, #tpu.memory_space<vmem_shared>>
        tpu.enqueue_indirect_dma source(%arg14 : memref<128x64xf32, #tpu.memory_space<vmem>>) target(%dma_start3A_172 : memref<10240x64xf32, #tpu.memory_space<vmem_shared>>) offsets(%dma_start3A_169 : memref<128xi32, #tpu.memory_space<vmem>>) semaphore(%arg21 : memref<!tpu.dma_semaphore, #tpu.memory_space<semaphore_mem>>) {add = true}
        %sub3A = arith.constant 1 : i32
        %sub3A_173 = arith.subi %add3A_129, %sub3A : i32
        %dma_wait3A_174 = arith.constant 0 : i32
        %dma_wait3A_175 = tpu.memref_slice %arg10[%sub3A_173, %dma_wait3A_174] : memref<157x128xi32, #tpu.memory_space<vmem>> -> memref<1x128xi32, #tpu.memory_space<vmem>>
        %dma_wait3A_176 = tpu.memref_squeeze %dma_wait3A_175 : memref<1x128xi32, #tpu.memory_space<vmem>> -> memref<128xi32, #tpu.memory_space<vmem>>
        %dma_wait3A_177 = arith.constant 0 : i32
        %dma_wait3A_178 = arith.constant 0 : i32
        %dma_wait3A_179 = tpu.memref_slice %arg15[%dma_wait3A_177, %dma_wait3A_178] : memref<10240x64xf32, #tpu.memory_space<vmem_shared>> -> memref<10240x64xf32, #tpu.memory_space<vmem_shared>>
        tpu.wait_indirect_dma semaphore(%arg20 : memref<!tpu.dma_semaphore, #tpu.memory_space<semaphore_mem>>) src(%arg13 : memref<128x64xf32, #tpu.memory_space<vmem>>) dst(%dma_wait3A_179 : memref<10240x64xf32, #tpu.memory_space<vmem_shared>>)
        %add3A_180 = arith.constant 4 : i32
        %add3A_181 = arith.addi %add3A_129, %add3A_180 : i32
        %sub3A_182 = arith.constant 1 : i32
        %sub3A_183 = arith.subi %add3A_181, %sub3A_182 : i32
        %dma_start3A_184 = arith.constant 0 : i32
        %dma_start3A_185 = tpu.memref_slice %arg9[%sub3A_183, %dma_start3A_184] : memref<157x128xi32, #tpu.memory_space<vmem>> -> memref<1x128xi32, #tpu.memory_space<vmem>>
        %dma_start3A_186 = tpu.memref_squeeze %dma_start3A_185 : memref<1x128xi32, #tpu.memory_space<vmem>> -> memref<128xi32, #tpu.memory_space<vmem>>
        %dma_start3A_187 = arith.constant 0 : i32
        %dma_start3A_188 = arith.constant 0 : i32
        %dma_start3A_189 = tpu.memref_slice %arg2[%arg0, %dma_start3A_187, %dma_start3A_188] : memref<2x10000x64xf32, #tpu.memory_space<hbm>> -> memref<1x10000x64xf32, #tpu.memory_space<hbm>>
        %dma_start3A_190 = tpu.memref_squeeze %dma_start3A_189 : memref<1x10000x64xf32, #tpu.memory_space<hbm>> -> memref<10000x64xf32, #tpu.memory_space<hbm>>
        %dma_start3A_191 = arith.constant 0 : i32
        %dma_start3A_192 = arith.constant 0 : i32
        %dma_start3A_193 = tpu.memref_slice %dma_start3A_190[%dma_start3A_191, %dma_start3A_192] : memref<10000x64xf32, #tpu.memory_space<hbm>> -> memref<10000x64xf32, #tpu.memory_space<hbm>>
        tpu.enqueue_indirect_dma source(%dma_start3A_193 : memref<10000x64xf32, #tpu.memory_space<hbm>>) target(%arg13 : memref<128x64xf32, #tpu.memory_space<vmem>>) offsets(%dma_start3A_186 : memref<128xi32, #tpu.memory_space<vmem>>) semaphore(%arg18 : memref<!tpu.dma_semaphore, #tpu.memory_space<semaphore_mem>>)
        %eq3A_194 = arith.constant 1 : i32
        %eq3A_195 = arith.cmpi eq, %arg0, %eq3A_194 : i32
        %convert_element_type3A_196 = arith.extui %eq3A_195 : i1 to i32
        %cond3A_197 = arith.constant 0 : i32
        %cond3A_198 = arith.cmpi ne, %convert_element_type3A_196, %cond3A_197 : i32
        scf.if %cond3A_198 {
          %get3A = arith.index_cast %add3A_129 : i32 to index
          %get3A_199 = arith.constant 0 : index
          %get3A_200 = tpu.vector_load %arg10[%get3A, %get3A_199] {strides = array<i32>} : memref<157x128xi32, #tpu.memory_space<vmem>>, vector<16xi32>,
          tpu.vector_store_idx %arg22[%get3A_200], %broadcast_in_dim3A_1 {add = true} : memref<10240xf32, #tpu.memory_space<vmem>>[vector<16xi32>], vector<16xf32>,
          %get3A_201 = arith.index_cast %add3A_129 : i32 to index
          %get3A_202 = arith.constant 16 : index
          %get3A_203 = tpu.vector_load %arg10[%get3A_201, %get3A_202] {strides = array<i32>} : memref<157x128xi32, #tpu.memory_space<vmem>>, vector<16xi32>,
          tpu.vector_store_idx %arg22[%get3A_203], %broadcast_in_dim3A_1 {add = true} : memref<10240xf32, #tpu.memory_space<vmem>>[vector<16xi32>], vector<16xf32>,
          %get3A_204 = arith.index_cast %add3A_129 : i32 to index
          %get3A_205 = arith.constant 32 : index
          %get3A_206 = tpu.vector_load %arg10[%get3A_204, %get3A_205] {strides = array<i32>} : memref<157x128xi32, #tpu.memory_space<vmem>>, vector<16xi32>,
          tpu.vector_store_idx %arg22[%get3A_206], %broadcast_in_dim3A_1 {add = true} : memref<10240xf32, #tpu.memory_space<vmem>>[vector<16xi32>], vector<16xf32>,
          %get3A_207 = arith.index_cast %add3A_129 : i32 to index
          %get3A_208 = arith.constant 48 : index
          %get3A_209 = tpu.vector_load %arg10[%get3A_207, %get3A_208] {strides = array<i32>} : memref<157x128xi32, #tpu.memory_space<vmem>>, vector<16xi32>,
          tpu.vector_store_idx %arg22[%get3A_209], %broadcast_in_dim3A_1 {add = true} : memref<10240xf32, #tpu.memory_space<vmem>>[vector<16xi32>], vector<16xf32>,
          %get3A_210 = arith.index_cast %add3A_129 : i32 to index
          %get3A_211 = arith.constant 64 : index
          %get3A_212 = tpu.vector_load %arg10[%get3A_210, %get3A_211] {strides = array<i32>} : memref<157x128xi32, #tpu.memory_space<vmem>>, vector<16xi32>,
          tpu.vector_store_idx %arg22[%get3A_212], %broadcast_in_dim3A_1 {add = true} : memref<10240xf32, #tpu.memory_space<vmem>>[vector<16xi32>], vector<16xf32>,
          %get3A_213 = arith.index_cast %add3A_129 : i32 to index
          %get3A_214 = arith.constant 80 : index
          %get3A_215 = tpu.vector_load %arg10[%get3A_213, %get3A_214] {strides = array<i32>} : memref<157x128xi32, #tpu.memory_space<vmem>>, vector<16xi32>,
          tpu.vector_store_idx %arg22[%get3A_215], %broadcast_in_dim3A_1 {add = true} : memref<10240xf32, #tpu.memory_space<vmem>>[vector<16xi32>], vector<16xf32>,
          %get3A_216 = arith.index_cast %add3A_129 : i32 to index
          %get3A_217 = arith.constant 96 : index
          %get3A_218 = tpu.vector_load %arg10[%get3A_216, %get3A_217] {strides = array<i32>} : memref<157x128xi32, #tpu.memory_space<vmem>>, vector<16xi32>,
          tpu.vector_store_idx %arg22[%get3A_218], %broadcast_in_dim3A_1 {add = true} : memref<10240xf32, #tpu.memory_space<vmem>>[vector<16xi32>], vector<16xf32>,
          %get3A_219 = arith.index_cast %add3A_129 : i32 to index
          %get3A_220 = arith.constant 112 : index
          %get3A_221 = tpu.vector_load %arg10[%get3A_219, %get3A_220] {strides = array<i32>} : memref<157x128xi32, #tpu.memory_space<vmem>>, vector<16xi32>,
          tpu.vector_store_idx %arg22[%get3A_221], %broadcast_in_dim3A_1 {add = true} : memref<10240xf32, #tpu.memory_space<vmem>>[vector<16xi32>], vector<16xf32>,
        } else {
        }
      } else {
      }
    }
    %scan3A_67 = arith.constant 153 : i32
    %dma_wait3A_68 = arith.constant 153 : i32
    %dma_wait3A_69 = arith.constant 0 : i32
    %dma_wait3A_70 = tpu.memref_slice %arg10[%dma_wait3A_68, %dma_wait3A_69] : memref<157x128xi32, #tpu.memory_space<vmem>> -> memref<1x128xi32, #tpu.memory_space<vmem>>
    %dma_wait3A_71 = tpu.memref_squeeze %dma_wait3A_70 : memref<1x128xi32, #tpu.memory_space<vmem>> -> memref<128xi32, #tpu.memory_space<vmem>>
    %dma_wait3A_72 = arith.constant 0 : i32
    %dma_wait3A_73 = arith.constant 0 : i32
    %dma_wait3A_74 = tpu.memref_slice %arg15[%dma_wait3A_72, %dma_wait3A_73] : memref<10240x64xf32, #tpu.memory_space<vmem_shared>> -> memref<10240x64xf32, #tpu.memory_space<vmem_shared>>
    tpu.wait_indirect_dma semaphore(%arg21 : memref<!tpu.dma_semaphore, #tpu.memory_space<semaphore_mem>>) src(%arg12 : memref<128x64xf32, #tpu.memory_space<vmem>>) dst(%dma_wait3A_74 : memref<10240x64xf32, #tpu.memory_space<vmem_shared>>)
    %dma_wait3A_75 = arith.constant 154 : i32
    %dma_wait3A_76 = arith.constant 0 : i32
    %dma_wait3A_77 = tpu.memref_slice %arg9[%dma_wait3A_75, %dma_wait3A_76] : memref<157x128xi32, #tpu.memory_space<vmem>> -> memref<1x128xi32, #tpu.memory_space<vmem>>
    %dma_wait3A_78 = tpu.memref_squeeze %dma_wait3A_77 : memref<1x128xi32, #tpu.memory_space<vmem>> -> memref<128xi32, #tpu.memory_space<vmem>>
    %dma_wait3A_79 = arith.constant 0 : i32
    %dma_wait3A_80 = arith.constant 0 : i32
    %dma_wait3A_81 = tpu.memref_slice %arg2[%arg0, %dma_wait3A_79, %dma_wait3A_80] : memref<2x10000x64xf32, #tpu.memory_space<hbm>> -> memref<1x10000x64xf32, #tpu.memory_space<hbm>>
    %dma_wait3A_82 = tpu.memref_squeeze %dma_wait3A_81 : memref<1x10000x64xf32, #tpu.memory_space<hbm>> -> memref<10000x64xf32, #tpu.memory_space<hbm>>
    %dma_wait3A_83 = arith.constant 0 : i32
    %dma_wait3A_84 = arith.constant 0 : i32
    %dma_wait3A_85 = tpu.memref_slice %dma_wait3A_82[%dma_wait3A_83, %dma_wait3A_84] : memref<10000x64xf32, #tpu.memory_space<hbm>> -> memref<10000x64xf32, #tpu.memory_space<hbm>>
    tpu.wait_indirect_dma semaphore(%arg18 : memref<!tpu.dma_semaphore, #tpu.memory_space<semaphore_mem>>) src(%dma_wait3A_85 : memref<10000x64xf32, #tpu.memory_space<hbm>>) dst(%arg13 : memref<128x64xf32, #tpu.memory_space<vmem>>)
    %run_scoped3A = arith.constant 154 : i32
    "tpu.region"() ({
      %run_scoped3A_126 = tpu.sem_alloc : memref<!tpu.dma_semaphore, #tpu.memory_space<semaphore_mem>>
      %dma_start3A_127 = arith.constant 0 : i32
      %dma_start3A_128 = tpu.memref_slice %arg10[%run_scoped3A, %dma_start3A_127] : memref<157x128xi32, #tpu.memory_space<vmem>> -> memref<1x128xi32, #tpu.memory_space<vmem>>
      %dma_start3A_129 = tpu.memref_squeeze %dma_start3A_128 : memref<1x128xi32, #tpu.memory_space<vmem>> -> memref<128xi32, #tpu.memory_space<vmem>>
      %dma_start3A_130 = arith.constant 0 : i32
      %dma_start3A_131 = arith.constant 0 : i32
      %dma_start3A_132 = tpu.memref_slice %arg15[%dma_start3A_130, %dma_start3A_131] : memref<10240x64xf32, #tpu.memory_space<vmem_shared>> -> memref<10240x64xf32, #tpu.memory_space<vmem_shared>>
      tpu.enqueue_indirect_dma source(%arg13 : memref<128x64xf32, #tpu.memory_space<vmem>>) target(%dma_start3A_132 : memref<10240x64xf32, #tpu.memory_space<vmem_shared>>) offsets(%dma_start3A_129 : memref<128xi32, #tpu.memory_space<vmem>>) semaphore(%run_scoped3A_126 : memref<!tpu.dma_semaphore, #tpu.memory_space<semaphore_mem>>) {add = true}
      %dma_wait3A_133 = arith.constant 0 : i32
      %dma_wait3A_134 = tpu.memref_slice %arg10[%run_scoped3A, %dma_wait3A_133] : memref<157x128xi32, #tpu.memory_space<vmem>> -> memref<1x128xi32, #tpu.memory_space<vmem>>
      %dma_wait3A_135 = tpu.memref_squeeze %dma_wait3A_134 : memref<1x128xi32, #tpu.memory_space<vmem>> -> memref<128xi32, #tpu.memory_space<vmem>>
      %dma_wait3A_136 = arith.constant 0 : i32
      %dma_wait3A_137 = arith.constant 0 : i32
      %dma_wait3A_138 = tpu.memref_slice %arg15[%dma_wait3A_136, %dma_wait3A_137] : memref<10240x64xf32, #tpu.memory_space<vmem_shared>> -> memref<10240x64xf32, #tpu.memory_space<vmem_shared>>
      tpu.wait_indirect_dma semaphore(%run_scoped3A_126 : memref<!tpu.dma_semaphore, #tpu.memory_space<semaphore_mem>>) src(%arg13 : memref<128x64xf32, #tpu.memory_space<vmem>>) dst(%dma_wait3A_138 : memref<10240x64xf32, #tpu.memory_space<vmem_shared>>)
      tpu.yield
    }) : () -> ()
    %eq3A_86 = arith.constant 0 : i32
    %eq3A_87 = arith.cmpi eq, %arg0, %eq3A_86 : i32
    %convert_element_type3A_88 = arith.extui %eq3A_87 : i1 to i32
    %cond3A_89 = arith.constant 0 : i32
    %cond3A_90 = arith.cmpi ne, %convert_element_type3A_88, %cond3A_89 : i32
    scf.if %cond3A_90 {
      %get3A = arith.constant 154 : i32
      %get3A_126 = arith.index_cast %get3A : i32 to index
      %get3A_127 = arith.constant 0 : index
      %get3A_128 = tpu.vector_load %arg10[%get3A_126, %get3A_127] {strides = array<i32>} : memref<157x128xi32, #tpu.memory_space<vmem>>, vector<16xi32>,
      tpu.vector_store_idx %arg22[%get3A_128], %broadcast_in_dim3A_1 {add = true} : memref<10240xf32, #tpu.memory_space<vmem>>[vector<16xi32>], vector<16xf32>,
      %get3A_129 = arith.constant 154 : i32
      %get3A_130 = arith.index_cast %get3A_129 : i32 to index
      %get3A_131 = arith.constant 16 : index
      %get3A_132 = tpu.vector_load %arg10[%get3A_130, %get3A_131] {strides = array<i32>} : memref<157x128xi32, #tpu.memory_space<vmem>>, vector<16xi32>,
      tpu.vector_store_idx %arg22[%get3A_132], %broadcast_in_dim3A_1 {add = true} : memref<10240xf32, #tpu.memory_space<vmem>>[vector<16xi32>], vector<16xf32>,
      %get3A_133 = arith.constant 154 : i32
      %get3A_134 = arith.index_cast %get3A_133 : i32 to index
      %get3A_135 = arith.constant 32 : index
      %get3A_136 = tpu.vector_load %arg10[%get3A_134, %get3A_135] {strides = array<i32>} : memref<157x128xi32, #tpu.memory_space<vmem>>, vector<16xi32>,
      tpu.vector_store_idx %arg22[%get3A_136], %broadcast_in_dim3A_1 {add = true} : memref<10240xf32, #tpu.memory_space<vmem>>[vector<16xi32>], vector<16xf32>,
      %get3A_137 = arith.constant 154 : i32
      %get3A_138 = arith.index_cast %get3A_137 : i32 to index
      %get3A_139 = arith.constant 48 : index
      %get3A_140 = tpu.vector_load %arg10[%get3A_138, %get3A_139] {strides = array<i32>} : memref<157x128xi32, #tpu.memory_space<vmem>>, vector<16xi32>,
      tpu.vector_store_idx %arg22[%get3A_140], %broadcast_in_dim3A_1 {add = true} : memref<10240xf32, #tpu.memory_space<vmem>>[vector<16xi32>], vector<16xf32>,
      %get3A_141 = arith.constant 154 : i32
      %get3A_142 = arith.index_cast %get3A_141 : i32 to index
      %get3A_143 = arith.constant 64 : index
      %get3A_144 = tpu.vector_load %arg10[%get3A_142, %get3A_143] {strides = array<i32>} : memref<157x128xi32, #tpu.memory_space<vmem>>, vector<16xi32>,
      tpu.vector_store_idx %arg22[%get3A_144], %broadcast_in_dim3A_1 {add = true} : memref<10240xf32, #tpu.memory_space<vmem>>[vector<16xi32>], vector<16xf32>,
      %get3A_145 = arith.constant 154 : i32
      %get3A_146 = arith.index_cast %get3A_145 : i32 to index
      %get3A_147 = arith.constant 80 : index
      %get3A_148 = tpu.vector_load %arg10[%get3A_146, %get3A_147] {strides = array<i32>} : memref<157x128xi32, #tpu.memory_space<vmem>>, vector<16xi32>,
      tpu.vector_store_idx %arg22[%get3A_148], %broadcast_in_dim3A_1 {add = true} : memref<10240xf32, #tpu.memory_space<vmem>>[vector<16xi32>], vector<16xf32>,
      %get3A_149 = arith.constant 154 : i32
      %get3A_150 = arith.index_cast %get3A_149 : i32 to index
      %get3A_151 = arith.constant 96 : index
      %get3A_152 = tpu.vector_load %arg10[%get3A_150, %get3A_151] {strides = array<i32>} : memref<157x128xi32, #tpu.memory_space<vmem>>, vector<16xi32>,
      tpu.vector_store_idx %arg22[%get3A_152], %broadcast_in_dim3A_1 {add = true} : memref<10240xf32, #tpu.memory_space<vmem>>[vector<16xi32>], vector<16xf32>,
      %get3A_153 = arith.constant 154 : i32
      %get3A_154 = arith.index_cast %get3A_153 : i32 to index
      %get3A_155 = arith.constant 112 : index
      %get3A_156 = tpu.vector_load %arg10[%get3A_154, %get3A_155] {strides = array<i32>} : memref<157x128xi32, #tpu.memory_space<vmem>>, vector<16xi32>,
      tpu.vector_store_idx %arg22[%get3A_156], %broadcast_in_dim3A_1 {add = true} : memref<10240xf32, #tpu.memory_space<vmem>>[vector<16xi32>], vector<16xf32>,
    } else {
    }
    %dma_wait3A_91 = arith.constant 155 : i32
    %dma_wait3A_92 = arith.constant 0 : i32
    %dma_wait3A_93 = tpu.memref_slice %arg9[%dma_wait3A_91, %dma_wait3A_92] : memref<157x128xi32, #tpu.memory_space<vmem>> -> memref<1x128xi32, #tpu.memory_space<vmem>>
    %dma_wait3A_94 = tpu.memref_squeeze %dma_wait3A_93 : memref<1x128xi32, #tpu.memory_space<vmem>> -> memref<128xi32, #tpu.memory_space<vmem>>
    %dma_wait3A_95 = arith.constant 0 : i32
    %dma_wait3A_96 = arith.constant 0 : i32
    %dma_wait3A_97 = tpu.memref_slice %arg2[%arg0, %dma_wait3A_95, %dma_wait3A_96] : memref<2x10000x64xf32, #tpu.memory_space<hbm>> -> memref<1x10000x64xf32, #tpu.memory_space<hbm>>
    %dma_wait3A_98 = tpu.memref_squeeze %dma_wait3A_97 : memref<1x10000x64xf32, #tpu.memory_space<hbm>> -> memref<10000x64xf32, #tpu.memory_space<hbm>>
    %dma_wait3A_99 = arith.constant 0 : i32
    %dma_wait3A_100 = arith.constant 0 : i32
    %dma_wait3A_101 = tpu.memref_slice %dma_wait3A_98[%dma_wait3A_99, %dma_wait3A_100] : memref<10000x64xf32, #tpu.memory_space<hbm>> -> memref<10000x64xf32, #tpu.memory_space<hbm>>
    tpu.wait_indirect_dma semaphore(%arg19 : memref<!tpu.dma_semaphore, #tpu.memory_space<semaphore_mem>>) src(%dma_wait3A_101 : memref<10000x64xf32, #tpu.memory_space<hbm>>) dst(%arg14 : memref<128x64xf32, #tpu.memory_space<vmem>>)
    %run_scoped3A_102 = arith.constant 155 : i32
    "tpu.region"() ({
      %run_scoped3A_126 = tpu.sem_alloc : memref<!tpu.dma_semaphore, #tpu.memory_space<semaphore_mem>>
      %dma_start3A_127 = arith.constant 0 : i32
      %dma_start3A_128 = tpu.memref_slice %arg10[%run_scoped3A_102, %dma_start3A_127] : memref<157x128xi32, #tpu.memory_space<vmem>> -> memref<1x128xi32, #tpu.memory_space<vmem>>
      %dma_start3A_129 = tpu.memref_squeeze %dma_start3A_128 : memref<1x128xi32, #tpu.memory_space<vmem>> -> memref<128xi32, #tpu.memory_space<vmem>>
      %dma_start3A_130 = arith.constant 0 : i32
      %dma_start3A_131 = arith.constant 0 : i32
      %dma_start3A_132 = tpu.memref_slice %arg15[%dma_start3A_130, %dma_start3A_131] : memref<10240x64xf32, #tpu.memory_space<vmem_shared>> -> memref<10240x64xf32, #tpu.memory_space<vmem_shared>>
      tpu.enqueue_indirect_dma source(%arg14 : memref<128x64xf32, #tpu.memory_space<vmem>>) target(%dma_start3A_132 : memref<10240x64xf32, #tpu.memory_space<vmem_shared>>) offsets(%dma_start3A_129 : memref<128xi32, #tpu.memory_space<vmem>>) semaphore(%run_scoped3A_126 : memref<!tpu.dma_semaphore, #tpu.memory_space<semaphore_mem>>) {add = true}
      %dma_wait3A_133 = arith.constant 0 : i32
      %dma_wait3A_134 = tpu.memref_slice %arg10[%run_scoped3A_102, %dma_wait3A_133] : memref<157x128xi32, #tpu.memory_space<vmem>> -> memref<1x128xi32, #tpu.memory_space<vmem>>
      %dma_wait3A_135 = tpu.memref_squeeze %dma_wait3A_134 : memref<1x128xi32, #tpu.memory_space<vmem>> -> memref<128xi32, #tpu.memory_space<vmem>>
      %dma_wait3A_136 = arith.constant 0 : i32
      %dma_wait3A_137 = arith.constant 0 : i32
      %dma_wait3A_138 = tpu.memref_slice %arg15[%dma_wait3A_136, %dma_wait3A_137] : memref<10240x64xf32, #tpu.memory_space<vmem_shared>> -> memref<10240x64xf32, #tpu.memory_space<vmem_shared>>
      tpu.wait_indirect_dma semaphore(%run_scoped3A_126 : memref<!tpu.dma_semaphore, #tpu.memory_space<semaphore_mem>>) src(%arg14 : memref<128x64xf32, #tpu.memory_space<vmem>>) dst(%dma_wait3A_138 : memref<10240x64xf32, #tpu.memory_space<vmem_shared>>)
      tpu.yield
    }) : () -> ()
    %eq3A_103 = arith.constant 1 : i32
    %eq3A_104 = arith.cmpi eq, %arg0, %eq3A_103 : i32
    %convert_element_type3A_105 = arith.extui %eq3A_104 : i1 to i32
    %cond3A_106 = arith.constant 0 : i32
    %cond3A_107 = arith.cmpi ne, %convert_element_type3A_105, %cond3A_106 : i32
    scf.if %cond3A_107 {
      %get3A = arith.constant 155 : i32
      %get3A_126 = arith.index_cast %get3A : i32 to index
      %get3A_127 = arith.constant 0 : index
      %get3A_128 = tpu.vector_load %arg10[%get3A_126, %get3A_127] {strides = array<i32>} : memref<157x128xi32, #tpu.memory_space<vmem>>, vector<16xi32>,
      tpu.vector_store_idx %arg22[%get3A_128], %broadcast_in_dim3A_1 {add = true} : memref<10240xf32, #tpu.memory_space<vmem>>[vector<16xi32>], vector<16xf32>,
      %get3A_129 = arith.constant 155 : i32
      %get3A_130 = arith.index_cast %get3A_129 : i32 to index
      %get3A_131 = arith.constant 16 : index
      %get3A_132 = tpu.vector_load %arg10[%get3A_130, %get3A_131] {strides = array<i32>} : memref<157x128xi32, #tpu.memory_space<vmem>>, vector<16xi32>,
      tpu.vector_store_idx %arg22[%get3A_132], %broadcast_in_dim3A_1 {add = true} : memref<10240xf32, #tpu.memory_space<vmem>>[vector<16xi32>], vector<16xf32>,
      %get3A_133 = arith.constant 155 : i32
      %get3A_134 = arith.index_cast %get3A_133 : i32 to index
      %get3A_135 = arith.constant 32 : index
      %get3A_136 = tpu.vector_load %arg10[%get3A_134, %get3A_135] {strides = array<i32>} : memref<157x128xi32, #tpu.memory_space<vmem>>, vector<16xi32>,
      tpu.vector_store_idx %arg22[%get3A_136], %broadcast_in_dim3A_1 {add = true} : memref<10240xf32, #tpu.memory_space<vmem>>[vector<16xi32>], vector<16xf32>,
      %get3A_137 = arith.constant 155 : i32
      %get3A_138 = arith.index_cast %get3A_137 : i32 to index
      %get3A_139 = arith.constant 48 : index
      %get3A_140 = tpu.vector_load %arg10[%get3A_138, %get3A_139] {strides = array<i32>} : memref<157x128xi32, #tpu.memory_space<vmem>>, vector<16xi32>,
      tpu.vector_store_idx %arg22[%get3A_140], %broadcast_in_dim3A_1 {add = true} : memref<10240xf32, #tpu.memory_space<vmem>>[vector<16xi32>], vector<16xf32>,
      %get3A_141 = arith.constant 155 : i32
      %get3A_142 = arith.index_cast %get3A_141 : i32 to index
      %get3A_143 = arith.constant 64 : index
      %get3A_144 = tpu.vector_load %arg10[%get3A_142, %get3A_143] {strides = array<i32>} : memref<157x128xi32, #tpu.memory_space<vmem>>, vector<16xi32>,
      tpu.vector_store_idx %arg22[%get3A_144], %broadcast_in_dim3A_1 {add = true} : memref<10240xf32, #tpu.memory_space<vmem>>[vector<16xi32>], vector<16xf32>,
      %get3A_145 = arith.constant 155 : i32
      %get3A_146 = arith.index_cast %get3A_145 : i32 to index
      %get3A_147 = arith.constant 80 : index
      %get3A_148 = tpu.vector_load %arg10[%get3A_146, %get3A_147] {strides = array<i32>} : memref<157x128xi32, #tpu.memory_space<vmem>>, vector<16xi32>,
      tpu.vector_store_idx %arg22[%get3A_148], %broadcast_in_dim3A_1 {add = true} : memref<10240xf32, #tpu.memory_space<vmem>>[vector<16xi32>], vector<16xf32>,
      %get3A_149 = arith.constant 155 : i32
      %get3A_150 = arith.index_cast %get3A_149 : i32 to index
      %get3A_151 = arith.constant 96 : index
      %get3A_152 = tpu.vector_load %arg10[%get3A_150, %get3A_151] {strides = array<i32>} : memref<157x128xi32, #tpu.memory_space<vmem>>, vector<16xi32>,
      tpu.vector_store_idx %arg22[%get3A_152], %broadcast_in_dim3A_1 {add = true} : memref<10240xf32, #tpu.memory_space<vmem>>[vector<16xi32>], vector<16xf32>,
      %get3A_153 = arith.constant 155 : i32
      %get3A_154 = arith.index_cast %get3A_153 : i32 to index
      %get3A_155 = arith.constant 112 : index
      %get3A_156 = tpu.vector_load %arg10[%get3A_154, %get3A_155] {strides = array<i32>} : memref<157x128xi32, #tpu.memory_space<vmem>>, vector<16xi32>,
      tpu.vector_store_idx %arg22[%get3A_156], %broadcast_in_dim3A_1 {add = true} : memref<10240xf32, #tpu.memory_space<vmem>>[vector<16xi32>], vector<16xf32>,
    } else {
    }
    %dma_wait3A_108 = arith.constant 156 : i32
    %dma_wait3A_109 = arith.constant 0 : i32
    %dma_wait3A_110 = tpu.memref_slice %arg9[%dma_wait3A_108, %dma_wait3A_109] : memref<157x128xi32, #tpu.memory_space<vmem>> -> memref<1x128xi32, #tpu.memory_space<vmem>>
    %dma_wait3A_111 = tpu.memref_squeeze %dma_wait3A_110 : memref<1x128xi32, #tpu.memory_space<vmem>> -> memref<128xi32, #tpu.memory_space<vmem>>
    %dma_wait3A_112 = arith.constant 0 : i32
    %dma_wait3A_113 = arith.constant 0 : i32
    %dma_wait3A_114 = tpu.memref_slice %arg2[%arg0, %dma_wait3A_112, %dma_wait3A_113] : memref<2x10000x64xf32, #tpu.memory_space<hbm>> -> memref<1x10000x64xf32, #tpu.memory_space<hbm>>
    %dma_wait3A_115 = tpu.memref_squeeze %dma_wait3A_114 : memref<1x10000x64xf32, #tpu.memory_space<hbm>> -> memref<10000x64xf32, #tpu.memory_space<hbm>>
    %dma_wait3A_116 = arith.constant 0 : i32
    %dma_wait3A_117 = arith.constant 0 : i32
    %dma_wait3A_118 = tpu.memref_slice %dma_wait3A_115[%dma_wait3A_116, %dma_wait3A_117] : memref<10000x64xf32, #tpu.memory_space<hbm>> -> memref<10000x64xf32, #tpu.memory_space<hbm>>
    tpu.wait_indirect_dma semaphore(%arg16 : memref<!tpu.dma_semaphore, #tpu.memory_space<semaphore_mem>>) src(%dma_wait3A_118 : memref<10000x64xf32, #tpu.memory_space<hbm>>) dst(%arg11 : memref<128x64xf32, #tpu.memory_space<vmem>>)
    %run_scoped3A_119 = arith.constant 156 : i32
    "tpu.region"() ({
      %run_scoped3A_126 = tpu.sem_alloc : memref<!tpu.dma_semaphore, #tpu.memory_space<semaphore_mem>>
      %dma_start3A_127 = arith.constant 0 : i32
      %dma_start3A_128 = tpu.memref_slice %arg10[%run_scoped3A_119, %dma_start3A_127] : memref<157x128xi32, #tpu.memory_space<vmem>> -> memref<1x128xi32, #tpu.memory_space<vmem>>
      %dma_start3A_129 = tpu.memref_squeeze %dma_start3A_128 : memref<1x128xi32, #tpu.memory_space<vmem>> -> memref<128xi32, #tpu.memory_space<vmem>>
      %dma_start3A_130 = arith.constant 0 : i32
      %dma_start3A_131 = arith.constant 0 : i32
      %dma_start3A_132 = tpu.memref_slice %arg15[%dma_start3A_130, %dma_start3A_131] : memref<10240x64xf32, #tpu.memory_space<vmem_shared>> -> memref<10240x64xf32, #tpu.memory_space<vmem_shared>>
      tpu.enqueue_indirect_dma source(%arg11 : memref<128x64xf32, #tpu.memory_space<vmem>>) target(%dma_start3A_132 : memref<10240x64xf32, #tpu.memory_space<vmem_shared>>) offsets(%dma_start3A_129 : memref<128xi32, #tpu.memory_space<vmem>>) semaphore(%run_scoped3A_126 : memref<!tpu.dma_semaphore, #tpu.memory_space<semaphore_mem>>) {add = true}
      %dma_wait3A_133 = arith.constant 0 : i32
      %dma_wait3A_134 = tpu.memref_slice %arg10[%run_scoped3A_119, %dma_wait3A_133] : memref<157x128xi32, #tpu.memory_space<vmem>> -> memref<1x128xi32, #tpu.memory_space<vmem>>
      %dma_wait3A_135 = tpu.memref_squeeze %dma_wait3A_134 : memref<1x128xi32, #tpu.memory_space<vmem>> -> memref<128xi32, #tpu.memory_space<vmem>>
      %dma_wait3A_136 = arith.constant 0 : i32
      %dma_wait3A_137 = arith.constant 0 : i32
      %dma_wait3A_138 = tpu.memref_slice %arg15[%dma_wait3A_136, %dma_wait3A_137] : memref<10240x64xf32, #tpu.memory_space<vmem_shared>> -> memref<10240x64xf32, #tpu.memory_space<vmem_shared>>
      tpu.wait_indirect_dma semaphore(%run_scoped3A_126 : memref<!tpu.dma_semaphore, #tpu.memory_space<semaphore_mem>>) src(%arg11 : memref<128x64xf32, #tpu.memory_space<vmem>>) dst(%dma_wait3A_138 : memref<10240x64xf32, #tpu.memory_space<vmem_shared>>)
      tpu.yield
    }) : () -> ()
    %eq3A_120 = arith.constant 0 : i32
    %eq3A_121 = arith.cmpi eq, %arg0, %eq3A_120 : i32
    %convert_element_type3A_122 = arith.extui %eq3A_121 : i1 to i32
    %cond3A_123 = arith.constant 0 : i32
    %cond3A_124 = arith.cmpi ne, %convert_element_type3A_122, %cond3A_123 : i32
    scf.if %cond3A_124 {
      %get3A = arith.constant 156 : i32
      %get3A_126 = arith.index_cast %get3A : i32 to index
      %get3A_127 = arith.constant 0 : index
      %get3A_128 = tpu.vector_load %arg10[%get3A_126, %get3A_127] {strides = array<i32>} : memref<157x128xi32, #tpu.memory_space<vmem>>, vector<16xi32>,
      tpu.vector_store_idx %arg22[%get3A_128], %broadcast_in_dim3A_1 {add = true} : memref<10240xf32, #tpu.memory_space<vmem>>[vector<16xi32>], vector<16xf32>,
      %get3A_129 = arith.constant 156 : i32
      %get3A_130 = arith.index_cast %get3A_129 : i32 to index
      %get3A_131 = arith.constant 16 : index
      %get3A_132 = tpu.vector_load %arg10[%get3A_130, %get3A_131] {strides = array<i32>} : memref<157x128xi32, #tpu.memory_space<vmem>>, vector<16xi32>,
      tpu.vector_store_idx %arg22[%get3A_132], %broadcast_in_dim3A_1 {add = true} : memref<10240xf32, #tpu.memory_space<vmem>>[vector<16xi32>], vector<16xf32>,
      %get3A_133 = arith.constant 156 : i32
      %get3A_134 = arith.index_cast %get3A_133 : i32 to index
      %get3A_135 = arith.constant 32 : index
      %get3A_136 = tpu.vector_load %arg10[%get3A_134, %get3A_135] {strides = array<i32>} : memref<157x128xi32, #tpu.memory_space<vmem>>, vector<16xi32>,
      tpu.vector_store_idx %arg22[%get3A_136], %broadcast_in_dim3A_1 {add = true} : memref<10240xf32, #tpu.memory_space<vmem>>[vector<16xi32>], vector<16xf32>,
      %get3A_137 = arith.constant 156 : i32
      %get3A_138 = arith.index_cast %get3A_137 : i32 to index
      %get3A_139 = arith.constant 48 : index
      %get3A_140 = tpu.vector_load %arg10[%get3A_138, %get3A_139] {strides = array<i32>} : memref<157x128xi32, #tpu.memory_space<vmem>>, vector<16xi32>,
      tpu.vector_store_idx %arg22[%get3A_140], %broadcast_in_dim3A_1 {add = true} : memref<10240xf32, #tpu.memory_space<vmem>>[vector<16xi32>], vector<16xf32>,
      %get3A_141 = arith.constant 156 : i32
      %get3A_142 = arith.index_cast %get3A_141 : i32 to index
      %get3A_143 = arith.constant 64 : index
      %get3A_144 = tpu.vector_load %arg10[%get3A_142, %get3A_143] {strides = array<i32>} : memref<157x128xi32, #tpu.memory_space<vmem>>, vector<16xi32>,
      tpu.vector_store_idx %arg22[%get3A_144], %broadcast_in_dim3A_1 {add = true} : memref<10240xf32, #tpu.memory_space<vmem>>[vector<16xi32>], vector<16xf32>,
      %get3A_145 = arith.constant 156 : i32
      %get3A_146 = arith.index_cast %get3A_145 : i32 to index
      %get3A_147 = arith.constant 80 : index
      %get3A_148 = tpu.vector_load %arg10[%get3A_146, %get3A_147] {strides = array<i32>} : memref<157x128xi32, #tpu.memory_space<vmem>>, vector<16xi32>,
      tpu.vector_store_idx %arg22[%get3A_148], %broadcast_in_dim3A_1 {add = true} : memref<10240xf32, #tpu.memory_space<vmem>>[vector<16xi32>], vector<16xf32>,
      %get3A_149 = arith.constant 156 : i32
      %get3A_150 = arith.index_cast %get3A_149 : i32 to index
      %get3A_151 = arith.constant 96 : index
      %get3A_152 = tpu.vector_load %arg10[%get3A_150, %get3A_151] {strides = array<i32>} : memref<157x128xi32, #tpu.memory_space<vmem>>, vector<16xi32>,
      tpu.vector_store_idx %arg22[%get3A_152], %broadcast_in_dim3A_1 {add = true} : memref<10240xf32, #tpu.memory_space<vmem>>[vector<16xi32>], vector<16xf32>,
      %get3A_153 = arith.constant 156 : i32
      %get3A_154 = arith.index_cast %get3A_153 : i32 to index
      %get3A_155 = arith.constant 112 : index
      %get3A_156 = tpu.vector_load %arg10[%get3A_154, %get3A_155] {strides = array<i32>} : memref<157x128xi32, #tpu.memory_space<vmem>>, vector<16xi32>,
      tpu.vector_store_idx %arg22[%get3A_156], %broadcast_in_dim3A_1 {add = true} : memref<10240xf32, #tpu.memory_space<vmem>>[vector<16xi32>], vector<16xf32>,
    } else {
    }
    %barrier3A_125 = arith.constant 0 : index
    tpu.barrier barrier_id(%barrier3A_125)
    "tpu.region"() ({
      %run_scoped3A_126 = tpu.sem_alloc : memref<!tpu.dma_semaphore, #tpu.memory_space<semaphore_mem>>
      %dma_start3A_127 = arith.constant 0 : i32
      %dma_start3A_128 = tpu.memref_slice %arg7[%arg0, %mul3A_0, %dma_start3A_127] : memref<2x10240x64xf32, #tpu.memory_space<hbm>> -> memref<1x640x64xf32, #tpu.memory_space<hbm>>
      %dma_start3A_129 = tpu.memref_squeeze %dma_start3A_128 : memref<1x640x64xf32, #tpu.memory_space<hbm>> -> memref<640x64xf32, #tpu.memory_space<hbm>>
      %dma_start3A_130 = arith.constant 0 : i32
      %dma_start3A_131 = tpu.memref_slice %arg15[%mul3A_0, %dma_start3A_130] : memref<10240x64xf32, #tpu.memory_space<vmem_shared>> -> memref<640x64xf32, #tpu.memory_space<vmem_shared>>
      tpu.enqueue_dma source(%dma_start3A_131 : memref<640x64xf32, #tpu.memory_space<vmem_shared>>) target(%dma_start3A_129 : memref<640x64xf32, #tpu.memory_space<hbm>>) target_semaphore(%run_scoped3A_126 : memref<!tpu.dma_semaphore, #tpu.memory_space<semaphore_mem>>)
      %dma_wait3A_132 = arith.constant 0 : i32
      %dma_wait3A_133 = tpu.memref_slice %arg7[%arg0, %mul3A_0, %dma_wait3A_132] : memref<2x10240x64xf32, #tpu.memory_space<hbm>> -> memref<1x640x64xf32, #tpu.memory_space<hbm>>
      %dma_wait3A_134 = tpu.memref_squeeze %dma_wait3A_133 : memref<1x640x64xf32, #tpu.memory_space<hbm>> -> memref<640x64xf32, #tpu.memory_space<hbm>>
      %dma_wait3A_135 = arith.constant 0 : i32
      %dma_wait3A_136 = tpu.memref_slice %arg15[%mul3A_0, %dma_wait3A_135] : memref<10240x64xf32, #tpu.memory_space<vmem_shared>> -> memref<640x64xf32, #tpu.memory_space<vmem_shared>>
      tpu.wait_dma2 semaphore(%run_scoped3A_126 : memref<!tpu.dma_semaphore, #tpu.memory_space<semaphore_mem>>) src(%dma_wait3A_136 : memref<640x64xf32, #tpu.memory_space<vmem_shared>>) dst(%dma_wait3A_134 : memref<640x64xf32, #tpu.memory_space<hbm>>)
      tpu.yield
    }) : () -> ()
    "tpu.region"() ({
      %run_scoped3A_126 = tpu.sem_alloc : memref<!tpu.dma_semaphore, #tpu.memory_space<semaphore_mem>>
      %dma_start3A_127 = arith.constant 0 : i32
      %dma_start3A_128 = tpu.memref_slice %arg8[%arg0, %arg1, %dma_start3A_127] : memref<2x16x10240xf32, #tpu.memory_space<hbm>> -> memref<1x1x10240xf32, #tpu.memory_space<hbm>>
      %dma_start3A_129 = tpu.memref_squeeze %dma_start3A_128 : memref<1x1x10240xf32, #tpu.memory_space<hbm>> -> memref<10240xf32, #tpu.memory_space<hbm>>
      %dma_start3A_130 = arith.constant 0 : i32
      %dma_start3A_131 = tpu.memref_slice %arg8[%arg0, %arg1, %dma_start3A_130] : memref<2x16x10240xf32, #tpu.memory_space<hbm>> -> memref<1x1x10240xf32, #tpu.memory_space<hbm>>
      %dma_start3A_132 = tpu.memref_squeeze %dma_start3A_131 : memref<1x1x10240xf32, #tpu.memory_space<hbm>> -> memref<10240xf32, #tpu.memory_space<hbm>>
      tpu.enqueue_dma source(%arg22 : memref<10240xf32, #tpu.memory_space<vmem>>) target(%dma_start3A_132 : memref<10240xf32, #tpu.memory_space<hbm>>) target_semaphore(%run_scoped3A_126 : memref<!tpu.dma_semaphore, #tpu.memory_space<semaphore_mem>>)
      %dma_wait3A_133 = arith.constant 0 : i32
      %dma_wait3A_134 = tpu.memref_slice %arg8[%arg0, %arg1, %dma_wait3A_133] : memref<2x16x10240xf32, #tpu.memory_space<hbm>> -> memref<1x1x10240xf32, #tpu.memory_space<hbm>>
      %dma_wait3A_135 = tpu.memref_squeeze %dma_wait3A_134 : memref<1x1x10240xf32, #tpu.memory_space<hbm>> -> memref<10240xf32, #tpu.memory_space<hbm>>
      %dma_wait3A_136 = arith.constant 0 : i32
      %dma_wait3A_137 = tpu.memref_slice %arg8[%arg0, %arg1, %dma_wait3A_136] : memref<2x16x10240xf32, #tpu.memory_space<hbm>> -> memref<1x1x10240xf32, #tpu.memory_space<hbm>>
      %dma_wait3A_138 = tpu.memref_squeeze %dma_wait3A_137 : memref<1x1x10240xf32, #tpu.memory_space<hbm>> -> memref<10240xf32, #tpu.memory_space<hbm>>
      tpu.wait_dma2 semaphore(%run_scoped3A_126 : memref<!tpu.dma_semaphore, #tpu.memory_space<semaphore_mem>>) src(%arg22 : memref<10240xf32, #tpu.memory_space<vmem>>) dst(%dma_wait3A_138 : memref<10240xf32, #tpu.memory_space<hbm>>)
      tpu.yield
    }) : () -> ()
    return
  }
}

module attributes {stable_mosaic.version = 14 : i64} {
  func.func @_tc1_body(%arg0: i32, %arg1: memref<1000x128xf32, #tpu.memory_space<vmem>>, %arg2: memref<1000x64xf32, #tpu.memory_space<vmem>>, %arg3: memref<1000x64xf32, #tpu.memory_space<vmem>>, %arg4: memref<1000x32xf32, #tpu.memory_space<vmem>>, %arg5: memref<128x128xf32, #tpu.memory_space<vmem>>, %arg6: memref<128x128xf32, #tpu.memory_space<vmem>>, %arg7: memref<1x128xf32, #tpu.memory_space<vmem>>, %arg8: memref<2x1000x64xf32, #tpu.memory_space<vmem>>) attributes {dimension_semantics = [#tpu.dimension_semantics<arbitrary>], iteration_bounds = array<i64: 10>, scalar_prefetch = 0 : i64, scratch_operands = 0 : i64, tpu.core_type = #tpu.core_type<tc>, window_params = [{transform_indices = @transform_0, window_bounds = array<i64: 1000, 128>}, {transform_indices = @transform_1, window_bounds = array<i64: 1000, 64>}, {transform_indices = @transform_2, window_bounds = array<i64: 1000, 64>}, {transform_indices = @transform_3, window_bounds = array<i64: 1000, 32>}, {pipeline_mode = #tpu.pipeline_mode<synchronous>, transform_indices = @transform_4, window_bounds = array<i64: 128, 128>}, {pipeline_mode = #tpu.pipeline_mode<synchronous>, transform_indices = @transform_5, window_bounds = array<i64: 128, 128>}, {pipeline_mode = #tpu.pipeline_mode<synchronous>, transform_indices = @transform_6, window_bounds = array<i64: 1, 128>}, {transform_indices = @transform_7, window_bounds = array<i64: 2, 1000, 64>}]} {
    %get3A = arith.constant 0 : index
    %get3A_0 = arith.constant 0 : index
    %get3A_1 = vector.load %arg4[%get3A, %get3A_0] : memref<1000x32xf32, #tpu.memory_space<vmem>>, vector<1000x32xf32>
    %reduce_sum3A = arith.constant dense<0.000000e+00> : vector<1000xf32>
    %reduce_sum3A_2 = vector.multi_reduction <add>, %get3A_1, %reduce_sum3A [1] : vector<1000x32xf32> to vector<1000xf32>
    %broadcast_in_dim3A = vector.shape_cast %reduce_sum3A_2 : vector<1000xf32> to vector<1000x1xf32>
    %get3A_3 = arith.constant 0 : index
    %get3A_4 = arith.constant 0 : index
    %get3A_5 = vector.load %arg2[%get3A_3, %get3A_4] : memref<1000x64xf32, #tpu.memory_space<vmem>>, vector<1000x64xf32>
    %get3A_6 = arith.constant 0 : index
    %get3A_7 = arith.constant 0 : index
    %get3A_8 = vector.load %arg3[%get3A_6, %get3A_7] : memref<1000x64xf32, #tpu.memory_space<vmem>>, vector<1000x64xf32>
    %concatenate3A = tpu.concatenate %get3A_5, %get3A_8 in 1 : vector<1000x64xf32>, vector<1000x64xf32> -> vector<1000x128xf32>
    %max3A = arith.constant 1.000000e+00 : f32
    %max3A_9 = vector.broadcast %max3A : f32 to vector<1000x1xf32>
    %max3A_10 = arith.maximumf %broadcast_in_dim3A, %max3A_9 : vector<1000x1xf32>
    %div3A = vector.broadcast %max3A_10 : vector<1000x1xf32> to vector<1000x128xf32>
    %div3A_11 = arith.divf %concatenate3A, %div3A : vector<1000x128xf32>
    %get3A_12 = arith.constant 0 : index
    %get3A_13 = arith.constant 0 : index
    %get3A_14 = vector.load %arg1[%get3A_12, %get3A_13] : memref<1000x128xf32, #tpu.memory_space<vmem>>, vector<1000x128xf32>
    %get3A_15 = arith.constant 0 : index
    %get3A_16 = arith.constant 0 : index
    %get3A_17 = vector.load %arg5[%get3A_15, %get3A_16] : memref<128x128xf32, #tpu.memory_space<vmem>>, vector<128x128xf32>
    %dot_general3A = arith.constant dense<0.000000e+00> : vector<1000x128xf32>
    %dot_general3A_18 = tpu.matmul %get3A_14, %get3A_17, %dot_general3A {dimension_numbers = #tpu.dot_dimension_numbers<[1], [0], [0], [1], [0, 0, 1, 1], [], []>, transpose_lhs_hint = false} : vector<1000x128xf32>, vector<128x128xf32>, vector<1000x128xf32> -> vector<1000x128xf32>
    %get3A_19 = arith.constant 0 : index
    %get3A_20 = arith.constant 0 : index
    %get3A_21 = vector.load %arg6[%get3A_19, %get3A_20] : memref<128x128xf32, #tpu.memory_space<vmem>>, vector<128x128xf32>
    %dot_general3A_22 = arith.constant dense<0.000000e+00> : vector<1000x128xf32>
    %dot_general3A_23 = tpu.matmul %div3A_11, %get3A_21, %dot_general3A_22 {dimension_numbers = #tpu.dot_dimension_numbers<[1], [0], [0], [1], [0, 0, 1, 1], [], []>, transpose_lhs_hint = false} : vector<1000x128xf32>, vector<128x128xf32>, vector<1000x128xf32> -> vector<1000x128xf32>
    %add3A = arith.addf %dot_general3A_18, %dot_general3A_23 : vector<1000x128xf32>
    %get3A_24 = arith.constant 0 : index
    %get3A_25 = arith.constant 0 : index
    %get3A_26 = vector.load %arg7[%get3A_24, %get3A_25] : memref<1x128xf32, #tpu.memory_space<vmem>>, vector<1x128xf32>
    %add3A_27 = vector.broadcast %get3A_26 : vector<1x128xf32> to vector<1000x128xf32>
    %add3A_28 = arith.addf %add3A, %add3A_27 : vector<1000x128xf32>
    %max3A_29 = arith.constant 0.000000e+00 : f32
    %max3A_30 = vector.broadcast %max3A_29 : f32 to vector<1000x128xf32>
    %max3A_31 = arith.maximumf %add3A_28, %max3A_30 : vector<1000x128xf32>
    %slice3A = vector.extract_strided_slice %max3A_31 {offsets = [0, 0], sizes = [1000, 64], strides = [1, 1]} : vector<1000x128xf32> to vector<1000x64xf32>
    %swap3A = arith.constant 0 : index
    %swap3A_32 = arith.constant 0 : index
    %swap3A_33 = arith.constant 0 : index
    %swap3A_34 = vector.load %arg8[%swap3A, %swap3A_32, %swap3A_33] : memref<2x1000x64xf32, #tpu.memory_space<vmem>>, vector<1x1000x64xf32>
    %swap3A_35 = vector.shape_cast %swap3A_34 : vector<1x1000x64xf32> to vector<1000x64xf32>
    %swap3A_36 = vector.shape_cast %slice3A : vector<1000x64xf32> to vector<1x1000x64xf32>
    tpu.vector_store %arg8[%swap3A, %swap3A_32, %swap3A_33], %swap3A_36 {strides = array<i32>} : memref<2x1000x64xf32, #tpu.memory_space<vmem>>, vector<1x1000x64xf32>,
    %slice3A_37 = vector.extract_strided_slice %max3A_31 {offsets = [0, 64], sizes = [1000, 64], strides = [1, 1]} : vector<1000x128xf32> to vector<1000x64xf32>
    %swap3A_38 = arith.constant 1 : index
    %swap3A_39 = arith.constant 0 : index
    %swap3A_40 = arith.constant 0 : index
    %swap3A_41 = vector.load %arg8[%swap3A_38, %swap3A_39, %swap3A_40] : memref<2x1000x64xf32, #tpu.memory_space<vmem>>, vector<1x1000x64xf32>
    %swap3A_42 = vector.shape_cast %swap3A_41 : vector<1x1000x64xf32> to vector<1000x64xf32>
    %swap3A_43 = vector.shape_cast %slice3A_37 : vector<1000x64xf32> to vector<1x1000x64xf32>
    tpu.vector_store %arg8[%swap3A_38, %swap3A_39, %swap3A_40], %swap3A_43 {strides = array<i32>} : memref<2x1000x64xf32, #tpu.memory_space<vmem>>, vector<1x1000x64xf32>,
    return
  }
  func.func @transform_0(%arg0: i32) -> (i32, i32) {
    %c0_i32 = arith.constant 0 : i32
    %c0_i32_0 = arith.constant 0 : i32
    return %arg0, %c0_i32 : i32, i32
  }
  func.func @transform_1(%arg0: i32) -> (i32, i32) {
    %c0_i32 = arith.constant 0 : i32
    %c0_i32_0 = arith.constant 0 : i32
    return %arg0, %c0_i32 : i32, i32
  }
  func.func @transform_2(%arg0: i32) -> (i32, i32) {
    %c0_i32 = arith.constant 0 : i32
    %c0_i32_0 = arith.constant 0 : i32
    return %arg0, %c0_i32 : i32, i32
  }
  func.func @transform_3(%arg0: i32) -> (i32, i32) {
    %c0_i32 = arith.constant 0 : i32
    %c0_i32_0 = arith.constant 0 : i32
    return %arg0, %c0_i32 : i32, i32
  }
  func.func @transform_4(%arg0: i32) -> (i32, i32) {
    %c0_i32 = arith.constant 0 : i32
    %c0_i32_0 = arith.constant 0 : i32
    %c0_i32_1 = arith.constant 0 : i32
    return %c0_i32, %c0_i32_0 : i32, i32
  }
  func.func @transform_5(%arg0: i32) -> (i32, i32) {
    %c0_i32 = arith.constant 0 : i32
    %c0_i32_0 = arith.constant 0 : i32
    %c0_i32_1 = arith.constant 0 : i32
    return %c0_i32, %c0_i32_0 : i32, i32
  }
  func.func @transform_6(%arg0: i32) -> (i32, i32) {
    %c0_i32 = arith.constant 0 : i32
    %c0_i32_0 = arith.constant 0 : i32
    %c0_i32_1 = arith.constant 0 : i32
    return %c0_i32, %c0_i32_0 : i32, i32
  }
  func.func @transform_7(%arg0: i32) -> (i32, i32, i32) {
    %c0_i32 = arith.constant 0 : i32
    %c0_i32_0 = arith.constant 0 : i32
    %c0_i32_1 = arith.constant 0 : i32
    return %c0_i32, %arg0, %c0_i32_0 : i32, i32, i32
  }
}

module attributes {stable_mosaic.version = 14 : i64} {
  func.func @_tc2_body(%arg0: i32, %arg1: memref<2x1000x64xf32, #tpu.memory_space<vmem>>, %arg2: memref<1000x64xf32, #tpu.memory_space<vmem>>, %arg3: memref<1000x64xf32, #tpu.memory_space<vmem>>, %arg4: memref<1000x32xf32, #tpu.memory_space<vmem>>, %arg5: memref<128x128xf32, #tpu.memory_space<vmem>>, %arg6: memref<128x128xf32, #tpu.memory_space<vmem>>, %arg7: memref<1x128xf32, #tpu.memory_space<vmem>>, %arg8: memref<1000x128xf32, #tpu.memory_space<vmem>>) attributes {dimension_semantics = [#tpu.dimension_semantics<arbitrary>], iteration_bounds = array<i64: 10>, scalar_prefetch = 0 : i64, scratch_operands = 0 : i64, tpu.core_type = #tpu.core_type<tc>, window_params = [{transform_indices = @transform_0, window_bounds = array<i64: 2, 1000, 64>}, {transform_indices = @transform_1, window_bounds = array<i64: 1000, 64>}, {transform_indices = @transform_2, window_bounds = array<i64: 1000, 64>}, {transform_indices = @transform_3, window_bounds = array<i64: 1000, 32>}, {pipeline_mode = #tpu.pipeline_mode<synchronous>, transform_indices = @transform_4, window_bounds = array<i64: 128, 128>}, {pipeline_mode = #tpu.pipeline_mode<synchronous>, transform_indices = @transform_5, window_bounds = array<i64: 128, 128>}, {pipeline_mode = #tpu.pipeline_mode<synchronous>, transform_indices = @transform_6, window_bounds = array<i64: 1, 128>}, {transform_indices = @transform_7, window_bounds = array<i64: 1000, 128>}]} {
    %get3A = arith.constant 0 : index
    %get3A_0 = arith.constant 0 : index
    %get3A_1 = vector.load %arg4[%get3A, %get3A_0] : memref<1000x32xf32, #tpu.memory_space<vmem>>, vector<1000x32xf32>
    %reduce_sum3A = arith.constant dense<0.000000e+00> : vector<1000xf32>
    %reduce_sum3A_2 = vector.multi_reduction <add>, %get3A_1, %reduce_sum3A [1] : vector<1000x32xf32> to vector<1000xf32>
    %broadcast_in_dim3A = vector.shape_cast %reduce_sum3A_2 : vector<1000xf32> to vector<1000x1xf32>
    %get3A_3 = arith.constant 0 : index
    %get3A_4 = arith.constant 0 : index
    %get3A_5 = arith.constant 0 : index
    %get3A_6 = vector.load %arg1[%get3A_3, %get3A_4, %get3A_5] : memref<2x1000x64xf32, #tpu.memory_space<vmem>>, vector<1x1000x64xf32>
    %get3A_7 = vector.shape_cast %get3A_6 : vector<1x1000x64xf32> to vector<1000x64xf32>
    %get3A_8 = arith.constant 1 : index
    %get3A_9 = arith.constant 0 : index
    %get3A_10 = arith.constant 0 : index
    %get3A_11 = vector.load %arg1[%get3A_8, %get3A_9, %get3A_10] : memref<2x1000x64xf32, #tpu.memory_space<vmem>>, vector<1x1000x64xf32>
    %get3A_12 = vector.shape_cast %get3A_11 : vector<1x1000x64xf32> to vector<1000x64xf32>
    %concatenate3A = tpu.concatenate %get3A_7, %get3A_12 in 1 : vector<1000x64xf32>, vector<1000x64xf32> -> vector<1000x128xf32>
    %get3A_13 = arith.constant 0 : index
    %get3A_14 = arith.constant 0 : index
    %get3A_15 = vector.load %arg2[%get3A_13, %get3A_14] : memref<1000x64xf32, #tpu.memory_space<vmem>>, vector<1000x64xf32>
    %get3A_16 = arith.constant 0 : index
    %get3A_17 = arith.constant 0 : index
    %get3A_18 = vector.load %arg3[%get3A_16, %get3A_17] : memref<1000x64xf32, #tpu.memory_space<vmem>>, vector<1000x64xf32>
    %concatenate3A_19 = tpu.concatenate %get3A_15, %get3A_18 in 1 : vector<1000x64xf32>, vector<1000x64xf32> -> vector<1000x128xf32>
    %max3A = arith.constant 1.000000e+00 : f32
    %max3A_20 = vector.broadcast %max3A : f32 to vector<1000x1xf32>
    %max3A_21 = arith.maximumf %broadcast_in_dim3A, %max3A_20 : vector<1000x1xf32>
    %div3A = vector.broadcast %max3A_21 : vector<1000x1xf32> to vector<1000x128xf32>
    %div3A_22 = arith.divf %concatenate3A_19, %div3A : vector<1000x128xf32>
    %get3A_23 = arith.constant 0 : index
    %get3A_24 = arith.constant 0 : index
    %get3A_25 = vector.load %arg5[%get3A_23, %get3A_24] : memref<128x128xf32, #tpu.memory_space<vmem>>, vector<128x128xf32>
    %dot_general3A = arith.constant dense<0.000000e+00> : vector<1000x128xf32>
    %dot_general3A_26 = tpu.matmul %concatenate3A, %get3A_25, %dot_general3A {dimension_numbers = #tpu.dot_dimension_numbers<[1], [0], [0], [1], [0, 0, 1, 1], [], []>, transpose_lhs_hint = false} : vector<1000x128xf32>, vector<128x128xf32>, vector<1000x128xf32> -> vector<1000x128xf32>
    %get3A_27 = arith.constant 0 : index
    %get3A_28 = arith.constant 0 : index
    %get3A_29 = vector.load %arg6[%get3A_27, %get3A_28] : memref<128x128xf32, #tpu.memory_space<vmem>>, vector<128x128xf32>
    %dot_general3A_30 = arith.constant dense<0.000000e+00> : vector<1000x128xf32>
    %dot_general3A_31 = tpu.matmul %div3A_22, %get3A_29, %dot_general3A_30 {dimension_numbers = #tpu.dot_dimension_numbers<[1], [0], [0], [1], [0, 0, 1, 1], [], []>, transpose_lhs_hint = false} : vector<1000x128xf32>, vector<128x128xf32>, vector<1000x128xf32> -> vector<1000x128xf32>
    %add3A = arith.addf %dot_general3A_26, %dot_general3A_31 : vector<1000x128xf32>
    %get3A_32 = arith.constant 0 : index
    %get3A_33 = arith.constant 0 : index
    %get3A_34 = vector.load %arg7[%get3A_32, %get3A_33] : memref<1x128xf32, #tpu.memory_space<vmem>>, vector<1x128xf32>
    %add3A_35 = vector.broadcast %get3A_34 : vector<1x128xf32> to vector<1000x128xf32>
    %add3A_36 = arith.addf %add3A, %add3A_35 : vector<1000x128xf32>
    %swap3A = arith.constant 0 : index
    %swap3A_37 = arith.constant 0 : index
    %swap3A_38 = vector.load %arg8[%swap3A, %swap3A_37] : memref<1000x128xf32, #tpu.memory_space<vmem>>, vector<1000x128xf32>
    tpu.vector_store %arg8[%swap3A, %swap3A_37], %add3A_36 {strides = array<i32>} : memref<1000x128xf32, #tpu.memory_space<vmem>>, vector<1000x128xf32>,
    return
  }
  func.func @transform_0(%arg0: i32) -> (i32, i32, i32) {
    %c0_i32 = arith.constant 0 : i32
    %c0_i32_0 = arith.constant 0 : i32
    %c0_i32_1 = arith.constant 0 : i32
    return %c0_i32, %arg0, %c0_i32_0 : i32, i32, i32
  }
  func.func @transform_1(%arg0: i32) -> (i32, i32) {
    %c0_i32 = arith.constant 0 : i32
    %c0_i32_0 = arith.constant 0 : i32
    return %arg0, %c0_i32 : i32, i32
  }
  func.func @transform_2(%arg0: i32) -> (i32, i32) {
    %c0_i32 = arith.constant 0 : i32
    %c0_i32_0 = arith.constant 0 : i32
    return %arg0, %c0_i32 : i32, i32
  }
  func.func @transform_3(%arg0: i32) -> (i32, i32) {
    %c0_i32 = arith.constant 0 : i32
    %c0_i32_0 = arith.constant 0 : i32
    return %arg0, %c0_i32 : i32, i32
  }
  func.func @transform_4(%arg0: i32) -> (i32, i32) {
    %c0_i32 = arith.constant 0 : i32
    %c0_i32_0 = arith.constant 0 : i32
    %c0_i32_1 = arith.constant 0 : i32
    return %c0_i32, %c0_i32_0 : i32, i32
  }
  func.func @transform_5(%arg0: i32) -> (i32, i32) {
    %c0_i32 = arith.constant 0 : i32
    %c0_i32_0 = arith.constant 0 : i32
    %c0_i32_1 = arith.constant 0 : i32
    return %c0_i32, %c0_i32_0 : i32, i32
  }
  func.func @transform_6(%arg0: i32) -> (i32, i32) {
    %c0_i32 = arith.constant 0 : i32
    %c0_i32_0 = arith.constant 0 : i32
    %c0_i32_1 = arith.constant 0 : i32
    return %c0_i32, %c0_i32_0 : i32, i32
  }
  func.func @transform_7(%arg0: i32) -> (i32, i32) {
    %c0_i32 = arith.constant 0 : i32
    %c0_i32_0 = arith.constant 0 : i32
    return %arg0, %c0_i32 : i32, i32
  }
}

</mosaic_0001>

<sc_bundles>
// kernel: kernel.6.cloned.1.call-start
scs
__scs_entry_jumppad:
0x0: {  	(pc) =	sbr.rel $0x88, $3  }
0x1: {  	(tag) =	ssettag $0x0;
	lr =	simm.s32 $0x1  }
0x2: {  	[smem:$0x3F99] =	sst lr;
	_ =	strace $0xD0000000  }
0x3: {  	_ = 	snop  }
0x4: {  	_ = 	snop  }
0x5: {  	_ = 	snop  }
0x6: {  	_ = 	snop  }
0x7: {  	_ = 	snop  }
__scs_overlays_trampoline_lowered:
0x8: {  	[smem:$0x3FA8] =	sst s0  }
0x9: {  	[smem:$0x3FA9] =	sst s1  }
0xa: {  	[smem:$0x3FAA] =	sst s2  }
0xb: {  	[smem:$0x3FAB] =	sst s3  }
0xc: {  	[smem:$0x3FAC] =	sst s4  }
0xd: {  	[smem:$0x3FAD] =	sst s5  }
0xe: {  	[smem:$0x3FAE] =	sst s6  }
0xf: {  	[smem:$0x3FAF] =	sst s7  }
0x10: {  	[smem:$0x3FB0] =	sst s8  }
0x11: {  	[smem:$0x3FB1] =	sst s9;
	s0 =	simm.s32 @!p0 $0x0  }
0x12: {  	s1 =	sld [smem:$0x3F97];
	s0 =	simm.s32 @p0 $0x1  }
0x13: {  	[smem:$0x3FB2] =	sst s0;
	s0 =	simm.s32 @!p1 $0x0  }
0x14: {  	s2 =	sld [smem:$0x3F96];
	s0 =	simm.s32 @p1 $0x1  }
0x15: {  	[smem:$0x3FB3] =	sst s0;
	s0 =	simm.s32 @!p2 $0x0  }
0x16: {  	s3 =	sld [smem:$0x3FDB];
	s0 =	simm.s32 @p2 $0x1  }
0x17: {  	s4 =	simm.s32 $0x1BF5;
	[smem:$0x3FB5] =	sst s0  }
0x18: {  	s0 =	sld [smem:$0x3F98];
	_ =	swait.ge [sflag:s4], $0x0  }
0x19: {  	s7 =	sld [smem:$0x3F99]  }
0x1a: {  	s8 =	sadd.s32 $0xFFFFE003, lr  }
0x1b: {  	s9 =	sadd.s32 $0xFFFFFEF7, lr;
	s5 =	simm.s32 $0xFFFFFFFF;
	p2 =	slt.u32 s8, $0xFFFFF086  }
0x1c: {  	p1 =	slt.u32 s9, $0xF7A;
	s5 =	simm.s32 @!p2 $0x0  }
0x1d: {  	s5 =	simm.s32 @p1 $0x1;
	p0 =	seq.s32 s7, s2  }
0x1e: {  	s7 =	smul.u32 @!p0 $0xF7A, s2;
	p2 =	seq.s32 @!p0 s5, $0x0  }
0x1f: {  	s9 =	smul.u32 $0xF7A, s1;
	s8 =	simm.s32 @!p0 $0x1BF5;
	p2 =	por !p2, p0  }
0x20: {  	[sflag:s8] =	ssyncset.s32 @!p0 $0xFFFFF086;
	s6 =	sadd.s32 @!p0 s3, s7;
	s7 =	simm.s32 @!p0 $0x108  }
0x21: {  	s3 =	sadd.s32 s3, s9;
	s6 =	sadd.s32 @!p0 $0x88, s6;
	s7 =	simm.s32 @p2 $0x1082  }
0x22: {  	[simem:s7], [sflag:s8] =	dma.local @!p0 [hbm:s6], $0xF7A  }
0x23: {  	s9 =	sor.u32 $0xD0000000, s2;
	s6 =	simm.s32 $0x108;
	_ =	swait.ge @!p0 [sflag:s8], $0x0  }
0x24: {  	s3 =	sadd.s32 $0x88, s3;
	s6 =	simm.s32 @!p1 $0x1082;
	[sflag:s4] =	ssyncset.s32 $0xFFFFF086  }
0x25: {  	[simem:s6], [sflag:s4] =	dma.local [hbm:s3], $0xF7A  }
0x26: {  	[smem:$0x3F99] =	sst s1;
	(tag) =	ssettag s2;
	_ =	strace s9  }
0x27: {  	s1 =	sld [smem:$0x3FA9]  }
0x28: {  	s2 =	sld [smem:$0x3FAA]  }
0x29: {  	s4 =	sld [smem:$0x3FAC]  }
0x2a: {  	p0 =	seq.s32 s5, $0x0;
	s5 =	sld [smem:$0x3FAD]  }
0x2b: {  	s6 =	sld [smem:$0x3FAE]  }
0x2c: {  	s7 =	sld [smem:$0x3FAF]  }
0x2d: {  	s3 =	simm.s32 $0x108;
	s8 =	sld [smem:$0x3FB0]  }
0x2e: {  	s3 =	simm.s32 @!p0 $0x1082;
	s9 =	sld [smem:$0x3FB1]  }
0x2f: {  	lr =	sadd.s32 s0, s3;
	s0 =	sld [smem:$0x3FA8]  }
0x30: {  	s3 =	sld [smem:$0x3FAB]  }
0x31: {  	[smem:$0x3FB4] =	sst s10  }
0x32: {  	s10 =	sld [smem:$0x3FB2];
	_ =	sdelay $0x3  }
0x33: {  	p0 =	seq.s32 s10, $0x1;
	s10 =	sld [smem:$0x3FB4];
	_ =	sdelay $0x3  }
0x34: {  	[smem:$0x3FB4] =	sst s10  }
0x35: {  	s10 =	sld [smem:$0x3FB3];
	_ =	sdelay $0x3  }
0x36: {  	p1 =	seq.s32 s10, $0x1;
	s10 =	sld [smem:$0x3FB4];
	_ =	sdelay $0x3  }
0x37: {  	[smem:$0x3FB4] =	sst s10  }
0x38: {  	s10 =	sld [smem:$0x3FB5]  }
0x39: {  	_ = 	snop;
	(pc) =	sbr.ind lr, $3  }
0x3a: {  	_ = 	snop  }
0x3b: {  	_ = 	snop  }
0x3c: {  	p2 =	seq.s32 s10, $0x1;
	s10 =	sld [smem:$0x3FB4]  }
0x3d: {  	_ =	shalt  }
0x3e: {  	_ =	shalt  }
0x3f: {  	_ =	shalt  }
0x40: {  	_ =	shalt  }
0x41: {  	_ =	shalt  }
0x42: {  	_ =	shalt  }
0x43: {  	_ =	shalt  }
0x44: {  	_ =	shalt  }
0x45: {  	_ =	shalt  }
0x46: {  	_ =	shalt  }
0x47: {  	_ =	shalt  }
0x48: {  	_ =	shalt  }
0x49: {  	_ =	shalt  }
0x4a: {  	_ =	shalt  }
0x4b: {  	_ =	shalt  }
0x4c: {  	_ =	shalt  }
0x4d: {  	_ =	shalt  }
0x4e: {  	_ =	shalt  }
0x4f: {  	_ =	shalt  }
0x50: {  	_ =	shalt  }
0x51: {  	_ =	shalt  }
0x52: {  	_ =	shalt  }
0x53: {  	_ =	shalt  }
0x54: {  	_ =	shalt  }
0x55: {  	_ =	shalt  }
0x56: {  	_ =	shalt  }
0x57: {  	_ =	shalt  }
0x58: {  	_ =	shalt  }
0x59: {  	_ =	shalt  }
0x5a: {  	_ =	shalt  }
0x5b: {  	_ =	shalt  }
0x5c: {  	_ =	shalt  }
0x5d: {  	_ =	shalt  }
0x5e: {  	_ =	shalt  }
0x5f: {  	_ =	shalt  }
0x60: {  	_ =	shalt  }
0x61: {  	_ =	shalt  }
0x62: {  	_ =	shalt  }
0x63: {  	_ =	shalt  }
0x64: {  	_ =	shalt  }
0x65: {  	_ =	shalt  }
0x66: {  	_ =	shalt  }
0x67: {  	_ =	shalt  }
0x68: {  	_ =	shalt  }
0x69: {  	_ =	shalt  }
0x6a: {  	_ =	shalt  }
0x6b: {  	_ =	shalt  }
0x6c: {  	_ =	shalt  }
0x6d: {  	_ =	shalt  }
0x6e: {  	_ =	shalt  }
0x6f: {  	_ =	shalt  }
0x70: {  	_ =	shalt  }
0x71: {  	_ =	shalt  }
0x72: {  	_ =	shalt  }
0x73: {  	_ =	shalt  }
0x74: {  	_ =	shalt  }
0x75: {  	_ =	shalt  }
0x76: {  	_ =	shalt  }
0x77: {  	_ =	shalt  }
0x78: {  	_ =	shalt  }
0x79: {  	_ =	shalt  }
0x7a: {  	_ =	shalt  }
0x7b: {  	_ =	shalt  }
0x7c: {  	_ =	shalt  }
0x7d: {  	_ =	shalt  }
0x7e: {  	_ =	shalt  }
0x7f: {  	_ =	shalt  }
0x80: {  	_ =	shalt  }
0x81: {  	_ =	shalt  }
0x82: {  	_ =	shalt  }
0x83: {  	_ =	shalt  }
0x84: {  	_ =	shalt  }
0x85: {  	_ =	shalt  }
0x86: {  	_ =	shalt  }
0x87: {  	_ =	shalt  }
.Lfunc_end0:
.L_simem_size_0:
called_computation_lowered:
.L_overlay_start_0:
0x88: {  	s2 =	sld [smem:$0x3FD9]  }
0x89: {  	s3 =	sld [smem:$0x3FFE];
	_ =	sdelay $0x1  }
0x8a: {  	s1 =	srdreg.scid  }
0x8b: {  	s0 =	sand.u32 $0x1, s1  }
0x8c: {  	s17 =	sshll.u32 s0, $0xA;
	s2 =	sadd.s32 s3, s2  }
0x8d: {  	s2 =	sadd.s32 s2, s17  }
0x8e: {  	[smem:$0x3FC0] =	sst s2  }
0x8f: {  	_ = 	snop  }
0x90: {  	s2 =	sld [smem:$0x3FD0];
	(tm) =	ssettm $0x1  }
0x91: {  	s18 =	sld [smem:$0x3FFB];
	_ =	sdelay $0x3  }
0x92: {  	_ =	strace s18  }
0x93: {  	s3 =	sld [smem:$0x3FFC];
	_ =	sdelay $0x3  }
0x94: {  	_ =	strace s3  }
0x95: {  	s3 =	sld [smem:$0x3FFD];
	_ =	sdelay $0x3  }
0x96: {  	_ =	strace s3  }
0x97: {  	_ =	strace $0x8FFFFFFF  }
0x98: {  	s19 =	sld [smem:$0x3FDB];
	_ =	sdelay $0x1  }
0x99: {  	s4 =	simm.s32 $_scs_section_size  }
0x9a: {  	s5 =	simm.s32 $_size__tile_overlayer_lowered;
	s6 =	simm.s32 $_tile_overlayer_lowered  }
0x9b: {  	s22 =	simm.s32 $0x1BFF;
	s21 =	sshll.u32 s6, $0x1;
	s3 =	sadd.s32 s4, s19  }
0x9c: {  	s7 =	simm.s32 $0x0;
	s20 =	sshll.u32 s5, $0x1;
	s5 =	sadd.s32 s21, s3  }
0x9d: {  	[timem:s7], [sflag:s22] =	dma.local [hbm:s5], s20  }
0x9e: {  	_ =	swait.ge [sflag:s22], s20  }
0x9f: {  	s4 =	ssub.s32 $0x0, s20;
	[sflag:s22] =	ssyncset.done $0x0  }
0xa0: {  	[sflag:s22] =	ssyncadd.s32 s4;
	_ =	sdelay $0x1  }
0xa1: {  	s23 =	simm.s32 $0x1B8B  }
0xa2: {  	_ =	swait.ge [sflag:s23], $0x1  }
0xa3: {  	[sflag:s23] =	ssyncset.done $0x0  }
0xa4: {  	s25 =	simm.s32 $0x1B8E;
	s24 =	sld [smem:$0x3FFE];
	[sflag:s23] =	ssyncadd.s32 $0xFFFFFFFF  }
0xa5: {  	s26 =	simm.s32 $execute0_lowered;
	[smem:$0x3FD2] =	sst s25  }
0xa6: {  	s5 =	sshll.u32 s26, $0x1;
	_ =	strace $0x80000046;
	[dreg:$0x1] =	wrdreg $0xFFFFFFFF  }
0xa7: {  	s28 =	simm.s32 $_size_execute0_lowered;
	s3 =	sadd.s32 s3, s5;
	[dreg:$0x0] =	wrdreg $0x0  }
0xa8: {  	s5 =	sshll.u32 s28, $0x1;
	[dreg:$0x2] =	wrdreg s3  }
0xa9: {  	[dreg:$0x3] =	wrdreg s5  }
0xaa: {  	[dreg:$0x4] =	wrdreg $0xC0  }
0xab: {  	_ =	task [dreg:s7], $0x5FFFF  }
0xac: {  	[dreg:$0x1] =	wrdreg $0xFFFFFFFF  }
0xad: {  	[dreg:$0x0] =	wrdreg $0x60  }
0xae: {  	[dreg:$0x2] =	wrdreg s2  }
0xaf: {  	[dreg:$0x3] =	wrdreg s24  }
0xb0: {  	[dreg:$0x4] =	wrdreg $0x11D000  }
0xb1: {  	[dreg:$0x5] =	wrdreg $0x9  }
0xb2: {  	_ =	task.clear_ibuf [dreg:s7], $0x6FFFF;
	_ =	strace $0x90000046  }
0xb3: {  	s29 =	simm.s32 $0x9;
	_ =	strace $0x80000048  }
0xb4: {  	_ =	swait.ge [sflag:s29], $0x1  }
0xb5: {  	[sflag:s29] =	ssyncadd.s32 $0xFFFFFFFF  }
0xb6: {  	_ =	strace $0x90000048  }
0xb7: {  	_ =	sfence  }
0xb8: {  	s30 =	sld [smem:$0x0];
	_ =	sdelay $0x2  }
0xb9: {  	s31 =	sshll.u32 s1, $0xD;
	s1 =	sshrl.u32 s1, $0x2  }
0xba: {  	s3 =	sand.u32 $0x4000, s31;
	s1 =	sadd.s32 s1, s30  }
0xbb: {  	s0 =	sor.u32 s3, s0;
	s1 =	sshll.u32 s1, $0x11  }
0xbc: {  	s0 =	sor.u32 s1, s0  }
0xbd: {  	s0 =	sadd.s32 $0x8F2B, s0  }
0xbe: {  	[sflag:s0] =	ssyncadd.remote.s32 $0x1  }
0xbf: {  	_ =	sfence.sel $0xFFFF  }
0xc0: {  	[dreg:$0x0] =	wrdreg $0xFFFFFFFF;
	(pc) =	sbr.abs _section_cstart, $3  }
0xc1: {  	[dreg:$0x1] =	wrdreg $0xFFFFFFFF  }
0xc2: {  	_ =	task.clear_ibuf [dreg:s7], $0x2FFFF;
	_ =	strace $0x9FFFFFFF  }
0xc3: {  	(tm) =	ssettm $0x7FFFFFFF  }
tec
execute0_lowered:
.L_overlay_start_1:
0x0: {  	(tag) =	ssettag $0x1  }
0x1: {  	s0 =	rddreg [dreg:$0x0]  }
0x2: {  	s1 =	rddreg [dreg:$0x1];
	s13 =	stileid.u32  }
0x3: {  	s3 =	srdreg.scid;
	s2 =	rddreg [dreg:$0x2]  }
0x4: {  	s16 =	simm.s32 $0x1BD00;
	s17 =	simm.s32 $0x80;
	s18 =	simm.s32 $0x9D00  }
0x5: {  	s19 =	simm.s32 $0xBD00;
	s21 =	simm.s32 $0xDD00;
	s28 =	simm.s32 $0x5  }
0x6: {  	s29 =	simm.s32 $0x3;
	s31 =	simm.s32 $0x4;
	s4 =	smul.u32 $0x9D0, s13  }
0x7: {  	s20 =	sand.u32 $0x1, s3;
	s8 =	smul.u32 $0xA000, s13;
	s3 =	simm.s32 $0x0  }
0x8: {  	s10 =	smul.u32 $0x2800, s13;
	s22 =	sadd.s32 $0x16200, s1;
	s5 =	sadd.s32 $0x15C00, s1  }
0x9: {  	s30 =	sshll.u32 s13, $0x6;
	s13 =	simm.s32 $0x4E80;
	s6 =	smul.u32 $0xA0000, s20  }
0xa: {  	[smem:$0x7FF] =	sst s3;
	s7 =	smul.u32 $0x28000, s20;
	s23 =	ssub.s32 $0x2, s20  }
0xb: {  	s26 =	smul.u32 $0x13880, s20;
	p0 =	sne.s32 s20, $0x0;
	s14 =	sor.u32 $0x1C07, s30  }
0xc: {  	p1 =	seq.s32 s20, $0x0;
	_ =	strace $0x80000047;
	s9 =	sadd.s32 s4, s1  }
0xd: {  	[dreg:$0x4] =	wrdreg s22;
	s25 =	sshrl.u32 s23, $0x1;
	s15 =	sadd.s32 s8, s2  }
0xe: {  	s22 =	simm.s32 $0x1;
	s6 =	sadd.s32 s8, s6;
	s7 =	sadd.s32 s10, s7  }
0xf: {  	s12 =	ssub.s32 s23, s25;
	s8 =	sadd.s32 s0, s26;
	s15 =	sshrl.u32 s15, $0x3  }
.Ltmp0:
0x10: {  	s25 =	simm.s32 $0x6;
	s26 =	simm.s32 $0x2;
	(pc) =	sbr.rel .LBB2_1-.Ltmp0, $4  }
0x11: {  	s6 =	sshrl.u32 s6, $0x3;
	s24 =	sshrl.u32 s7, $0x3;
	s7 =	sadd.s32 $0x2000, s9  }
0x12: {  	s11 =	sadd.s32 s6, s1;
	s1 =	sadd.s32 s24, s1;
	s6 =	sadd.s32 $0xBE00, s9  }
0x13: {  	s24 =	simm.s32 $0xFD00;
	s9 =	sadd.s32 $0x21600, s11;
	s10 =	sadd.s32 $0x17600, s1  }
0x14: {  	v0 =	vimm.f32 $1.000000000e+00;
	s11 =	smax.u32 s12, $0x1;
	s12 =	simm.s32 $0x7;
	s1 =	simm.s32 $0x0  }
.LBB2_11:
0x15: {  	_ =	swait.ge [sflag:s25], $0x2000  }
0x16: {  	[sflag:s25] =	ssyncset.done $0x0  }
0x17: {  	[sflag:s25] =	ssyncadd.s32 $0xFFFFE000  }
0x18: {  	_ =	swait.ge [sflag:s29], $0x2000  }
0x19: {  	[sflag:s29] =	ssyncset.done $0x0  }
0x1a: {  	s0 =	simm.s32 $0x9B80;
	[sflag:s29] =	ssyncadd.s32 $0xFFFFE000  }
0x1b: {  	[spmem:s2] =	stream.indirect.scatter.add.f32 [tilespmem:s21], [sflag:$0x7], $0x40, s0, s17, $0xb8;
	[tilespmem:$0x1E500] =	vst v63  }
0x1c: {  	_ =	swait.ge [sflag:s12], $0x2000  }
0x1d: {  	[sflag:s12] =	ssyncset.done $0x0  }
0x1e: {  	s0 =	simm.s32 @p0 $0x4;
	[sflag:s12] =	ssyncadd.s32 $0xFFFFE000  }
0x1f: {  	_ =	swait.ge @p0 [sflag:s0], $0x2000  }
0x20: {  	s20 =	simm.s32 @p0 $0x9C00;
	[sflag:s0] =	ssyncset.done @p0 $0x0  }
0x21: {  	s23 =	simm.s32 @p0 $0xFD00;
	[sflag:s0] =	ssyncadd.s32 @p0 $0xFFFFE000;
	s0 =	simm.s32 @p0 $0x80  }
0x22: {  	[spmem:s2] =	stream.indirect.scatter.add.f32 @p0 [tilespmem:s23], [sflag:$0x7], $0x40, s20, s0, $0xb8;
	[tilespmem:$0x1E500] =	vst v63  }
0x23: {  	s20 =	simm.s32 @p0 $0x7  }
0x24: {  	_ =	swait.ge @p0 [sflag:s20], $0x2000  }
0x25: {  	[sflag:s20] =	ssyncset.done @p0 $0x0  }
0x26: {  	[sflag:s20] =	ssyncadd.s32 @p0 $0xFFFFE000  }
0x27: {  	v1 =	vld @p0 [tilespmem:$0x9C00];
	_ =	sdelay $0x6  }
0x28: {  	v2 =	vimm.f32 @p0 $1.000000000e+00;
	s23 =	simm.s32 @p0 $0x1BD00  }
0x29: {  	[tilespmem:v1+s23+$0x0] =	vst.idx.add.f32.msk @p0 $0xffff, v2  }
0x2a: {  	v1 =	vld @p0 [tilespmem:$0x9C10];
	_ =	sdelay $0x7  }
0x2b: {  	[tilespmem:v1+s23+$0x0] =	vst.idx.add.f32.msk @p0 $0xffff, v2  }
0x2c: {  	v1 =	vld @p0 [tilespmem:$0x9C20];
	_ =	sdelay $0x7  }
0x2d: {  	[tilespmem:v1+s23+$0x0] =	vst.idx.add.f32.msk @p0 $0xffff, v2  }
0x2e: {  	v1 =	vld @p0 [tilespmem:$0x9C30];
	_ =	sdelay $0x7  }
0x2f: {  	[tilespmem:v1+s23+$0x0] =	vst.idx.add.f32.msk @p0 $0xffff, v2  }
0x30: {  	v1 =	vld @p0 [tilespmem:$0x9C40];
	_ =	sdelay $0x7  }
0x31: {  	[tilespmem:v1+s23+$0x0] =	vst.idx.add.f32.msk @p0 $0xffff, v2  }
0x32: {  	v1 =	vld @p0 [tilespmem:$0x9C50];
	_ =	sdelay $0x7  }
0x33: {  	[tilespmem:v1+s23+$0x0] =	vst.idx.add.f32.msk @p0 $0xffff, v2  }
0x34: {  	v1 =	vld @p0 [tilespmem:$0x9C60];
	_ =	sdelay $0x7  }
0x35: {  	[tilespmem:v1+s23+$0x0] =	vst.idx.add.f32.msk @p0 $0xffff, v2  }
0x36: {  	v1 =	vld @p0 [tilespmem:$0x9C70];
	_ =	sdelay $0x7  }
0x37: {  	[tilespmem:v1+s23+$0x0] =	vst.idx.add.f32.msk @p0 $0xffff, v2;
	s23 =	simm.s32 @p0 $0x1  }
0x38: {  	_ =	swait.ge @p0 [sflag:s23], $0x2000  }
0x39: {  	[sflag:s23] =	ssyncset.done @p0 $0x0  }
0x3a: {  	s30 =	simm.s32 @p0 $0x9D00;
	[sflag:s23] =	ssyncadd.s32 @p0 $0xFFFFE000;
	s23 =	simm.s32 @p0 $0x9C80  }
0x3b: {  	[spmem:s2] =	stream.indirect.scatter.add.f32 @p0 [tilespmem:s30], [sflag:$0x7], $0x40, s23, s0, $0xb8;
	[tilespmem:$0x1E500] =	vst v63  }
0x3c: {  	_ =	swait.ge @p0 [sflag:s20], $0x2000  }
0x3d: {  	[sflag:s20] =	ssyncset.done @p0 $0x0  }
0x3e: {  	[sflag:s20] =	ssyncadd.s32 @p0 $0xFFFFE000  }
0x3f: {  	v1 =	vld @!p0 [tilespmem:$0x9B80];
	_ =	sdelay $0x6  }
0x40: {  	v2 =	vimm.f32 @!p0 $1.000000000e+00;
	s0 =	simm.s32 @!p0 $0x1BD00  }
0x41: {  	[tilespmem:v1+s0+$0x0] =	vst.idx.add.f32.msk @!p0 $0xffff, v2  }
0x42: {  	v1 =	vld @!p0 [tilespmem:$0x9B90];
	_ =	sdelay $0x7  }
0x43: {  	[tilespmem:v1+s0+$0x0] =	vst.idx.add.f32.msk @!p0 $0xffff, v2  }
0x44: {  	v1 =	vld @!p0 [tilespmem:$0x9BA0];
	_ =	sdelay $0x7  }
0x45: {  	[tilespmem:v1+s0+$0x0] =	vst.idx.add.f32.msk @!p0 $0xffff, v2  }
0x46: {  	v1 =	vld @!p0 [tilespmem:$0x9BB0];
	_ =	sdelay $0x7  }
0x47: {  	[tilespmem:v1+s0+$0x0] =	vst.idx.add.f32.msk @!p0 $0xffff, v2  }
0x48: {  	v1 =	vld @!p0 [tilespmem:$0x9BC0];
	_ =	sdelay $0x7  }
0x49: {  	[tilespmem:v1+s0+$0x0] =	vst.idx.add.f32.msk @!p0 $0xffff, v2  }
0x4a: {  	v1 =	vld @!p0 [tilespmem:$0x9BD0];
	_ =	sdelay $0x7  }
0x4b: {  	[tilespmem:v1+s0+$0x0] =	vst.idx.add.f32.msk @!p0 $0xffff, v2  }
0x4c: {  	v1 =	vld @!p0 [tilespmem:$0x9BE0];
	_ =	sdelay $0x7  }
0x4d: {  	[tilespmem:v1+s0+$0x0] =	vst.idx.add.f32.msk @!p0 $0xffff, v2  }
0x4e: {  	v1 =	vld @!p0 [tilespmem:$0x9BF0];
	_ =	sdelay $0x7  }
0x4f: {  	s20 =	simm.s32 @!p0 $0x4;
	[tilespmem:v1+s0+$0x0] =	vst.idx.add.f32.msk @!p0 $0xffff, v2  }
0x50: {  	_ =	swait.ge @!p0 [sflag:s20], $0x2000  }
0x51: {  	s23 =	simm.s32 @!p0 $0x9C00;
	[sflag:s20] =	ssyncset.done @!p0 $0x0  }
0x52: {  	s30 =	simm.s32 @!p0 $0xFD00;
	[sflag:s20] =	ssyncadd.s32 @!p0 $0xFFFFE000;
	s20 =	simm.s32 @!p0 $0x80  }
0x53: {  	[spmem:s2] =	stream.indirect.scatter.add.f32 @!p0 [tilespmem:s30], [sflag:$0x7], $0x40, s23, s20, $0xb8;
	[tilespmem:$0x1E500] =	vst v63  }
0x54: {  	s23 =	simm.s32 @!p0 $0x7  }
0x55: {  	_ =	swait.ge @!p0 [sflag:s23], $0x2000  }
0x56: {  	[sflag:s23] =	ssyncset.done @!p0 $0x0  }
0x57: {  	s30 =	simm.s32 @!p0 $0x1;
	[sflag:s23] =	ssyncadd.s32 @!p0 $0xFFFFE000  }
0x58: {  	_ =	swait.ge @!p0 [sflag:s30], $0x2000  }
0x59: {  	[sflag:s30] =	ssyncset.done @!p0 $0x0  }
0x5a: {  	s4 =	simm.s32 @!p0 $0x9D00;
	[sflag:s30] =	ssyncadd.s32 @!p0 $0xFFFFE000;
	s30 =	simm.s32 @!p0 $0x9C80  }
0x5b: {  	[spmem:s2] =	stream.indirect.scatter.add.f32 @!p0 [tilespmem:s4], [sflag:$0x7], $0x40, s30, s20, $0xb8;
	[tilespmem:$0x1E500] =	vst v63  }
0x5c: {  	_ =	swait.ge @!p0 [sflag:s23], $0x2000  }
0x5d: {  	[sflag:s23] =	ssyncset.done @!p0 $0x0  }
0x5e: {  	[sflag:s23] =	ssyncadd.s32 @!p0 $0xFFFFE000  }
0x5f: {  	v1 =	vld @!p0 [tilespmem:$0x9C80];
	_ =	sdelay $0x7  }
0x60: {  	[tilespmem:v1+s0+$0x0] =	vst.idx.add.f32.msk @!p0 $0xffff, v2  }
0x61: {  	v1 =	vld @!p0 [tilespmem:$0x9C90];
	_ =	sdelay $0x7  }
0x62: {  	[tilespmem:v1+s0+$0x0] =	vst.idx.add.f32.msk @!p0 $0xffff, v2  }
0x63: {  	v1 =	vld @!p0 [tilespmem:$0x9CA0];
	_ =	sdelay $0x7  }
0x64: {  	[tilespmem:v1+s0+$0x0] =	vst.idx.add.f32.msk @!p0 $0xffff, v2  }
0x65: {  	v1 =	vld @!p0 [tilespmem:$0x9CB0];
	_ =	sdelay $0x7  }
0x66: {  	[tilespmem:v1+s0+$0x0] =	vst.idx.add.f32.msk @!p0 $0xffff, v2  }
0x67: {  	v1 =	vld @!p0 [tilespmem:$0x9CC0];
	_ =	sdelay $0x7  }
0x68: {  	[tilespmem:v1+s0+$0x0] =	vst.idx.add.f32.msk @!p0 $0xffff, v2  }
0x69: {  	v1 =	vld @!p0 [tilespmem:$0x9CD0];
	_ =	sdelay $0x7  }
0x6a: {  	[tilespmem:v1+s0+$0x0] =	vst.idx.add.f32.msk @!p0 $0xffff, v2  }
0x6b: {  	v1 =	vld @!p0 [tilespmem:$0x9CE0];
	_ =	sdelay $0x7  }
0x6c: {  	[tilespmem:v1+s0+$0x0] =	vst.idx.add.f32.msk @!p0 $0xffff, v2  }
0x6d: {  	v1 =	vld @!p0 [tilespmem:$0x9CF0];
	_ =	sdelay $0x7  }
0x6e: {  	[tilespmem:v1+s0+$0x0] =	vst.idx.add.f32.msk @!p0 $0xffff, v2  }
0x6f: {  	[bflag:$0x0] =	sbarrier.arrive $0xFFFF  }
0x70: {  	[hbm:s9], [sflag:s14] =	dma.local [spmem:s15], $0x1400  }
0x71: {  	s1 =	sadd.s32 $0x1, s1;
	_ =	swait.ge [sflag:s12], $0x1400  }
0x72: {  	p2 =	sne.s32 s1, s11;
	[sflag:s12] =	ssyncset.done $0x0  }
.Ltmp1:
0x73: {  	[sflag:s12] =	ssyncadd.s32 $0xFFFFEC00;
	(pc) =	sbr.rel @!p2 .LBB2_12-.Ltmp1, $4  }
0x74: {  	[hbm4b:s10+s3] =	stream.linear.scatter [tilespmem:s16], [sflag:$0x7], $0x2800, $0x38;
	[tilespmem:$0x1E500] =	vst v63  }
0x75: {  	_ =	swait.ge [sflag:s12], $0x2800  }
0x76: {  	[sflag:s12] =	ssyncset.done $0x0  }
0x77: {  	[sflag:s12] =	ssyncadd.s32 $0xFFFFD800  }
.LBB2_1:
0x78: {  	[tilespmem:s3], [sflag:$0x7] =	stream.linear.gather [hbm4b:s6+s3], $0x4E80, $0x38;
	[tilespmem:$0x1E500] =	vst v63  }
0x79: {  	_ =	swait.ge [sflag:s12], $0x4E80  }
0x7a: {  	[sflag:s12] =	ssyncset.done $0x0  }
0x7b: {  	[sflag:s12] =	ssyncadd.s32 $0xFFFFB180  }
0x7c: {  	[tilespmem:s13], [sflag:$0x7] =	stream.linear.gather [hbm4b:s7+s3], $0x4E80, $0x38;
	[tilespmem:$0x1E500] =	vst v63  }
0x7d: {  	_ =	swait.ge [sflag:s12], $0x4E80  }
0x7e: {  	[sflag:s12] =	ssyncset.done $0x0  }
0x7f: {  	s0 =	rddreg [dreg:$0x4];
	[sflag:s12] =	ssyncadd.s32 $0xFFFFB180  }
0x80: {  	[spmem:s15], [sflag:s14] =	dma.local [hbm:s0], $0x1400  }
0x81: {  	_ =	swait.ge [sflag:s12], $0x1400  }
0x82: {  	[sflag:s12] =	ssyncset.done $0x0  }
0x83: {  	[sflag:s12] =	ssyncadd.s32 $0xFFFFEC00  }
0x84: {  	[tilespmem:s16], [sflag:$0x7] =	stream.linear.gather [hbm4b:s5+s3], $0x2800, $0x38;
	[tilespmem:$0x1E500] =	vst v63  }
0x85: {  	_ =	swait.ge [sflag:s12], $0x2800  }
0x86: {  	[sflag:s12] =	ssyncset.done $0x0  }
0x87: {  	[sflag:s12] =	ssyncadd.s32 $0xFFFFD800  }
0x88: {  	[bflag:$0x0] =	sbarrier.arrive $0xFFFF  }
0x89: {  	[tilespmem:s18], [sflag:$0x1] =	stream.indirect.gather [hbm4b:s8+s17], $0x40, s3, s17, $0xb8;
	[tilespmem:$0x1E500] =	vst v63  }
0x8a: {  	_ = 	snop  }
0x8b: {  	[tilespmem:s19], [sflag:$0x2] =	stream.indirect.gather [hbm4b:s8+s17], $0x40, s17, s17, $0xb8;
	[tilespmem:$0x1E500] =	vst v63  }
0x8c: {  	s23 =	simm.s32 $0x100  }
0x8d: {  	[tilespmem:s21], [sflag:$0x3] =	stream.indirect.gather [hbm4b:s8+s17], $0x40, s23, s17, $0xb8;
	[tilespmem:$0x1E500] =	vst v63  }
0x8e: {  	_ =	swait.ge [sflag:s22], $0x2000  }
0x8f: {  	[sflag:s22] =	ssyncset.done $0x0  }
0x90: {  	[sflag:s22] =	ssyncadd.s32 $0xFFFFE000  }
0x91: {  	[spmem:s2] =	stream.indirect.scatter.add.f32 [tilespmem:s18], [sflag:$0x5], $0x40, s13, s17, $0xb8;
	[tilespmem:$0x1E500] =	vst v63  }
0x92: {  	s30 =	simm.s32 $0x180  }
0x93: {  	[tilespmem:s24], [sflag:$0x4] =	stream.indirect.gather [hbm4b:s8+s17], $0x40, s30, s17, $0xb8;
	[tilespmem:$0x1E500] =	vst v63  }
0x94: {  	v1 =	vld @!p0 [tilespmem:$0x4E80];
	_ =	sdelay $0x6  }
0x95: {  	v2 =	vimm.f32 @!p0 $1.000000000e+00;
	s0 =	simm.s32 @!p0 $0x1BD00  }
0x96: {  	[tilespmem:v1+s0+$0x0] =	vst.idx.add.f32.msk @!p0 $0xffff, v2  }
0x97: {  	v1 =	vld @!p0 [tilespmem:$0x4E90];
	_ =	sdelay $0x7  }
0x98: {  	[tilespmem:v1+s0+$0x0] =	vst.idx.add.f32.msk @!p0 $0xffff, v2  }
0x99: {  	v1 =	vld @!p0 [tilespmem:$0x4EA0];
	_ =	sdelay $0x7  }
0x9a: {  	[tilespmem:v1+s0+$0x0] =	vst.idx.add.f32.msk @!p0 $0xffff, v2  }
0x9b: {  	v1 =	vld @!p0 [tilespmem:$0x4EB0];
	_ =	sdelay $0x7  }
0x9c: {  	[tilespmem:v1+s0+$0x0] =	vst.idx.add.f32.msk @!p0 $0xffff, v2  }
0x9d: {  	v1 =	vld @!p0 [tilespmem:$0x4EC0];
	_ =	sdelay $0x7  }
0x9e: {  	[tilespmem:v1+s0+$0x0] =	vst.idx.add.f32.msk @!p0 $0xffff, v2  }
0x9f: {  	v1 =	vld @!p0 [tilespmem:$0x4ED0];
	_ =	sdelay $0x7  }
0xa0: {  	[tilespmem:v1+s0+$0x0] =	vst.idx.add.f32.msk @!p0 $0xffff, v2  }
0xa1: {  	v1 =	vld @!p0 [tilespmem:$0x4EE0];
	_ =	sdelay $0x7  }
0xa2: {  	[tilespmem:v1+s0+$0x0] =	vst.idx.add.f32.msk @!p0 $0xffff, v2  }
0xa3: {  	v1 =	vld @!p0 [tilespmem:$0x4EF0];
	_ =	sdelay $0x3  }
.Ltmp2:
0xa4: {  	_ = 	snop;
	(pc) =	sbr.rel .LBB2_2-.Ltmp2, $2  }
0xa5: {  	_ =	sdelay $0x2  }
0xa6: {  	s20 =	simm.s32 $0x4F00;
	s23 =	simm.s32 $0x1;
	[tilespmem:v1+s0+$0x0] =	vst.idx.add.f32.msk @!p0 $0xffff, v2;
	s0 =	simm.s32 $0x200  }
.LBB2_9:
0xa7: {  	v1 =	vld [tilespmem:s20+$0x0];
	_ =	sdelay $0x7  }
0xa8: {  	[tilespmem:v1+s16+$0x0] =	vst.idx.add.f32.msk $0xffff, v0  }
0xa9: {  	v1 =	vld [tilespmem:s20+$0x10];
	_ =	sdelay $0x7  }
0xaa: {  	[tilespmem:v1+s16+$0x0] =	vst.idx.add.f32.msk $0xffff, v0  }
0xab: {  	v1 =	vld [tilespmem:s20+$0x20];
	_ =	sdelay $0x7  }
0xac: {  	[tilespmem:v1+s16+$0x0] =	vst.idx.add.f32.msk $0xffff, v0  }
0xad: {  	v1 =	vld [tilespmem:s20+$0x30];
	_ =	sdelay $0x7  }
0xae: {  	[tilespmem:v1+s16+$0x0] =	vst.idx.add.f32.msk $0xffff, v0  }
0xaf: {  	v1 =	vld [tilespmem:s20+$0x40];
	_ =	sdelay $0x7  }
0xb0: {  	[tilespmem:v1+s16+$0x0] =	vst.idx.add.f32.msk $0xffff, v0  }
0xb1: {  	v1 =	vld [tilespmem:s20+$0x50];
	_ =	sdelay $0x7  }
0xb2: {  	[tilespmem:v1+s16+$0x0] =	vst.idx.add.f32.msk $0xffff, v0  }
0xb3: {  	v1 =	vld [tilespmem:s20+$0x60];
	_ =	sdelay $0x7  }
0xb4: {  	[tilespmem:v1+s16+$0x0] =	vst.idx.add.f32.msk $0xffff, v0  }
0xb5: {  	v1 =	vld [tilespmem:s20+$0x70];
	_ =	sdelay $0x7  }
0xb6: {  	[tilespmem:v1+s16+$0x0] =	vst.idx.add.f32.msk $0xffff, v0  }
.LBB2_10:
0xb7: {  	s23 =	sadd.s32 $0x1, s23  }
0xb8: {  	p2 =	sne.s32 s23, $0x9A  }
.Ltmp3:
0xb9: {  	_ = 	snop;
	(pc) =	sbr.rel @!p2 .LBB2_11-.Ltmp3, $2  }
0xba: {  	_ =	sdelay $0x2  }
0xbb: {  	s0 =	sadd.s32 $0x80, s0;
	s20 =	sadd.s32 $0x80, s20  }
.LBB2_2:
0xbc: {  	s30 =	sand.u32 $0x3, s23  }
0xbd: {  	p2 =	sgt.s32 s30, $0x1  }
.Ltmp4:
0xbe: {  	_ = 	snop;
	(pc) =	sbr.rel @p2 .LBB2_7-.Ltmp4, $1  }
0xbf: {  	_ =	sdelay $0x3  }
0xc0: {  	p2 =	seq.s32 s30, $0x0  }
.Ltmp5:
0xc1: {  	_ = 	snop;
	(pc) =	sbr.rel @!p2 .LBB2_5-.Ltmp5, $1  }
0xc2: {  	_ =	sdelay $0x3  }
0xc3: {  	_ =	swait.ge [sflag:s22], $0x2000  }
0xc4: {  	[sflag:s22] =	ssyncset.done $0x0  }
0xc5: {  	[sflag:s22] =	ssyncadd.s32 $0xFFFFE000  }
0xc6: {  	[spmem:s2] =	stream.indirect.scatter.add.f32 [tilespmem:s18], [sflag:$0x5], $0x40, s20, s17, $0xb8;
	[tilespmem:$0x1E500] =	vst v63  }
.Ltmp6:
0xc7: {  	_ = 	snop;
	(pc) =	sbr.rel @p1 .LBB2_9-.Ltmp6, $4  }
.Ltmp7:
0xc8: {  	_ =	swait.ge [sflag:s25], $0x2000;
	(pc) =	sbr.rel @!p1 .LBB2_10-.Ltmp7, $4  }
0xc9: {  	[sflag:s25] =	ssyncset.done $0x0  }
0xca: {  	[sflag:s25] =	ssyncadd.s32 $0xFFFFE000  }
0xcb: {  	[tilespmem:s24], [sflag:$0x4] =	stream.indirect.gather [hbm4b:s8+s17], $0x40, s0, s17, $0xb8;
	[tilespmem:$0x1E500] =	vst v63  }
0xcc: {  	_ = 	snop  }
.LBB2_7:
0xcd: {  	p2 =	seq.s32 s30, $0x2  }
.Ltmp8:
0xce: {  	_ = 	snop;
	(pc) =	sbr.rel @!p2 .LBB2_8-.Ltmp8, $1  }
0xcf: {  	_ =	sdelay $0x3  }
0xd0: {  	_ =	swait.ge [sflag:s29], $0x2000  }
0xd1: {  	[sflag:s29] =	ssyncset.done $0x0  }
0xd2: {  	[sflag:s29] =	ssyncadd.s32 $0xFFFFE000  }
0xd3: {  	[spmem:s2] =	stream.indirect.scatter.add.f32 [tilespmem:s21], [sflag:$0x5], $0x40, s20, s17, $0xb8;
	[tilespmem:$0x1E500] =	vst v63  }
.Ltmp9:
0xd4: {  	_ = 	snop;
	(pc) =	sbr.rel @p1 .LBB2_9-.Ltmp9, $4  }
.Ltmp10:
0xd5: {  	_ =	swait.ge [sflag:s25], $0x2000;
	(pc) =	sbr.rel @!p1 .LBB2_10-.Ltmp10, $4  }
0xd6: {  	[sflag:s25] =	ssyncset.done $0x0  }
0xd7: {  	[sflag:s25] =	ssyncadd.s32 $0xFFFFE000  }
0xd8: {  	[tilespmem:s19], [sflag:$0x2] =	stream.indirect.gather [hbm4b:s8+s17], $0x40, s0, s17, $0xb8;
	[tilespmem:$0x1E500] =	vst v63  }
0xd9: {  	_ = 	snop  }
.LBB2_5:
0xda: {  	_ =	swait.ge [sflag:s26], $0x2000  }
0xdb: {  	[sflag:s26] =	ssyncset.done $0x0  }
0xdc: {  	[sflag:s26] =	ssyncadd.s32 $0xFFFFE000  }
0xdd: {  	[spmem:s2] =	stream.indirect.scatter.add.f32 [tilespmem:s19], [sflag:$0x6], $0x40, s20, s17, $0xb8;
	[tilespmem:$0x1E500] =	vst v63  }
.Ltmp11:
0xde: {  	_ = 	snop;
	(pc) =	sbr.rel @p1 .LBB2_10-.Ltmp11, $4  }
.Ltmp12:
0xdf: {  	_ =	swait.ge [sflag:s28], $0x2000;
	(pc) =	sbr.rel @!p1 .LBB2_9-.Ltmp12, $4  }
0xe0: {  	[sflag:s28] =	ssyncset.done $0x0  }
0xe1: {  	[sflag:s28] =	ssyncadd.s32 $0xFFFFE000  }
0xe2: {  	[tilespmem:s18], [sflag:$0x1] =	stream.indirect.gather [hbm4b:s8+s17], $0x40, s0, s17, $0xb8;
	[tilespmem:$0x1E500] =	vst v63  }
0xe3: {  	_ = 	snop  }
.LBB2_8:
0xe4: {  	_ =	swait.ge [sflag:s31], $0x2000  }
0xe5: {  	[sflag:s31] =	ssyncset.done $0x0  }
0xe6: {  	[sflag:s31] =	ssyncadd.s32 $0xFFFFE000  }
0xe7: {  	[spmem:s2] =	stream.indirect.scatter.add.f32 [tilespmem:s24], [sflag:$0x6], $0x40, s20, s17, $0xb8;
	[tilespmem:$0x1E500] =	vst v63  }
.Ltmp13:
0xe8: {  	_ = 	snop;
	(pc) =	sbr.rel @p1 .LBB2_10-.Ltmp13, $4  }
.Ltmp14:
0xe9: {  	_ =	swait.ge [sflag:s28], $0x2000;
	(pc) =	sbr.rel @!p1 .LBB2_9-.Ltmp14, $4  }
0xea: {  	[sflag:s28] =	ssyncset.done $0x0  }
0xeb: {  	[sflag:s28] =	ssyncadd.s32 $0xFFFFE000  }
0xec: {  	[tilespmem:s21], [sflag:$0x3] =	stream.indirect.gather [hbm4b:s8+s17], $0x40, s0, s17, $0xb8;
	[tilespmem:$0x1E500] =	vst v63  }
0xed: {  	_ = 	snop  }
.LBB2_12:
0xee: {  	_ =	sfence.sel $0x180000  }
0xef: {  	[bflag:$0x0] =	sbarrier.arrive $0xFFFF  }
0xf0: {  	_ =	strace $0x90000047  }
0xf1: {  	s0 =	stileid.u32;
	[bflag:$0x2] =	sbarrier.arrive $0xFFFF  }
0xf2: {  	p0 =	sne.s32 s0, $0x0;
	s0 =	rddreg [dreg:$0x3]  }
0xf3: {  	s0 =	sadd.s32 @!p0 $0x100000, s0  }
0xf4: {  	[sflag:s0] =	ssyncadd.tile.s32 @!p0 $0x1;
	_ =	shalt  }
.Lfunc_end2:
_tile_overlayer_lowered:
.L_overlay_start_2:
0xf5: {  	(tag) =	ssettag $0x2  }
0xf6: {  	s0 =	rddreg [dreg:$0x0];
	s2 =	stileid.u32  }
0xf7: {  	s1 =	rddreg [dreg:$0x1];
	p0 =	sne.s32 s2, $0x0  }
0xf8: {  	s3 =	rddreg [dreg:$0x2];
	[bflag:$0x3] =	sbarrier.arrive $0xFFFF;
	s2 =	simm.s32 @!p0 $0x1C07  }
0xf9: {  	[timem:s3], [sflag:s2] =	dma.local @!p0 [hbm:s0], s1  }
0xfa: {  	s0 =	simm.s32 @!p0 $0x7  }
0xfb: {  	_ =	swait.ge @!p0 [sflag:s0], s1  }
0xfc: {  	s1 =	ssub.s32 @!p0 $0x0, s1;
	[sflag:s0] =	ssyncset.done @!p0 $0x0  }
0xfd: {  	[sflag:s0] =	ssyncadd.s32 @!p0 s1  }
0xfe: {  	[bflag:$0x3] =	sbarrier.arrive $0xFFFF  }
0xff: {  	_ =	shalt  }

// kernel: kernel.9.cloned.1.call-start
scs
__scs_entry_jumppad:
0x0: {  	(pc) =	sbr.rel $0x88, $3  }
0x1: {  	(tag) =	ssettag $0x0;
	lr =	simm.s32 $0x1  }
0x2: {  	[smem:$0x3F99] =	sst lr;
	_ =	strace $0xD0000000  }
0x3: {  	_ = 	snop  }
0x4: {  	_ = 	snop  }
0x5: {  	_ = 	snop  }
0x6: {  	_ = 	snop  }
0x7: {  	_ = 	snop  }
__scs_overlays_trampoline_lowered:
0x8: {  	[smem:$0x3FA8] =	sst s0  }
0x9: {  	[smem:$0x3FA9] =	sst s1  }
0xa: {  	[smem:$0x3FAA] =	sst s2  }
0xb: {  	[smem:$0x3FAB] =	sst s3  }
0xc: {  	[smem:$0x3FAC] =	sst s4  }
0xd: {  	[smem:$0x3FAD] =	sst s5  }
0xe: {  	[smem:$0x3FAE] =	sst s6  }
0xf: {  	[smem:$0x3FAF] =	sst s7  }
0x10: {  	[smem:$0x3FB0] =	sst s8  }
0x11: {  	[smem:$0x3FB1] =	sst s9;
	s0 =	simm.s32 @!p0 $0x0  }
0x12: {  	s1 =	sld [smem:$0x3F97];
	s0 =	simm.s32 @p0 $0x1  }
0x13: {  	[smem:$0x3FB2] =	sst s0;
	s0 =	simm.s32 @!p1 $0x0  }
0x14: {  	s2 =	sld [smem:$0x3F96];
	s0 =	simm.s32 @p1 $0x1  }
0x15: {  	[smem:$0x3FB3] =	sst s0;
	s0 =	simm.s32 @!p2 $0x0  }
0x16: {  	s3 =	sld [smem:$0x3FDB];
	s0 =	simm.s32 @p2 $0x1  }
0x17: {  	s4 =	simm.s32 $0x1BF5;
	[smem:$0x3FB5] =	sst s0  }
0x18: {  	s0 =	sld [smem:$0x3F98];
	_ =	swait.ge [sflag:s4], $0x0  }
0x19: {  	s7 =	sld [smem:$0x3F99]  }
0x1a: {  	s8 =	sadd.s32 $0xFFFFE003, lr  }
0x1b: {  	s9 =	sadd.s32 $0xFFFFFEF7, lr;
	s5 =	simm.s32 $0xFFFFFFFF;
	p2 =	slt.u32 s8, $0xFFFFF086  }
0x1c: {  	p1 =	slt.u32 s9, $0xF7A;
	s5 =	simm.s32 @!p2 $0x0  }
0x1d: {  	s5 =	simm.s32 @p1 $0x1;
	p0 =	seq.s32 s7, s2  }
0x1e: {  	s7 =	smul.u32 @!p0 $0xF7A, s2;
	p2 =	seq.s32 @!p0 s5, $0x0  }
0x1f: {  	s9 =	smul.u32 $0xF7A, s1;
	s8 =	simm.s32 @!p0 $0x1BF5;
	p2 =	por !p2, p0  }
0x20: {  	[sflag:s8] =	ssyncset.s32 @!p0 $0xFFFFF086;
	s6 =	sadd.s32 @!p0 s3, s7;
	s7 =	simm.s32 @!p0 $0x108  }
0x21: {  	s3 =	sadd.s32 s3, s9;
	s6 =	sadd.s32 @!p0 $0x88, s6;
	s7 =	simm.s32 @p2 $0x1082  }
0x22: {  	[simem:s7], [sflag:s8] =	dma.local @!p0 [hbm:s6], $0xF7A  }
0x23: {  	s9 =	sor.u32 $0xD0000000, s2;
	s6 =	simm.s32 $0x108;
	_ =	swait.ge @!p0 [sflag:s8], $0x0  }
0x24: {  	s3 =	sadd.s32 $0x88, s3;
	s6 =	simm.s32 @!p1 $0x1082;
	[sflag:s4] =	ssyncset.s32 $0xFFFFF086  }
0x25: {  	[simem:s6], [sflag:s4] =	dma.local [hbm:s3], $0xF7A  }
0x26: {  	[smem:$0x3F99] =	sst s1;
	(tag) =	ssettag s2;
	_ =	strace s9  }
0x27: {  	s1 =	sld [smem:$0x3FA9]  }
0x28: {  	s2 =	sld [smem:$0x3FAA]  }
0x29: {  	s4 =	sld [smem:$0x3FAC]  }
0x2a: {  	p0 =	seq.s32 s5, $0x0;
	s5 =	sld [smem:$0x3FAD]  }
0x2b: {  	s6 =	sld [smem:$0x3FAE]  }
0x2c: {  	s7 =	sld [smem:$0x3FAF]  }
0x2d: {  	s3 =	simm.s32 $0x108;
	s8 =	sld [smem:$0x3FB0]  }
0x2e: {  	s3 =	simm.s32 @!p0 $0x1082;
	s9 =	sld [smem:$0x3FB1]  }
0x2f: {  	lr =	sadd.s32 s0, s3;
	s0 =	sld [smem:$0x3FA8]  }
0x30: {  	s3 =	sld [smem:$0x3FAB]  }
0x31: {  	[smem:$0x3FB4] =	sst s10  }
0x32: {  	s10 =	sld [smem:$0x3FB2];
	_ =	sdelay $0x3  }
0x33: {  	p0 =	seq.s32 s10, $0x1;
	s10 =	sld [smem:$0x3FB4];
	_ =	sdelay $0x3  }
0x34: {  	[smem:$0x3FB4] =	sst s10  }
0x35: {  	s10 =	sld [smem:$0x3FB3];
	_ =	sdelay $0x3  }
0x36: {  	p1 =	seq.s32 s10, $0x1;
	s10 =	sld [smem:$0x3FB4];
	_ =	sdelay $0x3  }
0x37: {  	[smem:$0x3FB4] =	sst s10  }
0x38: {  	s10 =	sld [smem:$0x3FB5]  }
0x39: {  	_ = 	snop;
	(pc) =	sbr.ind lr, $3  }
0x3a: {  	_ = 	snop  }
0x3b: {  	_ = 	snop  }
0x3c: {  	p2 =	seq.s32 s10, $0x1;
	s10 =	sld [smem:$0x3FB4]  }
0x3d: {  	_ =	shalt  }
0x3e: {  	_ =	shalt  }
0x3f: {  	_ =	shalt  }
0x40: {  	_ =	shalt  }
0x41: {  	_ =	shalt  }
0x42: {  	_ =	shalt  }
0x43: {  	_ =	shalt  }
0x44: {  	_ =	shalt  }
0x45: {  	_ =	shalt  }
0x46: {  	_ =	shalt  }
0x47: {  	_ =	shalt  }
0x48: {  	_ =	shalt  }
0x49: {  	_ =	shalt  }
0x4a: {  	_ =	shalt  }
0x4b: {  	_ =	shalt  }
0x4c: {  	_ =	shalt  }
0x4d: {  	_ =	shalt  }
0x4e: {  	_ =	shalt  }
0x4f: {  	_ =	shalt  }
0x50: {  	_ =	shalt  }
0x51: {  	_ =	shalt  }
0x52: {  	_ =	shalt  }
0x53: {  	_ =	shalt  }
0x54: {  	_ =	shalt  }
0x55: {  	_ =	shalt  }
0x56: {  	_ =	shalt  }
0x57: {  	_ =	shalt  }
0x58: {  	_ =	shalt  }
0x59: {  	_ =	shalt  }
0x5a: {  	_ =	shalt  }
0x5b: {  	_ =	shalt  }
0x5c: {  	_ =	shalt  }
0x5d: {  	_ =	shalt  }
0x5e: {  	_ =	shalt  }
0x5f: {  	_ =	shalt  }
0x60: {  	_ =	shalt  }
0x61: {  	_ =	shalt  }
0x62: {  	_ =	shalt  }
0x63: {  	_ =	shalt  }
0x64: {  	_ =	shalt  }
0x65: {  	_ =	shalt  }
0x66: {  	_ =	shalt  }
0x67: {  	_ =	shalt  }
0x68: {  	_ =	shalt  }
0x69: {  	_ =	shalt  }
0x6a: {  	_ =	shalt  }
0x6b: {  	_ =	shalt  }
0x6c: {  	_ =	shalt  }
0x6d: {  	_ =	shalt  }
0x6e: {  	_ =	shalt  }
0x6f: {  	_ =	shalt  }
0x70: {  	_ =	shalt  }
0x71: {  	_ =	shalt  }
0x72: {  	_ =	shalt  }
0x73: {  	_ =	shalt  }
0x74: {  	_ =	shalt  }
0x75: {  	_ =	shalt  }
0x76: {  	_ =	shalt  }
0x77: {  	_ =	shalt  }
0x78: {  	_ =	shalt  }
0x79: {  	_ =	shalt  }
0x7a: {  	_ =	shalt  }
0x7b: {  	_ =	shalt  }
0x7c: {  	_ =	shalt  }
0x7d: {  	_ =	shalt  }
0x7e: {  	_ =	shalt  }
0x7f: {  	_ =	shalt  }
0x80: {  	_ =	shalt  }
0x81: {  	_ =	shalt  }
0x82: {  	_ =	shalt  }
0x83: {  	_ =	shalt  }
0x84: {  	_ =	shalt  }
0x85: {  	_ =	shalt  }
0x86: {  	_ =	shalt  }
0x87: {  	_ =	shalt  }
.Lfunc_end0:
.L_simem_size_0:
called_computation.1_lowered:
.L_overlay_start_0:
0x88: {  	s2 =	sld [smem:$0x3FD9]  }
0x89: {  	s3 =	sld [smem:$0x3FFE];
	_ =	sdelay $0x1  }
0x8a: {  	s1 =	srdreg.scid  }
0x8b: {  	s0 =	sand.u32 $0x1, s1  }
0x8c: {  	s17 =	sshll.u32 s0, $0xA;
	s2 =	sadd.s32 s3, s2  }
0x8d: {  	s2 =	sadd.s32 s2, s17  }
0x8e: {  	[smem:$0x3FC0] =	sst s2  }
0x8f: {  	_ = 	snop  }
0x90: {  	s2 =	sld [smem:$0x3FD0];
	(tm) =	ssettm $0x1  }
0x91: {  	s18 =	sld [smem:$0x3FFB];
	_ =	sdelay $0x3  }
0x92: {  	_ =	strace s18  }
0x93: {  	s3 =	sld [smem:$0x3FFC];
	_ =	sdelay $0x3  }
0x94: {  	_ =	strace s3  }
0x95: {  	s3 =	sld [smem:$0x3FFD];
	_ =	sdelay $0x3  }
0x96: {  	_ =	strace s3  }
0x97: {  	_ =	strace $0x8FFFFFFF  }
0x98: {  	s19 =	sld [smem:$0x3FDB];
	_ =	sdelay $0x1  }
0x99: {  	s4 =	simm.s32 $_scs_section_size  }
0x9a: {  	s5 =	simm.s32 $_size__tile_overlayer_lowered;
	s6 =	simm.s32 $_tile_overlayer_lowered  }
0x9b: {  	s22 =	simm.s32 $0x1BFF;
	s21 =	sshll.u32 s6, $0x1;
	s3 =	sadd.s32 s4, s19  }
0x9c: {  	s7 =	simm.s32 $0x0;
	s20 =	sshll.u32 s5, $0x1;
	s5 =	sadd.s32 s21, s3  }
0x9d: {  	[timem:s7], [sflag:s22] =	dma.local [hbm:s5], s20  }
0x9e: {  	_ =	swait.ge [sflag:s22], s20  }
0x9f: {  	s4 =	ssub.s32 $0x0, s20;
	[sflag:s22] =	ssyncset.done $0x0  }
0xa0: {  	[sflag:s22] =	ssyncadd.s32 s4;
	_ =	sdelay $0x1  }
0xa1: {  	s23 =	simm.s32 $0x1B8B  }
0xa2: {  	_ =	swait.ge [sflag:s23], $0x1  }
0xa3: {  	[sflag:s23] =	ssyncset.done $0x0  }
0xa4: {  	s25 =	simm.s32 $0x1B8E;
	s24 =	sld [smem:$0x3FFE];
	[sflag:s23] =	ssyncadd.s32 $0xFFFFFFFF  }
0xa5: {  	s26 =	simm.s32 $execute0_lowered;
	[smem:$0x3FD2] =	sst s25  }
0xa6: {  	s5 =	sshll.u32 s26, $0x1;
	_ =	strace $0x80000049;
	[dreg:$0x1] =	wrdreg $0xFFFFFFFF  }
0xa7: {  	s28 =	simm.s32 $_size_execute0_lowered;
	s3 =	sadd.s32 s3, s5;
	[dreg:$0x0] =	wrdreg $0x0  }
0xa8: {  	s5 =	sshll.u32 s28, $0x1;
	[dreg:$0x2] =	wrdreg s3  }
0xa9: {  	[dreg:$0x3] =	wrdreg s5  }
0xaa: {  	[dreg:$0x4] =	wrdreg $0xC0  }
0xab: {  	_ =	task [dreg:s7], $0x5FFFF  }
0xac: {  	[dreg:$0x1] =	wrdreg $0xFFFFFFFF  }
0xad: {  	[dreg:$0x0] =	wrdreg $0x60  }
0xae: {  	[dreg:$0x2] =	wrdreg s2  }
0xaf: {  	[dreg:$0x3] =	wrdreg s24  }
0xb0: {  	[dreg:$0x4] =	wrdreg $0x11D000  }
0xb1: {  	[dreg:$0x5] =	wrdreg $0x9  }
0xb2: {  	_ =	task.clear_ibuf [dreg:s7], $0x6FFFF;
	_ =	strace $0x90000049  }
0xb3: {  	s29 =	simm.s32 $0x9;
	_ =	strace $0x8000004B  }
0xb4: {  	_ =	swait.ge [sflag:s29], $0x1  }
0xb5: {  	[sflag:s29] =	ssyncadd.s32 $0xFFFFFFFF  }
0xb6: {  	_ =	strace $0x9000004B  }
0xb7: {  	_ =	sfence  }
0xb8: {  	s30 =	sld [smem:$0x0];
	_ =	sdelay $0x2  }
0xb9: {  	s31 =	sshll.u32 s1, $0xD;
	s1 =	sshrl.u32 s1, $0x2  }
0xba: {  	s3 =	sand.u32 $0x4000, s31;
	s1 =	sadd.s32 s1, s30  }
0xbb: {  	s0 =	sor.u32 s3, s0;
	s1 =	sshll.u32 s1, $0x11  }
0xbc: {  	s0 =	sor.u32 s1, s0  }
0xbd: {  	s0 =	sadd.s32 $0x8F2B, s0  }
0xbe: {  	[sflag:s0] =	ssyncadd.remote.s32 $0x1  }
0xbf: {  	_ =	sfence.sel $0xFFFF  }
0xc0: {  	[dreg:$0x0] =	wrdreg $0xFFFFFFFF;
	(pc) =	sbr.abs _section_cstart, $3  }
0xc1: {  	[dreg:$0x1] =	wrdreg $0xFFFFFFFF  }
0xc2: {  	_ =	task.clear_ibuf [dreg:s7], $0x2FFFF;
	_ =	strace $0x9FFFFFFF  }
0xc3: {  	(tm) =	ssettm $0x7FFFFFFF  }
tec
execute0_lowered:
.L_overlay_start_1:
0x0: {  	(tag) =	ssettag $0x1  }
0x1: {  	s1 =	rddreg [dreg:$0x0]  }
0x2: {  	s5 =	rddreg [dreg:$0x1];
	s0 =	stileid.u32  }
0x3: {  	s3 =	srdreg.scid;
	s2 =	rddreg [dreg:$0x2];
	s14 =	simm.s32 $0x80  }
0x4: {  	s15 =	simm.s32 $0x9D00;
	s18 =	simm.s32 $0xDD00;
	s19 =	simm.s32 $0x180  }
0x5: {  	s20 =	simm.s32 $0xFD00;
	s21 =	simm.s32 $0x6;
	s22 =	simm.s32 $0x3  }
0x6: {  	s23 =	simm.s32 $0x9B80;
	s24 =	simm.s32 $0x4;
	s25 =	simm.s32 $0x9C00  }
0x7: {  	s26 =	simm.s32 $0x1;
	s28 =	simm.s32 $0x9C80;
	s4 =	smul.u32 $0x9D0, s0  }
0x8: {  	s29 =	simm.s32 $0x0;
	s6 =	sand.u32 $0x1, s3;
	s7 =	smul.u32 $0xA000, s0  }
0x9: {  	s3 =	simm.s32 $0x0;
	s31 =	sshll.u32 s0, $0x6;
	s8 =	smul.u32 $0xA0000, s6  }
0xa: {  	[smem:$0x7FF] =	sst s3;
	s10 =	ssub.s32 $0x2, s6;
	s11 =	smul.u32 $0x13880, s6  }
0xb: {  	s12 =	sor.u32 $0x1C07, s31;
	_ =	strace $0x8000004A;
	s9 =	sadd.s32 s4, s5  }
0xc: {  	s4 =	sadd.s32 $0x16200, s5;
	s30 =	sshrl.u32 s10, $0x1;
	s13 =	sadd.s32 s7, s2  }
0xd: {  	s8 =	sadd.s32 s7, s8;
	s10 =	ssub.s32 s10, s30;
	s6 =	sadd.s32 $0x2000, s9  }
0xe: {  	s7 =	sadd.s32 s1, s11;
	s11 =	simm.s32 $0x4E80;
	s8 =	sshrl.u32 s8, $0x3  }
0xf: {  	s13 =	sshrl.u32 s13, $0x3;
	s8 =	sadd.s32 s8, s5;
	s5 =	sadd.s32 $0xBE00, s9  }
0x10: {  	s9 =	smax.u32 s10, $0x1;
	s10 =	simm.s32 $0x7;
	s8 =	sadd.s32 $0x65800, s8  }
.LBB2_1:
0x11: {  	[tilespmem:s3], [sflag:$0x7] =	stream.linear.gather [hbm4b:s5+s3], $0x4E80, $0x38;
	[tilespmem:$0x1BD00] =	vst v63  }
0x12: {  	_ =	swait.ge [sflag:s10], $0x4E80  }
0x13: {  	[sflag:s10] =	ssyncset.done $0x0  }
0x14: {  	[sflag:s10] =	ssyncadd.s32 $0xFFFFB180  }
0x15: {  	[tilespmem:s11], [sflag:$0x7] =	stream.linear.gather [hbm4b:s6+s3], $0x4E80, $0x38;
	[tilespmem:$0x1BD00] =	vst v63  }
0x16: {  	_ =	swait.ge [sflag:s10], $0x4E80  }
0x17: {  	[sflag:s10] =	ssyncset.done $0x0  }
0x18: {  	[sflag:s10] =	ssyncadd.s32 $0xFFFFB180  }
0x19: {  	[spmem:s13], [sflag:s12] =	dma.local [hbm:s4], $0x1400  }
0x1a: {  	_ =	swait.ge [sflag:s10], $0x1400  }
0x1b: {  	[sflag:s10] =	ssyncset.done $0x0  }
0x1c: {  	[sflag:s10] =	ssyncadd.s32 $0xFFFFEC00  }
0x1d: {  	[bflag:$0x0] =	sbarrier.arrive $0xFFFF  }
0x1e: {  	[tilespmem:s15], [sflag:$0x1] =	stream.indirect.gather [hbm4b:s7+s14], $0x40, s3, s14, $0xb8;
	[tilespmem:$0x1BD00] =	vst v63  }
0x1f: {  	s0 =	simm.s32 $0xBD00  }
0x20: {  	[tilespmem:s0], [sflag:$0x2] =	stream.indirect.gather [hbm4b:s7+s14], $0x40, s14, s14, $0xb8;
	[tilespmem:$0x1BD00] =	vst v63  }
0x21: {  	s17 =	simm.s32 $0x100  }
0x22: {  	[tilespmem:s18], [sflag:$0x3] =	stream.indirect.gather [hbm4b:s7+s14], $0x40, s17, s14, $0xb8;
	[tilespmem:$0x1BD00] =	vst v63  }
0x23: {  	_ =	swait.ge [sflag:s26], $0x2000  }
0x24: {  	[sflag:s26] =	ssyncset.done $0x0  }
0x25: {  	[sflag:s26] =	ssyncadd.s32 $0xFFFFE000  }
0x26: {  	[spmem:s2] =	stream.indirect.scatter.add.f32 [tilespmem:s15], [sflag:$0x5], $0x40, s11, s14, $0xb8;
	[tilespmem:$0x1BD00] =	vst v63  }
0x27: {  	s30 =	simm.s32 $0x200;
	s31 =	simm.s32 $0x4F00;
	s1 =	simm.s32 $0x1  }
0x28: {  	[tilespmem:s20], [sflag:$0x4] =	stream.indirect.gather [hbm4b:s7+s14], $0x40, s19, s14, $0xb8;
	[tilespmem:$0x1BD00] =	vst v63  }
.LBB2_2:
0x29: {  	s0 =	sand.u32 $0x3, s1  }
0x2a: {  	p0 =	sgt.s32 s0, $0x1  }
0x2b: {  	p1 =	seq.s32 @p0 s0, $0x2  }
0x2c: {  	p2 =	por !p1, !p0  }
0x2d: {  	s16 =	simm.s32 @!p2 $0x3  }
0x2e: {  	_ =	swait.ge @!p2 [sflag:s16], $0x2000  }
0x2f: {  	[sflag:s16] =	ssyncset.done @!p2 $0x0  }
0x30: {  	s17 =	simm.s32 @!p2 $0xDD00;
	[sflag:s16] =	ssyncadd.s32 @!p2 $0xFFFFE000;
	s16 =	simm.s32 @!p2 $0x80  }
0x31: {  	[spmem:s2] =	stream.indirect.scatter.add.f32 @!p2 [tilespmem:s17], [sflag:$0x5], $0x40, s31, s16, $0xb8;
	[tilespmem:$0x1BD00] =	vst v63  }
0x32: {  	s17 =	simm.s32 @!p2 $0x6  }
0x33: {  	_ =	swait.ge @!p2 [sflag:s17], $0x2000  }
0x34: {  	[sflag:s17] =	ssyncset.done @!p2 $0x0  }
0x35: {  	p1 =	por p1, !p0;
	[sflag:s17] =	ssyncadd.s32 @!p2 $0xFFFFE000;
	s17 =	simm.s32 @!p2 $0xBD00  }
0x36: {  	[tilespmem:s17], [sflag:$0x2] =	stream.indirect.gather @!p2 [hbm4b:s7+s16], $0x40, s30, s16, $0xb8;
	[tilespmem:$0x1BD00] =	vst v63  }
0x37: {  	s16 =	simm.s32 @!p1 $0x4  }
0x38: {  	_ =	swait.ge @!p1 [sflag:s16], $0x2000  }
0x39: {  	[sflag:s16] =	ssyncset.done @!p1 $0x0  }
0x3a: {  	s17 =	simm.s32 @!p1 $0xFD00;
	[sflag:s16] =	ssyncadd.s32 @!p1 $0xFFFFE000;
	s16 =	simm.s32 @!p1 $0x80  }
0x3b: {  	[spmem:s2] =	stream.indirect.scatter.add.f32 @!p1 [tilespmem:s17], [sflag:$0x6], $0x40, s31, s16, $0xb8;
	[tilespmem:$0x1BD00] =	vst v63  }
0x3c: {  	s17 =	simm.s32 @!p1 $0x5  }
0x3d: {  	_ =	swait.ge @!p1 [sflag:s17], $0x2000  }
0x3e: {  	[sflag:s17] =	ssyncset.done @!p1 $0x0  }
0x3f: {  	[sflag:s17] =	ssyncadd.s32 @!p1 $0xFFFFE000;
	s17 =	simm.s32 @!p1 $0xDD00  }
0x40: {  	[tilespmem:s17], [sflag:$0x3] =	stream.indirect.gather @!p1 [hbm4b:s7+s16], $0x40, s30, s16, $0xb8;
	[tilespmem:$0x1BD00] =	vst v63  }
0x41: {  	p1 =	seq.s32 @!p0 s0, $0x0  }
0x42: {  	p2 =	por !p1, p0  }
0x43: {  	s0 =	simm.s32 @!p2 $0x1  }
0x44: {  	_ =	swait.ge @!p2 [sflag:s0], $0x2000  }
0x45: {  	[sflag:s0] =	ssyncset.done @!p2 $0x0  }
0x46: {  	s16 =	simm.s32 @!p2 $0x9D00;
	[sflag:s0] =	ssyncadd.s32 @!p2 $0xFFFFE000;
	s0 =	simm.s32 @!p2 $0x80  }
0x47: {  	[spmem:s2] =	stream.indirect.scatter.add.f32 @!p2 [tilespmem:s16], [sflag:$0x5], $0x40, s31, s0, $0xb8;
	[tilespmem:$0x1BD00] =	vst v63  }
0x48: {  	s16 =	simm.s32 @!p2 $0x6  }
0x49: {  	_ =	swait.ge @!p2 [sflag:s16], $0x2000  }
0x4a: {  	[sflag:s16] =	ssyncset.done @!p2 $0x0  }
0x4b: {  	p0 =	por p1, p0;
	[sflag:s16] =	ssyncadd.s32 @!p2 $0xFFFFE000;
	s16 =	simm.s32 @!p2 $0xFD00  }
0x4c: {  	[tilespmem:s16], [sflag:$0x4] =	stream.indirect.gather @!p2 [hbm4b:s7+s0], $0x40, s30, s0, $0xb8;
	[tilespmem:$0x1BD00] =	vst v63  }
0x4d: {  	s0 =	simm.s32 @!p0 $0x2  }
0x4e: {  	_ =	swait.ge @!p0 [sflag:s0], $0x2000  }
0x4f: {  	[sflag:s0] =	ssyncset.done @!p0 $0x0  }
0x50: {  	s16 =	simm.s32 @!p0 $0xBD00;
	[sflag:s0] =	ssyncadd.s32 @!p0 $0xFFFFE000;
	s0 =	simm.s32 @!p0 $0x80  }
0x51: {  	[spmem:s2] =	stream.indirect.scatter.add.f32 @!p0 [tilespmem:s16], [sflag:$0x6], $0x40, s31, s0, $0xb8;
	[tilespmem:$0x1BD00] =	vst v63  }
0x52: {  	s16 =	simm.s32 @!p0 $0x5  }
0x53: {  	_ =	swait.ge @!p0 [sflag:s16], $0x2000  }
0x54: {  	[sflag:s16] =	ssyncset.done @!p0 $0x0  }
0x55: {  	s1 =	sadd.s32 $0x1, s1;
	[sflag:s16] =	ssyncadd.s32 @!p0 $0xFFFFE000;
	s16 =	simm.s32 @!p0 $0x9D00  }
0x56: {  	[tilespmem:s16], [sflag:$0x1] =	stream.indirect.gather @!p0 [hbm4b:s7+s0], $0x40, s30, s0, $0xb8;
	[tilespmem:$0x1BD00] =	vst v63  }
0x57: {  	p0 =	sne.s32 s1, $0x9A  }
.Ltmp0:
0x58: {  	_ = 	snop;
	(pc) =	sbr.rel @p0 .LBB2_2-.Ltmp0, $2  }
0x59: {  	_ =	sdelay $0x2  }
0x5a: {  	s31 =	sadd.s32 $0x80, s31;
	s30 =	sadd.s32 $0x80, s30  }
0x5b: {  	_ =	swait.ge [sflag:s21], $0x2000  }
0x5c: {  	[sflag:s21] =	ssyncset.done $0x0  }
0x5d: {  	[sflag:s21] =	ssyncadd.s32 $0xFFFFE000  }
0x5e: {  	_ =	swait.ge [sflag:s22], $0x2000  }
0x5f: {  	[sflag:s22] =	ssyncset.done $0x0  }
0x60: {  	[sflag:s22] =	ssyncadd.s32 $0xFFFFE000  }
0x61: {  	[spmem:s2] =	stream.indirect.scatter.add.f32 [tilespmem:s18], [sflag:$0x7], $0x40, s23, s14, $0xb8;
	[tilespmem:$0x1BD00] =	vst v63  }
0x62: {  	_ =	swait.ge [sflag:s10], $0x2000  }
0x63: {  	[sflag:s10] =	ssyncset.done $0x0  }
0x64: {  	[sflag:s10] =	ssyncadd.s32 $0xFFFFE000  }
0x65: {  	_ =	swait.ge [sflag:s24], $0x2000  }
0x66: {  	[sflag:s24] =	ssyncset.done $0x0  }
0x67: {  	[sflag:s24] =	ssyncadd.s32 $0xFFFFE000  }
0x68: {  	[spmem:s2] =	stream.indirect.scatter.add.f32 [tilespmem:s20], [sflag:$0x7], $0x40, s25, s14, $0xb8;
	[tilespmem:$0x1BD00] =	vst v63  }
0x69: {  	_ =	swait.ge [sflag:s10], $0x2000  }
0x6a: {  	[sflag:s10] =	ssyncset.done $0x0  }
0x6b: {  	[sflag:s10] =	ssyncadd.s32 $0xFFFFE000  }
0x6c: {  	_ =	swait.ge [sflag:s26], $0x2000  }
0x6d: {  	[sflag:s26] =	ssyncset.done $0x0  }
0x6e: {  	[sflag:s26] =	ssyncadd.s32 $0xFFFFE000  }
0x6f: {  	[spmem:s2] =	stream.indirect.scatter.add.f32 [tilespmem:s15], [sflag:$0x7], $0x40, s28, s14, $0xb8;
	[tilespmem:$0x1BD00] =	vst v63  }
0x70: {  	_ =	swait.ge [sflag:s10], $0x2000  }
0x71: {  	s29 =	sadd.s32 $0x1, s29;
	[sflag:s10] =	ssyncset.done $0x0  }
0x72: {  	p0 =	sne.s32 s29, s9;
	[sflag:s10] =	ssyncadd.s32 $0xFFFFE000  }
.Ltmp1:
0x73: {  	[bflag:$0x0] =	sbarrier.arrive $0xFFFF;
	(pc) =	sbr.rel @p0 .LBB2_1-.Ltmp1, $4  }
0x74: {  	[hbm:s8], [sflag:s12] =	dma.local [spmem:s13], $0x1400  }
0x75: {  	_ =	swait.ge [sflag:s10], $0x1400  }
0x76: {  	[sflag:s10] =	ssyncset.done $0x0  }
0x77: {  	[sflag:s10] =	ssyncadd.s32 $0xFFFFEC00  }
0x78: {  	_ =	sfence.sel $0x180000  }
0x79: {  	[bflag:$0x0] =	sbarrier.arrive $0xFFFF  }
0x7a: {  	_ =	strace $0x9000004A  }
0x7b: {  	s0 =	stileid.u32;
	[bflag:$0x2] =	sbarrier.arrive $0xFFFF  }
0x7c: {  	p0 =	sne.s32 s0, $0x0;
	s0 =	rddreg [dreg:$0x3]  }
0x7d: {  	s0 =	sadd.s32 @!p0 $0x100000, s0  }
0x7e: {  	[sflag:s0] =	ssyncadd.tile.s32 @!p0 $0x1;
	_ =	shalt  }
.Lfunc_end2:
_tile_overlayer_lowered:
.L_overlay_start_2:
0x7f: {  	(tag) =	ssettag $0x2  }
0x80: {  	s0 =	rddreg [dreg:$0x0];
	s2 =	stileid.u32  }
0x81: {  	s1 =	rddreg [dreg:$0x1];
	p0 =	sne.s32 s2, $0x0  }
0x82: {  	s3 =	rddreg [dreg:$0x2];
	[bflag:$0x3] =	sbarrier.arrive $0xFFFF;
	s2 =	simm.s32 @!p0 $0x1C07  }
0x83: {  	[timem:s3], [sflag:s2] =	dma.local @!p0 [hbm:s0], s1  }
0x84: {  	s0 =	simm.s32 @!p0 $0x7  }
0x85: {  	_ =	swait.ge @!p0 [sflag:s0], s1  }
0x86: {  	s1 =	ssub.s32 @!p0 $0x0, s1;
	[sflag:s0] =	ssyncset.done @!p0 $0x0  }
0x87: {  	[sflag:s0] =	ssyncadd.s32 @!p0 s1  }
0x88: {  	[bflag:$0x3] =	sbarrier.arrive $0xFFFF  }
0x89: {  	_ =	shalt  }

</sc_bundles>
